<compile_context>
chip_gen: v7x
topology: tpu7x:2x2x1
jax: 0.10.2.dev20260603
libtpu: 0.0.44.dev20260713+nightly
codegen_flags: <defaults>
</compile_context>

<pallas_src>
import functools

import jax
import jax.numpy as jnp
from jax import lax
from jax.experimental import pallas as pl
from jax.experimental.pallas import tpu as pltpu
from jax.experimental.pallas import tpu_sc as plsc

N = 320000
S = 10000
D = 128
NLANE = 16
NVEC = D // NLANE

NW = 32
SEG_W = 320
SEG_LAST = S - (NW - 1) * SEG_W
IPTR_BUF = 344
IPTR_PAD = (NW - 1) * SEG_W + IPTR_BUF
CHUNK = 192
NBUF = 3


def _ld(ref, i):
    return ref[pl.ds(i, NLANE)][0]


HALF = CHUNK // 2


def _seg_kernel(x_hbm, iptr_hbm, out_hbm, iptr_v, buf, out_v,
                s0a, s0b, s1a, s1b, s2a, s2b):
    sems = ((s0a, s0b), (s1a, s1b), (s2a, s2b))
    wid = lax.axis_index("s") * 2 + lax.axis_index("c")
    s0 = pl.multiple_of(wid * SEG_W, 8)

    pltpu.sync_copy(iptr_hbm.at[pl.ds(s0, IPTR_BUF)], iptr_v)

    zero = jnp.zeros((NLANE,), jnp.float32)

    nseg = jnp.where(wid == NW - 1, SEG_LAST, SEG_W)
    r0 = _ld(iptr_v, 0)
    r_end = _ld(iptr_v, nseg)
    base0 = (r0 // 8) * 8
    n_chunks = (r_end - base0 + CHUNK - 1) // CHUNK

    def start_of(win):
        return pl.multiple_of(
            jnp.minimum(base0 + win * CHUNK, N - CHUNK), 8)

    def _issue(w_start, b):
        sa, sb = sems[b]
        h2 = pl.multiple_of(w_start + HALF, 8)
        pltpu.async_copy(x_hbm.at[pl.ds(w_start, HALF)],
                         buf.at[b, pl.ds(0, HALF)], sa)
        pltpu.async_copy(x_hbm.at[pl.ds(h2, HALF)],
                         buf.at[b, pl.ds(HALF, HALF)], sb)

    def _wait(w_start, b):
        sa, sb = sems[b]
        h2 = pl.multiple_of(w_start + HALF, 8)
        pltpu.make_async_copy(x_hbm.at[pl.ds(w_start, HALF)],
                              buf.at[b, pl.ds(0, HALF)], sa).wait()
        pltpu.make_async_copy(x_hbm.at[pl.ds(h2, HALF)],
                              buf.at[b, pl.ds(HALF, HALF)], sb).wait()

    @pl.when(n_chunks > 0)
    def _prime0():
        _issue(start_of(0), 0)

    @pl.when(n_chunks > 1)
    def _prime1():
        _issue(start_of(1), 1)

    def body(t, carry):
        r_cur, s, win_prev, end_prev, p_prev, *acc = carry
        adv = jnp.where(r_cur >= end_prev, 1, 0)
        win = win_prev + adv
        win_end = end_prev + adv * CHUNK
        p = jnp.where(adv == 1,
                      jnp.where(p_prev == NBUF - 1, 0, p_prev + 1),
                      p_prev)
        start = pl.multiple_of(jnp.minimum(win_end - CHUNK, N - CHUNK), 8)

        @pl.when(jnp.logical_and(adv == 1, win < n_chunks))
        def _advance():
            for q in range(NBUF):
                @pl.when(p == q)
                def _(q=q):
                    _wait(start, q)

            @pl.when(win + 2 < n_chunks)
            def _prefetch():
                nstart = start_of(win + 2)
                for q in range(NBUF):
                    @pl.when((p + 2) % NBUF == q)
                    def _(q=q):
                        _issue(nstart, q)

        seg_end = _ld(iptr_v, s + 1)
        e = jnp.minimum(jnp.minimum(seg_end, win_end), r_end)
        n_rows = e - r_cur

        def row_oct(k, ac):
            idx = r_cur + 8 * k - start
            ac = list(ac)
            for u in range(8):
                for j in range(NVEC):
                    ac[j] = ac[j] + buf[p, idx + u, pl.ds(j * NLANE, NLANE)]
            return tuple(ac)

        def row_one(i, ac):
            idx = r_cur + i - start
            return tuple(
                ac[j] + buf[p, idx, pl.ds(j * NLANE, NLANE)]
                for j in range(NVEC)
            )

        acc = lax.fori_loop(0, n_rows // 8, row_oct, tuple(acc))
        acc = lax.fori_loop(n_rows // 8 * 8, n_rows, row_one, acc)

        finished = jnp.logical_and(e >= seg_end, s < nseg)

        @pl.when(finished)
        def _flush():
            for j in range(NVEC):
                out_v[s, pl.ds(j * NLANE, NLANE)] = acc[j]

        s_next = s + jnp.where(finished, 1, 0)
        acc_next = tuple(jnp.where(finished, zero, a) for a in acc)
        return (e, s_next, win, win_end, p) + acc_next

    init = (r0, jnp.int32(0), jnp.int32(-1), base0, jnp.int32(-1)) \
        + tuple(zero for _ in range(NVEC))
    lax.fori_loop(0, n_chunks + SEG_W, body, init)

    @pl.when(wid < NW - 1)
    def _store_full():
        pltpu.sync_copy(out_v, out_hbm.at[pl.ds(s0, SEG_W)])

    @pl.when(wid == NW - 1)
    def _store_last():
        pltpu.sync_copy(out_v.at[pl.ds(0, SEG_LAST)],
                        out_hbm.at[pl.ds(s0, SEG_LAST)])


@jax.jit
def _run(x, iptr_pad):
    mesh = plsc.VectorSubcoreMesh(core_axis_name="c", subcore_axis_name="s")
    f = functools.partial(
        pl.kernel,
        mesh=mesh,
        out_type=jax.ShapeDtypeStruct((S, D), jnp.float32),
        scratch_types=[
            pltpu.VMEM((IPTR_BUF,), jnp.int32),
            pltpu.VMEM((NBUF, CHUNK, D), jnp.float32),
            pltpu.VMEM((SEG_W, D), jnp.float32),
            pltpu.SemaphoreType.DMA,
            pltpu.SemaphoreType.DMA,
            pltpu.SemaphoreType.DMA,
            pltpu.SemaphoreType.DMA,
            pltpu.SemaphoreType.DMA,
            pltpu.SemaphoreType.DMA,
        ],
    )(_seg_kernel)
    return f(x, iptr_pad)


def kernel(x, indptr):
    pad = jnp.full((IPTR_PAD - (S + 1),), N, dtype=indptr.dtype)
    iptr_pad = jnp.concatenate([indptr, pad])
    return _run(x, iptr_pad)

# --- scband reference (transcript-rebuilt; emitter-appended) ---
"""Pipeline reference for scband-segment-csr-37151467111232 (READ-ONLY COPY).

The authoritative reference and input builder live on the scoring server;
editing this copy changes nothing except your own understanding.
"""

import jax, jax.numpy as jnp
import numpy as np

N = 320000  # n_edges = 10000 nodes * avg_degree 32
S = 10000   # number of segments (nodes)
D = 128     # d_feat

def setup_inputs(seed: int = 0) -> dict:
    key = jax.random.key(seed)
    kx, ks = jax.random.split(key)
    x = jax.random.normal(kx, (N, D), dtype=jnp.float32)
    # Build a valid CSR indptr (module init param): sorted segment ids -> counts -> cumsum
    seg = jnp.sort(jax.random.randint(ks, (N,), 0, S, dtype=jnp.int32))
    counts = jnp.bincount(seg, length=S)
    indptr = jnp.concatenate([jnp.zeros((1,), counts.dtype), jnp.cumsum(counts)])
    return {"x": x, "indptr": indptr}

def reference(x, indptr):
    # Faithful translation of segment_csr(x, indptr, reduce='sum'):
    # segment s reduces rows x[indptr[s]:indptr[s+1]].
    S_ = indptr.shape[0] - 1
    counts = indptr[1:] - indptr[:-1]
    seg_ids = jnp.repeat(jnp.arange(S_, dtype=counts.dtype), counts, total_repeat_length=x.shape[0])
    return jax.ops.segment_sum(x, seg_ids, num_segments=S_)

if __name__ == "__main__":
    import jax
    _d = setup_inputs()
    print(jax.jit(kernel)(*tuple(_d.values())))

</pallas_src>

<mosaic_0001>
#map = affine_map<(d0, d1) -> (0, 0)>
#map1 = affine_map<(d0, d1) -> (0)>
module attributes {stable_mosaic.version = 14 : i64} {
  func.func @_seg_kernel(%arg0: i32, %arg1: i32, %arg2: memref<320000x128xf32, #tpu.memory_space<hbm>>, %arg3: memref<10264xi32, #tpu.memory_space<hbm>>, %arg4: memref<10000x128xf32, #tpu.memory_space<hbm>>, %arg5: memref<344xi32, #tpu.memory_space<vmem>>, %arg6: memref<3x192x128xf32, #tpu.memory_space<vmem>>, %arg7: memref<320x128xf32, #tpu.memory_space<vmem>>, %arg8: memref<!tpu.dma_semaphore, #tpu.memory_space<semaphore_mem>>, %arg9: memref<!tpu.dma_semaphore, #tpu.memory_space<semaphore_mem>>, %arg10: memref<!tpu.dma_semaphore, #tpu.memory_space<semaphore_mem>>, %arg11: memref<!tpu.dma_semaphore, #tpu.memory_space<semaphore_mem>>, %arg12: memref<!tpu.dma_semaphore, #tpu.memory_space<semaphore_mem>>, %arg13: memref<!tpu.dma_semaphore, #tpu.memory_space<semaphore_mem>>) attributes {dimension_semantics = [#tpu.dimension_semantics<core_parallel>, #tpu.dimension_semantics<subcore_parallel>], iteration_bounds = array<i64: 2, 16>, scalar_prefetch = 0 : i64, scratch_operands = 9 : i64, tpu.core_type = #tpu.core_type<sc_vector_subcore>, window_params = [{transform_indices = #map}, {transform_indices = #map1}, {transform_indices = #map}]} {
    %mul3A = arith.constant 2 : i32
    %mul3A_0 = arith.muli %arg1, %mul3A : i32
    %add3A = arith.addi %mul3A_0, %arg0 : i32
    %mul3A_1 = arith.constant 320 : i32
    %mul3A_2 = arith.muli %add3A, %mul3A_1 : i32
    %multiple_of3A = tpu.assume_multiple %mul3A_2, 8 : i32
    "tpu.region"() ({
      %run_scoped3A = tpu.sem_alloc : memref<!tpu.dma_semaphore, #tpu.memory_space<semaphore_mem>>
      %dma_start3A = tpu.memref_slice %arg3[%multiple_of3A] : memref<10264xi32, #tpu.memory_space<hbm>> -> memref<344xi32, #tpu.memory_space<hbm>>
      %dma_start3A_93 = tpu.memref_slice %arg3[%multiple_of3A] : memref<10264xi32, #tpu.memory_space<hbm>> -> memref<344xi32, #tpu.memory_space<hbm>>
      tpu.enqueue_dma source(%dma_start3A_93 : memref<344xi32, #tpu.memory_space<hbm>>) target(%arg5 : memref<344xi32, #tpu.memory_space<vmem>>) target_semaphore(%run_scoped3A : memref<!tpu.dma_semaphore, #tpu.memory_space<semaphore_mem>>)
      %dma_wait3A = tpu.memref_slice %arg3[%multiple_of3A] : memref<10264xi32, #tpu.memory_space<hbm>> -> memref<344xi32, #tpu.memory_space<hbm>>
      %dma_wait3A_94 = tpu.memref_slice %arg3[%multiple_of3A] : memref<10264xi32, #tpu.memory_space<hbm>> -> memref<344xi32, #tpu.memory_space<hbm>>
      tpu.wait_dma2 semaphore(%run_scoped3A : memref<!tpu.dma_semaphore, #tpu.memory_space<semaphore_mem>>) src(%dma_wait3A_94 : memref<344xi32, #tpu.memory_space<hbm>>) dst(%arg5 : memref<344xi32, #tpu.memory_space<vmem>>)
      tpu.yield
    }) : () -> ()
    %broadcast_in_dim3A = arith.constant 0.000000e+00 : f32
    %broadcast_in_dim3A_3 = vector.broadcast %broadcast_in_dim3A : f32 to vector<16xf32>
    %eq3A = arith.constant 31 : i32
    %eq3A_4 = arith.cmpi eq, %add3A, %eq3A : i32
    %jit3A = arith.constant 80 : i32
    %jit3A_5 = arith.constant 320 : i32
    %select_n3A = arith.select %eq3A_4, %jit3A, %jit3A_5 : i32
    %get3A = arith.constant 0 : index
    %get3A_6 = tpu.vector_load %arg5[%get3A] {strides = array<i32>} : memref<344xi32, #tpu.memory_space<vmem>>, vector<16xi32>,
    %get3A_7 = vector.shape_cast %get3A_6 : vector<16xi32> to vector<16xi32>
    %slice3A = vector.extract_strided_slice %get3A_7 {offsets = [0], sizes = [1], strides = [1]} : vector<16xi32> to vector<1xi32>
    %squeeze3A = vector.extract %slice3A[0] : i32 from vector<1xi32>
    %get3A_8 = arith.index_cast %select_n3A : i32 to index
    %get3A_9 = tpu.vector_load %arg5[%get3A_8] {strides = array<i32>} : memref<344xi32, #tpu.memory_space<vmem>>, vector<16xi32>,
    %get3A_10 = vector.shape_cast %get3A_9 : vector<16xi32> to vector<16xi32>
    %slice3A_11 = vector.extract_strided_slice %get3A_10 {offsets = [0], sizes = [1], strides = [1]} : vector<16xi32> to vector<1xi32>
    %squeeze3A_12 = vector.extract %slice3A_11[0] : i32 from vector<1xi32>
    %jit3A_13 = arith.constant 8 : i32
    %div3A = arith.divsi %squeeze3A, %jit3A_13 : i32
    %sign3A = arith.constant 0 : i32
    %sign3A_14 = arith.cmpi sgt, %squeeze3A, %sign3A : i32
    %sign3A_15 = arith.extui %sign3A_14 : i1 to i32
    %sign3A_16 = arith.constant 0 : i32
    %sign3A_17 = arith.cmpi slt, %squeeze3A, %sign3A_16 : i32
    %sign3A_18 = arith.extui %sign3A_17 : i1 to i32
    %sign3A_19 = arith.subi %sign3A_15, %sign3A_18 : i32
    %sign3A_20 = arith.constant 0 : i32
    %sign3A_21 = arith.cmpi sgt, %jit3A_13, %sign3A_20 : i32
    %sign3A_22 = arith.extui %sign3A_21 : i1 to i32
    %sign3A_23 = arith.constant 0 : i32
    %sign3A_24 = arith.cmpi slt, %jit3A_13, %sign3A_23 : i32
    %sign3A_25 = arith.extui %sign3A_24 : i1 to i32
    %sign3A_26 = arith.subi %sign3A_22, %sign3A_25 : i32
    %ne3A = arith.cmpi ne, %sign3A_19, %sign3A_26 : i32
    %rem3A = arith.remsi %squeeze3A, %jit3A_13 : i32
    %ne3A_27 = arith.constant 0 : i32
    %ne3A_28 = arith.cmpi ne, %rem3A, %ne3A_27 : i32
    %and3A = arith.andi %ne3A, %ne3A_28 : i1
    %sub3A = arith.constant 1 : i32
    %sub3A_29 = arith.subi %div3A, %sub3A : i32
    %select_n3A_30 = arith.select %and3A, %sub3A_29, %div3A : i32
    %mul3A_31 = arith.constant 8 : i32
    %mul3A_32 = arith.muli %select_n3A_30, %mul3A_31 : i32
    %sub3A_33 = arith.subi %squeeze3A_12, %mul3A_32 : i32
    %add3A_34 = arith.constant 192 : i32
    %add3A_35 = arith.addi %sub3A_33, %add3A_34 : i32
    %sub3A_36 = arith.constant 1 : i32
    %sub3A_37 = arith.subi %add3A_35, %sub3A_36 : i32
    %jit3A_38 = arith.constant 192 : i32
    %div3A_39 = arith.divsi %sub3A_37, %jit3A_38 : i32
    %sign3A_40 = arith.constant 0 : i32
    %sign3A_41 = arith.cmpi sgt, %sub3A_37, %sign3A_40 : i32
    %sign3A_42 = arith.extui %sign3A_41 : i1 to i32
    %sign3A_43 = arith.constant 0 : i32
    %sign3A_44 = arith.cmpi slt, %sub3A_37, %sign3A_43 : i32
    %sign3A_45 = arith.extui %sign3A_44 : i1 to i32
    %sign3A_46 = arith.subi %sign3A_42, %sign3A_45 : i32
    %sign3A_47 = arith.constant 0 : i32
    %sign3A_48 = arith.cmpi sgt, %jit3A_38, %sign3A_47 : i32
    %sign3A_49 = arith.extui %sign3A_48 : i1 to i32
    %sign3A_50 = arith.constant 0 : i32
    %sign3A_51 = arith.cmpi slt, %jit3A_38, %sign3A_50 : i32
    %sign3A_52 = arith.extui %sign3A_51 : i1 to i32
    %sign3A_53 = arith.subi %sign3A_49, %sign3A_52 : i32
    %ne3A_54 = arith.cmpi ne, %sign3A_46, %sign3A_53 : i32
    %rem3A_55 = arith.remsi %sub3A_37, %jit3A_38 : i32
    %ne3A_56 = arith.constant 0 : i32
    %ne3A_57 = arith.cmpi ne, %rem3A_55, %ne3A_56 : i32
    %and3A_58 = arith.andi %ne3A_54, %ne3A_57 : i1
    %sub3A_59 = arith.constant 1 : i32
    %sub3A_60 = arith.subi %div3A_39, %sub3A_59 : i32
    %select_n3A_61 = arith.select %and3A_58, %sub3A_60, %div3A_39 : i32
    %gt3A = arith.constant 0 : i32
    %gt3A_62 = arith.cmpi sgt, %select_n3A_61, %gt3A : i32
    %convert_element_type3A = arith.extui %gt3A_62 : i1 to i32
    %cond3A = arith.constant 0 : i32
    %cond3A_63 = arith.cmpi ne, %convert_element_type3A, %cond3A : i32
    scf.if %cond3A_63 {
      %add3A_93 = arith.constant 0 : i32
      %add3A_94 = arith.addi %mul3A_32, %add3A_93 : i32
      %min3A = arith.constant 319808 : i32
      %min3A_95 = arith.minsi %add3A_94, %min3A : i32
      %multiple_of3A_96 = tpu.assume_multiple %min3A_95, 8 : i32
      %add3A_97 = arith.constant 96 : i32
      %add3A_98 = arith.addi %multiple_of3A_96, %add3A_97 : i32
      %multiple_of3A_99 = tpu.assume_multiple %add3A_98, 8 : i32
      %dma_start3A = arith.constant 0 : i32
      %dma_start3A_100 = arith.constant 0 : i32
      %dma_start3A_101 = arith.constant 0 : i32
      %dma_start3A_102 = tpu.memref_slice %arg6[%dma_start3A, %dma_start3A_100, %dma_start3A_101] : memref<3x192x128xf32, #tpu.memory_space<vmem>> -> memref<1x96x128xf32, #tpu.memory_space<vmem>>
      %dma_start3A_103 = tpu.memref_squeeze %dma_start3A_102 : memref<1x96x128xf32, #tpu.memory_space<vmem>> -> memref<96x128xf32, #tpu.memory_space<vmem>>
      %dma_start3A_104 = arith.constant 0 : i32
      %dma_start3A_105 = tpu.memref_slice %arg2[%multiple_of3A_96, %dma_start3A_104] : memref<320000x128xf32, #tpu.memory_space<hbm>> -> memref<96x128xf32, #tpu.memory_space<hbm>>
      %dma_start3A_106 = arith.constant 0 : i32
      %dma_start3A_107 = arith.constant 0 : i32
      %dma_start3A_108 = tpu.memref_slice %arg6[%dma_start3A, %dma_start3A_106, %dma_start3A_107] : memref<3x192x128xf32, #tpu.memory_space<vmem>> -> memref<1x96x128xf32, #tpu.memory_space<vmem>>
      %dma_start3A_109 = tpu.memref_squeeze %dma_start3A_108 : memref<1x96x128xf32, #tpu.memory_space<vmem>> -> memref<96x128xf32, #tpu.memory_space<vmem>>
      %dma_start3A_110 = arith.constant 0 : i32
      %dma_start3A_111 = tpu.memref_slice %arg2[%multiple_of3A_96, %dma_start3A_110] : memref<320000x128xf32, #tpu.memory_space<hbm>> -> memref<96x128xf32, #tpu.memory_space<hbm>>
      tpu.enqueue_dma source(%dma_start3A_111 : memref<96x128xf32, #tpu.memory_space<hbm>>) target(%dma_start3A_109 : memref<96x128xf32, #tpu.memory_space<vmem>>) target_semaphore(%arg8 : memref<!tpu.dma_semaphore, #tpu.memory_space<semaphore_mem>>)
      %dma_start3A_112 = arith.constant 0 : i32
      %dma_start3A_113 = arith.constant 96 : i32
      %dma_start3A_114 = arith.constant 0 : i32
      %dma_start3A_115 = tpu.memref_slice %arg6[%dma_start3A_112, %dma_start3A_113, %dma_start3A_114] : memref<3x192x128xf32, #tpu.memory_space<vmem>> -> memref<1x96x128xf32, #tpu.memory_space<vmem>>
      %dma_start3A_116 = tpu.memref_squeeze %dma_start3A_115 : memref<1x96x128xf32, #tpu.memory_space<vmem>> -> memref<96x128xf32, #tpu.memory_space<vmem>>
      %dma_start3A_117 = arith.constant 0 : i32
      %dma_start3A_118 = tpu.memref_slice %arg2[%multiple_of3A_99, %dma_start3A_117] : memref<320000x128xf32, #tpu.memory_space<hbm>> -> memref<96x128xf32, #tpu.memory_space<hbm>>
      %dma_start3A_119 = arith.constant 96 : i32
      %dma_start3A_120 = arith.constant 0 : i32
      %dma_start3A_121 = tpu.memref_slice %arg6[%dma_start3A_112, %dma_start3A_119, %dma_start3A_120] : memref<3x192x128xf32, #tpu.memory_space<vmem>> -> memref<1x96x128xf32, #tpu.memory_space<vmem>>
      %dma_start3A_122 = tpu.memref_squeeze %dma_start3A_121 : memref<1x96x128xf32, #tpu.memory_space<vmem>> -> memref<96x128xf32, #tpu.memory_space<vmem>>
      %dma_start3A_123 = arith.constant 0 : i32
      %dma_start3A_124 = tpu.memref_slice %arg2[%multiple_of3A_99, %dma_start3A_123] : memref<320000x128xf32, #tpu.memory_space<hbm>> -> memref<96x128xf32, #tpu.memory_space<hbm>>
      tpu.enqueue_dma source(%dma_start3A_124 : memref<96x128xf32, #tpu.memory_space<hbm>>) target(%dma_start3A_122 : memref<96x128xf32, #tpu.memory_space<vmem>>) target_semaphore(%arg9 : memref<!tpu.dma_semaphore, #tpu.memory_space<semaphore_mem>>)
    } else {
    }
    %gt3A_64 = arith.constant 1 : i32
    %gt3A_65 = arith.cmpi sgt, %select_n3A_61, %gt3A_64 : i32
    %convert_element_type3A_66 = arith.extui %gt3A_65 : i1 to i32
    %cond3A_67 = arith.constant 0 : i32
    %cond3A_68 = arith.cmpi ne, %convert_element_type3A_66, %cond3A_67 : i32
    scf.if %cond3A_68 {
      %add3A_93 = arith.constant 192 : i32
      %add3A_94 = arith.addi %mul3A_32, %add3A_93 : i32
      %min3A = arith.constant 319808 : i32
      %min3A_95 = arith.minsi %add3A_94, %min3A : i32
      %multiple_of3A_96 = tpu.assume_multiple %min3A_95, 8 : i32
      %add3A_97 = arith.constant 96 : i32
      %add3A_98 = arith.addi %multiple_of3A_96, %add3A_97 : i32
      %multiple_of3A_99 = tpu.assume_multiple %add3A_98, 8 : i32
      %dma_start3A = arith.constant 1 : i32
      %dma_start3A_100 = arith.constant 0 : i32
      %dma_start3A_101 = arith.constant 0 : i32
      %dma_start3A_102 = tpu.memref_slice %arg6[%dma_start3A, %dma_start3A_100, %dma_start3A_101] : memref<3x192x128xf32, #tpu.memory_space<vmem>> -> memref<1x96x128xf32, #tpu.memory_space<vmem>>
      %dma_start3A_103 = tpu.memref_squeeze %dma_start3A_102 : memref<1x96x128xf32, #tpu.memory_space<vmem>> -> memref<96x128xf32, #tpu.memory_space<vmem>>
      %dma_start3A_104 = arith.constant 0 : i32
      %dma_start3A_105 = tpu.memref_slice %arg2[%multiple_of3A_96, %dma_start3A_104] : memref<320000x128xf32, #tpu.memory_space<hbm>> -> memref<96x128xf32, #tpu.memory_space<hbm>>
      %dma_start3A_106 = arith.constant 0 : i32
      %dma_start3A_107 = arith.constant 0 : i32
      %dma_start3A_108 = tpu.memref_slice %arg6[%dma_start3A, %dma_start3A_106, %dma_start3A_107] : memref<3x192x128xf32, #tpu.memory_space<vmem>> -> memref<1x96x128xf32, #tpu.memory_space<vmem>>
      %dma_start3A_109 = tpu.memref_squeeze %dma_start3A_108 : memref<1x96x128xf32, #tpu.memory_space<vmem>> -> memref<96x128xf32, #tpu.memory_space<vmem>>
      %dma_start3A_110 = arith.constant 0 : i32
      %dma_start3A_111 = tpu.memref_slice %arg2[%multiple_of3A_96, %dma_start3A_110] : memref<320000x128xf32, #tpu.memory_space<hbm>> -> memref<96x128xf32, #tpu.memory_space<hbm>>
      tpu.enqueue_dma source(%dma_start3A_111 : memref<96x128xf32, #tpu.memory_space<hbm>>) target(%dma_start3A_109 : memref<96x128xf32, #tpu.memory_space<vmem>>) target_semaphore(%arg10 : memref<!tpu.dma_semaphore, #tpu.memory_space<semaphore_mem>>)
      %dma_start3A_112 = arith.constant 1 : i32
      %dma_start3A_113 = arith.constant 96 : i32
      %dma_start3A_114 = arith.constant 0 : i32
      %dma_start3A_115 = tpu.memref_slice %arg6[%dma_start3A_112, %dma_start3A_113, %dma_start3A_114] : memref<3x192x128xf32, #tpu.memory_space<vmem>> -> memref<1x96x128xf32, #tpu.memory_space<vmem>>
      %dma_start3A_116 = tpu.memref_squeeze %dma_start3A_115 : memref<1x96x128xf32, #tpu.memory_space<vmem>> -> memref<96x128xf32, #tpu.memory_space<vmem>>
      %dma_start3A_117 = arith.constant 0 : i32
      %dma_start3A_118 = tpu.memref_slice %arg2[%multiple_of3A_99, %dma_start3A_117] : memref<320000x128xf32, #tpu.memory_space<hbm>> -> memref<96x128xf32, #tpu.memory_space<hbm>>
      %dma_start3A_119 = arith.constant 96 : i32
      %dma_start3A_120 = arith.constant 0 : i32
      %dma_start3A_121 = tpu.memref_slice %arg6[%dma_start3A_112, %dma_start3A_119, %dma_start3A_120] : memref<3x192x128xf32, #tpu.memory_space<vmem>> -> memref<1x96x128xf32, #tpu.memory_space<vmem>>
      %dma_start3A_122 = tpu.memref_squeeze %dma_start3A_121 : memref<1x96x128xf32, #tpu.memory_space<vmem>> -> memref<96x128xf32, #tpu.memory_space<vmem>>
      %dma_start3A_123 = arith.constant 0 : i32
      %dma_start3A_124 = tpu.memref_slice %arg2[%multiple_of3A_99, %dma_start3A_123] : memref<320000x128xf32, #tpu.memory_space<hbm>> -> memref<96x128xf32, #tpu.memory_space<hbm>>
      tpu.enqueue_dma source(%dma_start3A_124 : memref<96x128xf32, #tpu.memory_space<hbm>>) target(%dma_start3A_122 : memref<96x128xf32, #tpu.memory_space<vmem>>) target_semaphore(%arg11 : memref<!tpu.dma_semaphore, #tpu.memory_space<semaphore_mem>>)
    } else {
    }
    %add3A_69 = arith.constant 320 : i32
    %add3A_70 = arith.addi %select_n3A_61, %add3A_69 : i32
    %while3A = arith.constant 0 : i32
    %while3A_71 = arith.constant 0 : i32
    %while3A_72 = arith.constant -1 : i32
    %while3A_73 = arith.constant -1 : i32
    %while3A_74 = arith.subi %add3A_70, %while3A : i32
    %while3A_75 = arith.addi %while3A, %while3A_74 : i32
    %while3A_76 = arith.constant 1 : i32
    %while3A_77 = arith.divsi %while3A_74, %while3A_76 : i32
    %while3A_78 = arith.muli %while3A_77, %while3A_76 : i32
    %while3A_79 = arith.addi %while3A, %while3A_78 : i32
    %while3A_80 = arith.constant 1 : i32
    %while3A_81:13 = scf.for %while3A_93 = %while3A to %while3A_79 step %while3A_80 iter_args(%while3A_94 = %squeeze3A, %while3A_95 = %while3A_71, %while3A_96 = %while3A_72, %while3A_97 = %mul3A_32, %while3A_98 = %while3A_73, %while3A_99 = %broadcast_in_dim3A_3, %while3A_100 = %broadcast_in_dim3A_3, %while3A_101 = %broadcast_in_dim3A_3, %while3A_102 = %broadcast_in_dim3A_3, %while3A_103 = %broadcast_in_dim3A_3, %while3A_104 = %broadcast_in_dim3A_3, %while3A_105 = %broadcast_in_dim3A_3, %while3A_106 = %broadcast_in_dim3A_3) -> (i32, i32, i32, i32, i32, vector<16xf32>, vector<16xf32>, vector<16xf32>, vector<16xf32>, vector<16xf32>, vector<16xf32>, vector<16xf32>, vector<16xf32>)  : i32 {
      %ge3A = arith.cmpi sge, %while3A_94, %while3A_97 : i32
      %jit3A_107 = arith.constant 1 : i32
      %jit3A_108 = arith.constant 0 : i32
      %select_n3A_109 = arith.select %ge3A, %jit3A_107, %jit3A_108 : i32
      %add3A_110 = arith.addi %while3A_96, %select_n3A_109 : i32
      %mul3A_111 = arith.constant 192 : i32
      %mul3A_112 = arith.muli %select_n3A_109, %mul3A_111 : i32
      %add3A_113 = arith.addi %while3A_97, %mul3A_112 : i32
      %eq3A_114 = arith.constant 1 : i32
      %eq3A_115 = arith.cmpi eq, %select_n3A_109, %eq3A_114 : i32
      %eq3A_116 = arith.constant 2 : i32
      %eq3A_117 = arith.cmpi eq, %while3A_98, %eq3A_116 : i32
      %add3A_118 = arith.constant 1 : i32
      %add3A_119 = arith.addi %while3A_98, %add3A_118 : i32
      %jit3A_120 = arith.constant 0 : i32
      %select_n3A_121 = arith.select %eq3A_117, %jit3A_120, %add3A_119 : i32
      %select_n3A_122 = arith.select %eq3A_115, %select_n3A_121, %while3A_98 : i32
      %sub3A_123 = arith.constant 192 : i32
      %sub3A_124 = arith.subi %add3A_113, %sub3A_123 : i32
      %min3A = arith.constant 319808 : i32
      %min3A_125 = arith.minsi %sub3A_124, %min3A : i32
      %multiple_of3A_126 = tpu.assume_multiple %min3A_125, 8 : i32
      %eq3A_127 = arith.constant 1 : i32
      %eq3A_128 = arith.cmpi eq, %select_n3A_109, %eq3A_127 : i32
      %lt3A_129 = arith.cmpi slt, %add3A_110, %select_n3A_61 : i32
      %and3A_130 = arith.andi %eq3A_128, %lt3A_129 : i1
      %convert_element_type3A_131 = arith.extui %and3A_130 : i1 to i32
      %cond3A_132 = arith.constant 0 : i32
      %cond3A_133 = arith.cmpi ne, %convert_element_type3A_131, %cond3A_132 : i32
      scf.if %cond3A_133 {
        %eq3A_233 = arith.constant 0 : i32
        %eq3A_234 = arith.cmpi eq, %select_n3A_122, %eq3A_233 : i32
        %convert_element_type3A_235 = arith.extui %eq3A_234 : i1 to i32
        %cond3A_236 = arith.constant 0 : i32
        %cond3A_237 = arith.cmpi ne, %convert_element_type3A_235, %cond3A_236 : i32
        scf.if %cond3A_237 {
          %add3A_254 = arith.constant 96 : i32
          %add3A_255 = arith.addi %multiple_of3A_126, %add3A_254 : i32
          %multiple_of3A_256 = tpu.assume_multiple %add3A_255, 8 : i32
          %dma_wait3A = arith.constant 0 : i32
          %dma_wait3A_257 = arith.constant 0 : i32
          %dma_wait3A_258 = arith.constant 0 : i32
          %dma_wait3A_259 = tpu.memref_slice %arg6[%dma_wait3A, %dma_wait3A_257, %dma_wait3A_258] : memref<3x192x128xf32, #tpu.memory_space<vmem>> -> memref<1x96x128xf32, #tpu.memory_space<vmem>>
          %dma_wait3A_260 = tpu.memref_squeeze %dma_wait3A_259 : memref<1x96x128xf32, #tpu.memory_space<vmem>> -> memref<96x128xf32, #tpu.memory_space<vmem>>
          %dma_wait3A_261 = arith.constant 0 : i32
          %dma_wait3A_262 = tpu.memref_slice %arg2[%multiple_of3A_126, %dma_wait3A_261] : memref<320000x128xf32, #tpu.memory_space<hbm>> -> memref<96x128xf32, #tpu.memory_space<hbm>>
          %dma_wait3A_263 = arith.constant 0 : i32
          %dma_wait3A_264 = arith.constant 0 : i32
          %dma_wait3A_265 = tpu.memref_slice %arg6[%dma_wait3A, %dma_wait3A_263, %dma_wait3A_264] : memref<3x192x128xf32, #tpu.memory_space<vmem>> -> memref<1x96x128xf32, #tpu.memory_space<vmem>>
          %dma_wait3A_266 = tpu.memref_squeeze %dma_wait3A_265 : memref<1x96x128xf32, #tpu.memory_space<vmem>> -> memref<96x128xf32, #tpu.memory_space<vmem>>
          %dma_wait3A_267 = arith.constant 0 : i32
          %dma_wait3A_268 = tpu.memref_slice %arg2[%multiple_of3A_126, %dma_wait3A_267] : memref<320000x128xf32, #tpu.memory_space<hbm>> -> memref<96x128xf32, #tpu.memory_space<hbm>>
          tpu.wait_dma2 semaphore(%arg8 : memref<!tpu.dma_semaphore, #tpu.memory_space<semaphore_mem>>) src(%dma_wait3A_268 : memref<96x128xf32, #tpu.memory_space<hbm>>) dst(%dma_wait3A_266 : memref<96x128xf32, #tpu.memory_space<vmem>>)
          %dma_wait3A_269 = arith.constant 0 : i32
          %dma_wait3A_270 = arith.constant 96 : i32
          %dma_wait3A_271 = arith.constant 0 : i32
          %dma_wait3A_272 = tpu.memref_slice %arg6[%dma_wait3A_269, %dma_wait3A_270, %dma_wait3A_271] : memref<3x192x128xf32, #tpu.memory_space<vmem>> -> memref<1x96x128xf32, #tpu.memory_space<vmem>>
          %dma_wait3A_273 = tpu.memref_squeeze %dma_wait3A_272 : memref<1x96x128xf32, #tpu.memory_space<vmem>> -> memref<96x128xf32, #tpu.memory_space<vmem>>
          %dma_wait3A_274 = arith.constant 0 : i32
          %dma_wait3A_275 = tpu.memref_slice %arg2[%multiple_of3A_256, %dma_wait3A_274] : memref<320000x128xf32, #tpu.memory_space<hbm>> -> memref<96x128xf32, #tpu.memory_space<hbm>>
          %dma_wait3A_276 = arith.constant 96 : i32
          %dma_wait3A_277 = arith.constant 0 : i32
          %dma_wait3A_278 = tpu.memref_slice %arg6[%dma_wait3A_269, %dma_wait3A_276, %dma_wait3A_277] : memref<3x192x128xf32, #tpu.memory_space<vmem>> -> memref<1x96x128xf32, #tpu.memory_space<vmem>>
          %dma_wait3A_279 = tpu.memref_squeeze %dma_wait3A_278 : memref<1x96x128xf32, #tpu.memory_space<vmem>> -> memref<96x128xf32, #tpu.memory_space<vmem>>
          %dma_wait3A_280 = arith.constant 0 : i32
          %dma_wait3A_281 = tpu.memref_slice %arg2[%multiple_of3A_256, %dma_wait3A_280] : memref<320000x128xf32, #tpu.memory_space<hbm>> -> memref<96x128xf32, #tpu.memory_space<hbm>>
          tpu.wait_dma2 semaphore(%arg9 : memref<!tpu.dma_semaphore, #tpu.memory_space<semaphore_mem>>) src(%dma_wait3A_281 : memref<96x128xf32, #tpu.memory_space<hbm>>) dst(%dma_wait3A_279 : memref<96x128xf32, #tpu.memory_space<vmem>>)
        } else {
        }
        %eq3A_238 = arith.constant 1 : i32
        %eq3A_239 = arith.cmpi eq, %select_n3A_122, %eq3A_238 : i32
        %convert_element_type3A_240 = arith.extui %eq3A_239 : i1 to i32
        %cond3A_241 = arith.constant 0 : i32
        %cond3A_242 = arith.cmpi ne, %convert_element_type3A_240, %cond3A_241 : i32
        scf.if %cond3A_242 {
          %add3A_254 = arith.constant 96 : i32
          %add3A_255 = arith.addi %multiple_of3A_126, %add3A_254 : i32
          %multiple_of3A_256 = tpu.assume_multiple %add3A_255, 8 : i32
          %dma_wait3A = arith.constant 1 : i32
          %dma_wait3A_257 = arith.constant 0 : i32
          %dma_wait3A_258 = arith.constant 0 : i32
          %dma_wait3A_259 = tpu.memref_slice %arg6[%dma_wait3A, %dma_wait3A_257, %dma_wait3A_258] : memref<3x192x128xf32, #tpu.memory_space<vmem>> -> memref<1x96x128xf32, #tpu.memory_space<vmem>>
          %dma_wait3A_260 = tpu.memref_squeeze %dma_wait3A_259 : memref<1x96x128xf32, #tpu.memory_space<vmem>> -> memref<96x128xf32, #tpu.memory_space<vmem>>
          %dma_wait3A_261 = arith.constant 0 : i32
          %dma_wait3A_262 = tpu.memref_slice %arg2[%multiple_of3A_126, %dma_wait3A_261] : memref<320000x128xf32, #tpu.memory_space<hbm>> -> memref<96x128xf32, #tpu.memory_space<hbm>>
          %dma_wait3A_263 = arith.constant 0 : i32
          %dma_wait3A_264 = arith.constant 0 : i32
          %dma_wait3A_265 = tpu.memref_slice %arg6[%dma_wait3A, %dma_wait3A_263, %dma_wait3A_264] : memref<3x192x128xf32, #tpu.memory_space<vmem>> -> memref<1x96x128xf32, #tpu.memory_space<vmem>>
          %dma_wait3A_266 = tpu.memref_squeeze %dma_wait3A_265 : memref<1x96x128xf32, #tpu.memory_space<vmem>> -> memref<96x128xf32, #tpu.memory_space<vmem>>
          %dma_wait3A_267 = arith.constant 0 : i32
          %dma_wait3A_268 = tpu.memref_slice %arg2[%multiple_of3A_126, %dma_wait3A_267] : memref<320000x128xf32, #tpu.memory_space<hbm>> -> memref<96x128xf32, #tpu.memory_space<hbm>>
          tpu.wait_dma2 semaphore(%arg10 : memref<!tpu.dma_semaphore, #tpu.memory_space<semaphore_mem>>) src(%dma_wait3A_268 : memref<96x128xf32, #tpu.memory_space<hbm>>) dst(%dma_wait3A_266 : memref<96x128xf32, #tpu.memory_space<vmem>>)
          %dma_wait3A_269 = arith.constant 1 : i32
          %dma_wait3A_270 = arith.constant 96 : i32
          %dma_wait3A_271 = arith.constant 0 : i32
          %dma_wait3A_272 = tpu.memref_slice %arg6[%dma_wait3A_269, %dma_wait3A_270, %dma_wait3A_271] : memref<3x192x128xf32, #tpu.memory_space<vmem>> -> memref<1x96x128xf32, #tpu.memory_space<vmem>>
          %dma_wait3A_273 = tpu.memref_squeeze %dma_wait3A_272 : memref<1x96x128xf32, #tpu.memory_space<vmem>> -> memref<96x128xf32, #tpu.memory_space<vmem>>
          %dma_wait3A_274 = arith.constant 0 : i32
          %dma_wait3A_275 = tpu.memref_slice %arg2[%multiple_of3A_256, %dma_wait3A_274] : memref<320000x128xf32, #tpu.memory_space<hbm>> -> memref<96x128xf32, #tpu.memory_space<hbm>>
          %dma_wait3A_276 = arith.constant 96 : i32
          %dma_wait3A_277 = arith.constant 0 : i32
          %dma_wait3A_278 = tpu.memref_slice %arg6[%dma_wait3A_269, %dma_wait3A_276, %dma_wait3A_277] : memref<3x192x128xf32, #tpu.memory_space<vmem>> -> memref<1x96x128xf32, #tpu.memory_space<vmem>>
          %dma_wait3A_279 = tpu.memref_squeeze %dma_wait3A_278 : memref<1x96x128xf32, #tpu.memory_space<vmem>> -> memref<96x128xf32, #tpu.memory_space<vmem>>
          %dma_wait3A_280 = arith.constant 0 : i32
          %dma_wait3A_281 = tpu.memref_slice %arg2[%multiple_of3A_256, %dma_wait3A_280] : memref<320000x128xf32, #tpu.memory_space<hbm>> -> memref<96x128xf32, #tpu.memory_space<hbm>>
          tpu.wait_dma2 semaphore(%arg11 : memref<!tpu.dma_semaphore, #tpu.memory_space<semaphore_mem>>) src(%dma_wait3A_281 : memref<96x128xf32, #tpu.memory_space<hbm>>) dst(%dma_wait3A_279 : memref<96x128xf32, #tpu.memory_space<vmem>>)
        } else {
        }
        %eq3A_243 = arith.constant 2 : i32
        %eq3A_244 = arith.cmpi eq, %select_n3A_122, %eq3A_243 : i32
        %convert_element_type3A_245 = arith.extui %eq3A_244 : i1 to i32
        %cond3A_246 = arith.constant 0 : i32
        %cond3A_247 = arith.cmpi ne, %convert_element_type3A_245, %cond3A_246 : i32
        scf.if %cond3A_247 {
          %add3A_254 = arith.constant 96 : i32
          %add3A_255 = arith.addi %multiple_of3A_126, %add3A_254 : i32
          %multiple_of3A_256 = tpu.assume_multiple %add3A_255, 8 : i32
          %dma_wait3A = arith.constant 2 : i32
          %dma_wait3A_257 = arith.constant 0 : i32
          %dma_wait3A_258 = arith.constant 0 : i32
          %dma_wait3A_259 = tpu.memref_slice %arg6[%dma_wait3A, %dma_wait3A_257, %dma_wait3A_258] : memref<3x192x128xf32, #tpu.memory_space<vmem>> -> memref<1x96x128xf32, #tpu.memory_space<vmem>>
          %dma_wait3A_260 = tpu.memref_squeeze %dma_wait3A_259 : memref<1x96x128xf32, #tpu.memory_space<vmem>> -> memref<96x128xf32, #tpu.memory_space<vmem>>
          %dma_wait3A_261 = arith.constant 0 : i32
          %dma_wait3A_262 = tpu.memref_slice %arg2[%multiple_of3A_126, %dma_wait3A_261] : memref<320000x128xf32, #tpu.memory_space<hbm>> -> memref<96x128xf32, #tpu.memory_space<hbm>>
          %dma_wait3A_263 = arith.constant 0 : i32
          %dma_wait3A_264 = arith.constant 0 : i32
          %dma_wait3A_265 = tpu.memref_slice %arg6[%dma_wait3A, %dma_wait3A_263, %dma_wait3A_264] : memref<3x192x128xf32, #tpu.memory_space<vmem>> -> memref<1x96x128xf32, #tpu.memory_space<vmem>>
          %dma_wait3A_266 = tpu.memref_squeeze %dma_wait3A_265 : memref<1x96x128xf32, #tpu.memory_space<vmem>> -> memref<96x128xf32, #tpu.memory_space<vmem>>
          %dma_wait3A_267 = arith.constant 0 : i32
          %dma_wait3A_268 = tpu.memref_slice %arg2[%multiple_of3A_126, %dma_wait3A_267] : memref<320000x128xf32, #tpu.memory_space<hbm>> -> memref<96x128xf32, #tpu.memory_space<hbm>>
          tpu.wait_dma2 semaphore(%arg12 : memref<!tpu.dma_semaphore, #tpu.memory_space<semaphore_mem>>) src(%dma_wait3A_268 : memref<96x128xf32, #tpu.memory_space<hbm>>) dst(%dma_wait3A_266 : memref<96x128xf32, #tpu.memory_space<vmem>>)
          %dma_wait3A_269 = arith.constant 2 : i32
          %dma_wait3A_270 = arith.constant 96 : i32
          %dma_wait3A_271 = arith.constant 0 : i32
          %dma_wait3A_272 = tpu.memref_slice %arg6[%dma_wait3A_269, %dma_wait3A_270, %dma_wait3A_271] : memref<3x192x128xf32, #tpu.memory_space<vmem>> -> memref<1x96x128xf32, #tpu.memory_space<vmem>>
          %dma_wait3A_273 = tpu.memref_squeeze %dma_wait3A_272 : memref<1x96x128xf32, #tpu.memory_space<vmem>> -> memref<96x128xf32, #tpu.memory_space<vmem>>
          %dma_wait3A_274 = arith.constant 0 : i32
          %dma_wait3A_275 = tpu.memref_slice %arg2[%multiple_of3A_256, %dma_wait3A_274] : memref<320000x128xf32, #tpu.memory_space<hbm>> -> memref<96x128xf32, #tpu.memory_space<hbm>>
          %dma_wait3A_276 = arith.constant 96 : i32
          %dma_wait3A_277 = arith.constant 0 : i32
          %dma_wait3A_278 = tpu.memref_slice %arg6[%dma_wait3A_269, %dma_wait3A_276, %dma_wait3A_277] : memref<3x192x128xf32, #tpu.memory_space<vmem>> -> memref<1x96x128xf32, #tpu.memory_space<vmem>>
          %dma_wait3A_279 = tpu.memref_squeeze %dma_wait3A_278 : memref<1x96x128xf32, #tpu.memory_space<vmem>> -> memref<96x128xf32, #tpu.memory_space<vmem>>
          %dma_wait3A_280 = arith.constant 0 : i32
          %dma_wait3A_281 = tpu.memref_slice %arg2[%multiple_of3A_256, %dma_wait3A_280] : memref<320000x128xf32, #tpu.memory_space<hbm>> -> memref<96x128xf32, #tpu.memory_space<hbm>>
          tpu.wait_dma2 semaphore(%arg13 : memref<!tpu.dma_semaphore, #tpu.memory_space<semaphore_mem>>) src(%dma_wait3A_281 : memref<96x128xf32, #tpu.memory_space<hbm>>) dst(%dma_wait3A_279 : memref<96x128xf32, #tpu.memory_space<vmem>>)
        } else {
        }
        %add3A_248 = arith.constant 2 : i32
        %add3A_249 = arith.addi %add3A_110, %add3A_248 : i32
        %lt3A_250 = arith.cmpi slt, %add3A_249, %select_n3A_61 : i32
        %convert_element_type3A_251 = arith.extui %lt3A_250 : i1 to i32
        %cond3A_252 = arith.constant 0 : i32
        %cond3A_253 = arith.cmpi ne, %convert_element_type3A_251, %cond3A_252 : i32
        scf.if %cond3A_253 {
          %add3A_254 = arith.constant 2 : i32
          %add3A_255 = arith.addi %add3A_110, %add3A_254 : i32
          %mul3A_256 = arith.constant 192 : i32
          %mul3A_257 = arith.muli %add3A_255, %mul3A_256 : i32
          %add3A_258 = arith.addi %mul3A_32, %mul3A_257 : i32
          %min3A_259 = arith.constant 319808 : i32
          %min3A_260 = arith.minsi %add3A_258, %min3A_259 : i32
          %multiple_of3A_261 = tpu.assume_multiple %min3A_260, 8 : i32
          %add3A_262 = arith.constant 2 : i32
          %add3A_263 = arith.addi %select_n3A_122, %add3A_262 : i32
          %jit3A_264 = arith.constant 3 : i32
          %eq3A_265 = arith.constant 0 : i32
          %eq3A_266 = arith.cmpi eq, %jit3A_264, %eq3A_265 : i32
          %jit3A_267 = arith.constant 1 : i32
          %select_n3A_268 = arith.select %eq3A_266, %jit3A_267, %jit3A_264 : i32
          %rem3A_269 = arith.remsi %add3A_263, %select_n3A_268 : i32
          %ne3A_270 = arith.constant 0 : i32
          %ne3A_271 = arith.cmpi ne, %rem3A_269, %ne3A_270 : i32
          %lt3A_272 = arith.constant 0 : i32
          %lt3A_273 = arith.cmpi slt, %rem3A_269, %lt3A_272 : i32
          %lt3A_274 = arith.constant 0 : i32
          %lt3A_275 = arith.cmpi slt, %select_n3A_268, %lt3A_274 : i32
          %ne3A_276 = arith.xori %lt3A_273, %lt3A_275 : i1
          %and3A_277 = arith.andi %ne3A_276, %ne3A_271 : i1
          %add3A_278 = arith.addi %rem3A_269, %select_n3A_268 : i32
          %select_n3A_279 = arith.select %and3A_277, %add3A_278, %rem3A_269 : i32
          %eq3A_280 = arith.constant 0 : i32
          %eq3A_281 = arith.cmpi eq, %select_n3A_279, %eq3A_280 : i32
          %convert_element_type3A_282 = arith.extui %eq3A_281 : i1 to i32
          %cond3A_283 = arith.constant 0 : i32
          %cond3A_284 = arith.cmpi ne, %convert_element_type3A_282, %cond3A_283 : i32
          scf.if %cond3A_284 {
            %add3A_331 = arith.constant 96 : i32
            %add3A_332 = arith.addi %multiple_of3A_261, %add3A_331 : i32
            %multiple_of3A_333 = tpu.assume_multiple %add3A_332, 8 : i32
            %dma_start3A = arith.constant 0 : i32
            %dma_start3A_334 = arith.constant 0 : i32
            %dma_start3A_335 = arith.constant 0 : i32
            %dma_start3A_336 = tpu.memref_slice %arg6[%dma_start3A, %dma_start3A_334, %dma_start3A_335] : memref<3x192x128xf32, #tpu.memory_space<vmem>> -> memref<1x96x128xf32, #tpu.memory_space<vmem>>
            %dma_start3A_337 = tpu.memref_squeeze %dma_start3A_336 : memref<1x96x128xf32, #tpu.memory_space<vmem>> -> memref<96x128xf32, #tpu.memory_space<vmem>>
            %dma_start3A_338 = arith.constant 0 : i32
            %dma_start3A_339 = tpu.memref_slice %arg2[%multiple_of3A_261, %dma_start3A_338] : memref<320000x128xf32, #tpu.memory_space<hbm>> -> memref<96x128xf32, #tpu.memory_space<hbm>>
            %dma_start3A_340 = arith.constant 0 : i32
            %dma_start3A_341 = arith.constant 0 : i32
            %dma_start3A_342 = tpu.memref_slice %arg6[%dma_start3A, %dma_start3A_340, %dma_start3A_341] : memref<3x192x128xf32, #tpu.memory_space<vmem>> -> memref<1x96x128xf32, #tpu.memory_space<vmem>>
            %dma_start3A_343 = tpu.memref_squeeze %dma_start3A_342 : memref<1x96x128xf32, #tpu.memory_space<vmem>> -> memref<96x128xf32, #tpu.memory_space<vmem>>
            %dma_start3A_344 = arith.constant 0 : i32
            %dma_start3A_345 = tpu.memref_slice %arg2[%multiple_of3A_261, %dma_start3A_344] : memref<320000x128xf32, #tpu.memory_space<hbm>> -> memref<96x128xf32, #tpu.memory_space<hbm>>
            tpu.enqueue_dma source(%dma_start3A_345 : memref<96x128xf32, #tpu.memory_space<hbm>>) target(%dma_start3A_343 : memref<96x128xf32, #tpu.memory_space<vmem>>) target_semaphore(%arg8 : memref<!tpu.dma_semaphore, #tpu.memory_space<semaphore_mem>>)
            %dma_start3A_346 = arith.constant 0 : i32
            %dma_start3A_347 = arith.constant 96 : i32
            %dma_start3A_348 = arith.constant 0 : i32
            %dma_start3A_349 = tpu.memref_slice %arg6[%dma_start3A_346, %dma_start3A_347, %dma_start3A_348] : memref<3x192x128xf32, #tpu.memory_space<vmem>> -> memref<1x96x128xf32, #tpu.memory_space<vmem>>
            %dma_start3A_350 = tpu.memref_squeeze %dma_start3A_349 : memref<1x96x128xf32, #tpu.memory_space<vmem>> -> memref<96x128xf32, #tpu.memory_space<vmem>>
            %dma_start3A_351 = arith.constant 0 : i32
            %dma_start3A_352 = tpu.memref_slice %arg2[%multiple_of3A_333, %dma_start3A_351] : memref<320000x128xf32, #tpu.memory_space<hbm>> -> memref<96x128xf32, #tpu.memory_space<hbm>>
            %dma_start3A_353 = arith.constant 96 : i32
            %dma_start3A_354 = arith.constant 0 : i32
            %dma_start3A_355 = tpu.memref_slice %arg6[%dma_start3A_346, %dma_start3A_353, %dma_start3A_354] : memref<3x192x128xf32, #tpu.memory_space<vmem>> -> memref<1x96x128xf32, #tpu.memory_space<vmem>>
            %dma_start3A_356 = tpu.memref_squeeze %dma_start3A_355 : memref<1x96x128xf32, #tpu.memory_space<vmem>> -> memref<96x128xf32, #tpu.memory_space<vmem>>
            %dma_start3A_357 = arith.constant 0 : i32
            %dma_start3A_358 = tpu.memref_slice %arg2[%multiple_of3A_333, %dma_start3A_357] : memref<320000x128xf32, #tpu.memory_space<hbm>> -> memref<96x128xf32, #tpu.memory_space<hbm>>
            tpu.enqueue_dma source(%dma_start3A_358 : memref<96x128xf32, #tpu.memory_space<hbm>>) target(%dma_start3A_356 : memref<96x128xf32, #tpu.memory_space<vmem>>) target_semaphore(%arg9 : memref<!tpu.dma_semaphore, #tpu.memory_space<semaphore_mem>>)
          } else {
          }
          %add3A_285 = arith.constant 2 : i32
          %add3A_286 = arith.addi %select_n3A_122, %add3A_285 : i32
          %jit3A_287 = arith.constant 3 : i32
          %eq3A_288 = arith.constant 0 : i32
          %eq3A_289 = arith.cmpi eq, %jit3A_287, %eq3A_288 : i32
          %jit3A_290 = arith.constant 1 : i32
          %select_n3A_291 = arith.select %eq3A_289, %jit3A_290, %jit3A_287 : i32
          %rem3A_292 = arith.remsi %add3A_286, %select_n3A_291 : i32
          %ne3A_293 = arith.constant 0 : i32
          %ne3A_294 = arith.cmpi ne, %rem3A_292, %ne3A_293 : i32
          %lt3A_295 = arith.constant 0 : i32
          %lt3A_296 = arith.cmpi slt, %rem3A_292, %lt3A_295 : i32
          %lt3A_297 = arith.constant 0 : i32
          %lt3A_298 = arith.cmpi slt, %select_n3A_291, %lt3A_297 : i32
          %ne3A_299 = arith.xori %lt3A_296, %lt3A_298 : i1
          %and3A_300 = arith.andi %ne3A_299, %ne3A_294 : i1
          %add3A_301 = arith.addi %rem3A_292, %select_n3A_291 : i32
          %select_n3A_302 = arith.select %and3A_300, %add3A_301, %rem3A_292 : i32
          %eq3A_303 = arith.constant 1 : i32
          %eq3A_304 = arith.cmpi eq, %select_n3A_302, %eq3A_303 : i32
          %convert_element_type3A_305 = arith.extui %eq3A_304 : i1 to i32
          %cond3A_306 = arith.constant 0 : i32
          %cond3A_307 = arith.cmpi ne, %convert_element_type3A_305, %cond3A_306 : i32
          scf.if %cond3A_307 {
            %add3A_331 = arith.constant 96 : i32
            %add3A_332 = arith.addi %multiple_of3A_261, %add3A_331 : i32
            %multiple_of3A_333 = tpu.assume_multiple %add3A_332, 8 : i32
            %dma_start3A = arith.constant 1 : i32
            %dma_start3A_334 = arith.constant 0 : i32
            %dma_start3A_335 = arith.constant 0 : i32
            %dma_start3A_336 = tpu.memref_slice %arg6[%dma_start3A, %dma_start3A_334, %dma_start3A_335] : memref<3x192x128xf32, #tpu.memory_space<vmem>> -> memref<1x96x128xf32, #tpu.memory_space<vmem>>
            %dma_start3A_337 = tpu.memref_squeeze %dma_start3A_336 : memref<1x96x128xf32, #tpu.memory_space<vmem>> -> memref<96x128xf32, #tpu.memory_space<vmem>>
            %dma_start3A_338 = arith.constant 0 : i32
            %dma_start3A_339 = tpu.memref_slice %arg2[%multiple_of3A_261, %dma_start3A_338] : memref<320000x128xf32, #tpu.memory_space<hbm>> -> memref<96x128xf32, #tpu.memory_space<hbm>>
            %dma_start3A_340 = arith.constant 0 : i32
            %dma_start3A_341 = arith.constant 0 : i32
            %dma_start3A_342 = tpu.memref_slice %arg6[%dma_start3A, %dma_start3A_340, %dma_start3A_341] : memref<3x192x128xf32, #tpu.memory_space<vmem>> -> memref<1x96x128xf32, #tpu.memory_space<vmem>>
            %dma_start3A_343 = tpu.memref_squeeze %dma_start3A_342 : memref<1x96x128xf32, #tpu.memory_space<vmem>> -> memref<96x128xf32, #tpu.memory_space<vmem>>
            %dma_start3A_344 = arith.constant 0 : i32
            %dma_start3A_345 = tpu.memref_slice %arg2[%multiple_of3A_261, %dma_start3A_344] : memref<320000x128xf32, #tpu.memory_space<hbm>> -> memref<96x128xf32, #tpu.memory_space<hbm>>
            tpu.enqueue_dma source(%dma_start3A_345 : memref<96x128xf32, #tpu.memory_space<hbm>>) target(%dma_start3A_343 : memref<96x128xf32, #tpu.memory_space<vmem>>) target_semaphore(%arg10 : memref<!tpu.dma_semaphore, #tpu.memory_space<semaphore_mem>>)
            %dma_start3A_346 = arith.constant 1 : i32
            %dma_start3A_347 = arith.constant 96 : i32
            %dma_start3A_348 = arith.constant 0 : i32
            %dma_start3A_349 = tpu.memref_slice %arg6[%dma_start3A_346, %dma_start3A_347, %dma_start3A_348] : memref<3x192x128xf32, #tpu.memory_space<vmem>> -> memref<1x96x128xf32, #tpu.memory_space<vmem>>
            %dma_start3A_350 = tpu.memref_squeeze %dma_start3A_349 : memref<1x96x128xf32, #tpu.memory_space<vmem>> -> memref<96x128xf32, #tpu.memory_space<vmem>>
            %dma_start3A_351 = arith.constant 0 : i32
            %dma_start3A_352 = tpu.memref_slice %arg2[%multiple_of3A_333, %dma_start3A_351] : memref<320000x128xf32, #tpu.memory_space<hbm>> -> memref<96x128xf32, #tpu.memory_space<hbm>>
            %dma_start3A_353 = arith.constant 96 : i32
            %dma_start3A_354 = arith.constant 0 : i32
            %dma_start3A_355 = tpu.memref_slice %arg6[%dma_start3A_346, %dma_start3A_353, %dma_start3A_354] : memref<3x192x128xf32, #tpu.memory_space<vmem>> -> memref<1x96x128xf32, #tpu.memory_space<vmem>>
            %dma_start3A_356 = tpu.memref_squeeze %dma_start3A_355 : memref<1x96x128xf32, #tpu.memory_space<vmem>> -> memref<96x128xf32, #tpu.memory_space<vmem>>
            %dma_start3A_357 = arith.constant 0 : i32
            %dma_start3A_358 = tpu.memref_slice %arg2[%multiple_of3A_333, %dma_start3A_357] : memref<320000x128xf32, #tpu.memory_space<hbm>> -> memref<96x128xf32, #tpu.memory_space<hbm>>
            tpu.enqueue_dma source(%dma_start3A_358 : memref<96x128xf32, #tpu.memory_space<hbm>>) target(%dma_start3A_356 : memref<96x128xf32, #tpu.memory_space<vmem>>) target_semaphore(%arg11 : memref<!tpu.dma_semaphore, #tpu.memory_space<semaphore_mem>>)
          } else {
          }
          %add3A_308 = arith.constant 2 : i32
          %add3A_309 = arith.addi %select_n3A_122, %add3A_308 : i32
          %jit3A_310 = arith.constant 3 : i32
          %eq3A_311 = arith.constant 0 : i32
          %eq3A_312 = arith.cmpi eq, %jit3A_310, %eq3A_311 : i32
          %jit3A_313 = arith.constant 1 : i32
          %select_n3A_314 = arith.select %eq3A_312, %jit3A_313, %jit3A_310 : i32
          %rem3A_315 = arith.remsi %add3A_309, %select_n3A_314 : i32
          %ne3A_316 = arith.constant 0 : i32
          %ne3A_317 = arith.cmpi ne, %rem3A_315, %ne3A_316 : i32
          %lt3A_318 = arith.constant 0 : i32
          %lt3A_319 = arith.cmpi slt, %rem3A_315, %lt3A_318 : i32
          %lt3A_320 = arith.constant 0 : i32
          %lt3A_321 = arith.cmpi slt, %select_n3A_314, %lt3A_320 : i32
          %ne3A_322 = arith.xori %lt3A_319, %lt3A_321 : i1
          %and3A_323 = arith.andi %ne3A_322, %ne3A_317 : i1
          %add3A_324 = arith.addi %rem3A_315, %select_n3A_314 : i32
          %select_n3A_325 = arith.select %and3A_323, %add3A_324, %rem3A_315 : i32
          %eq3A_326 = arith.constant 2 : i32
          %eq3A_327 = arith.cmpi eq, %select_n3A_325, %eq3A_326 : i32
          %convert_element_type3A_328 = arith.extui %eq3A_327 : i1 to i32
          %cond3A_329 = arith.constant 0 : i32
          %cond3A_330 = arith.cmpi ne, %convert_element_type3A_328, %cond3A_329 : i32
          scf.if %cond3A_330 {
            %add3A_331 = arith.constant 96 : i32
            %add3A_332 = arith.addi %multiple_of3A_261, %add3A_331 : i32
            %multiple_of3A_333 = tpu.assume_multiple %add3A_332, 8 : i32
            %dma_start3A = arith.constant 2 : i32
            %dma_start3A_334 = arith.constant 0 : i32
            %dma_start3A_335 = arith.constant 0 : i32
            %dma_start3A_336 = tpu.memref_slice %arg6[%dma_start3A, %dma_start3A_334, %dma_start3A_335] : memref<3x192x128xf32, #tpu.memory_space<vmem>> -> memref<1x96x128xf32, #tpu.memory_space<vmem>>
            %dma_start3A_337 = tpu.memref_squeeze %dma_start3A_336 : memref<1x96x128xf32, #tpu.memory_space<vmem>> -> memref<96x128xf32, #tpu.memory_space<vmem>>
            %dma_start3A_338 = arith.constant 0 : i32
            %dma_start3A_339 = tpu.memref_slice %arg2[%multiple_of3A_261, %dma_start3A_338] : memref<320000x128xf32, #tpu.memory_space<hbm>> -> memref<96x128xf32, #tpu.memory_space<hbm>>
            %dma_start3A_340 = arith.constant 0 : i32
            %dma_start3A_341 = arith.constant 0 : i32
            %dma_start3A_342 = tpu.memref_slice %arg6[%dma_start3A, %dma_start3A_340, %dma_start3A_341] : memref<3x192x128xf32, #tpu.memory_space<vmem>> -> memref<1x96x128xf32, #tpu.memory_space<vmem>>
            %dma_start3A_343 = tpu.memref_squeeze %dma_start3A_342 : memref<1x96x128xf32, #tpu.memory_space<vmem>> -> memref<96x128xf32, #tpu.memory_space<vmem>>
            %dma_start3A_344 = arith.constant 0 : i32
            %dma_start3A_345 = tpu.memref_slice %arg2[%multiple_of3A_261, %dma_start3A_344] : memref<320000x128xf32, #tpu.memory_space<hbm>> -> memref<96x128xf32, #tpu.memory_space<hbm>>
            tpu.enqueue_dma source(%dma_start3A_345 : memref<96x128xf32, #tpu.memory_space<hbm>>) target(%dma_start3A_343 : memref<96x128xf32, #tpu.memory_space<vmem>>) target_semaphore(%arg12 : memref<!tpu.dma_semaphore, #tpu.memory_space<semaphore_mem>>)
            %dma_start3A_346 = arith.constant 2 : i32
            %dma_start3A_347 = arith.constant 96 : i32
            %dma_start3A_348 = arith.constant 0 : i32
            %dma_start3A_349 = tpu.memref_slice %arg6[%dma_start3A_346, %dma_start3A_347, %dma_start3A_348] : memref<3x192x128xf32, #tpu.memory_space<vmem>> -> memref<1x96x128xf32, #tpu.memory_space<vmem>>
            %dma_start3A_350 = tpu.memref_squeeze %dma_start3A_349 : memref<1x96x128xf32, #tpu.memory_space<vmem>> -> memref<96x128xf32, #tpu.memory_space<vmem>>
            %dma_start3A_351 = arith.constant 0 : i32
            %dma_start3A_352 = tpu.memref_slice %arg2[%multiple_of3A_333, %dma_start3A_351] : memref<320000x128xf32, #tpu.memory_space<hbm>> -> memref<96x128xf32, #tpu.memory_space<hbm>>
            %dma_start3A_353 = arith.constant 96 : i32
            %dma_start3A_354 = arith.constant 0 : i32
            %dma_start3A_355 = tpu.memref_slice %arg6[%dma_start3A_346, %dma_start3A_353, %dma_start3A_354] : memref<3x192x128xf32, #tpu.memory_space<vmem>> -> memref<1x96x128xf32, #tpu.memory_space<vmem>>
            %dma_start3A_356 = tpu.memref_squeeze %dma_start3A_355 : memref<1x96x128xf32, #tpu.memory_space<vmem>> -> memref<96x128xf32, #tpu.memory_space<vmem>>
            %dma_start3A_357 = arith.constant 0 : i32
            %dma_start3A_358 = tpu.memref_slice %arg2[%multiple_of3A_333, %dma_start3A_357] : memref<320000x128xf32, #tpu.memory_space<hbm>> -> memref<96x128xf32, #tpu.memory_space<hbm>>
            tpu.enqueue_dma source(%dma_start3A_358 : memref<96x128xf32, #tpu.memory_space<hbm>>) target(%dma_start3A_356 : memref<96x128xf32, #tpu.memory_space<vmem>>) target_semaphore(%arg13 : memref<!tpu.dma_semaphore, #tpu.memory_space<semaphore_mem>>)
          } else {
          }
        } else {
        }
      } else {
      }
      %add3A_134 = arith.constant 1 : i32
      %add3A_135 = arith.addi %while3A_95, %add3A_134 : i32
      %get3A_136 = arith.index_cast %add3A_135 : i32 to index
      %get3A_137 = tpu.vector_load %arg5[%get3A_136] {strides = array<i32>} : memref<344xi32, #tpu.memory_space<vmem>>, vector<16xi32>,
      %get3A_138 = vector.shape_cast %get3A_137 : vector<16xi32> to vector<16xi32>
      %slice3A_139 = vector.extract_strided_slice %get3A_138 {offsets = [0], sizes = [1], strides = [1]} : vector<16xi32> to vector<1xi32>
      %squeeze3A_140 = vector.extract %slice3A_139[0] : i32 from vector<1xi32>
      %min3A_141 = arith.minsi %squeeze3A_140, %add3A_113 : i32
      %min3A_142 = arith.minsi %min3A_141, %squeeze3A_12 : i32
      %sub3A_143 = arith.subi %min3A_142, %while3A_94 : i32
      %jit3A_144 = arith.constant 8 : i32
      %div3A_145 = arith.divsi %sub3A_143, %jit3A_144 : i32
      %sign3A_146 = arith.constant 0 : i32
      %sign3A_147 = arith.cmpi sgt, %sub3A_143, %sign3A_146 : i32
      %sign3A_148 = arith.extui %sign3A_147 : i1 to i32
      %sign3A_149 = arith.constant 0 : i32
      %sign3A_150 = arith.cmpi slt, %sub3A_143, %sign3A_149 : i32
      %sign3A_151 = arith.extui %sign3A_150 : i1 to i32
      %sign3A_152 = arith.subi %sign3A_148, %sign3A_151 : i32
      %sign3A_153 = arith.constant 0 : i32
      %sign3A_154 = arith.cmpi sgt, %jit3A_144, %sign3A_153 : i32
      %sign3A_155 = arith.extui %sign3A_154 : i1 to i32
      %sign3A_156 = arith.constant 0 : i32
      %sign3A_157 = arith.cmpi slt, %jit3A_144, %sign3A_156 : i32
      %sign3A_158 = arith.extui %sign3A_157 : i1 to i32
      %sign3A_159 = arith.subi %sign3A_155, %sign3A_158 : i32
      %ne3A_160 = arith.cmpi ne, %sign3A_152, %sign3A_159 : i32
      %rem3A_161 = arith.remsi %sub3A_143, %jit3A_144 : i32
      %ne3A_162 = arith.constant 0 : i32
      %ne3A_163 = arith.cmpi ne, %rem3A_161, %ne3A_162 : i32
      %and3A_164 = arith.andi %ne3A_160, %ne3A_163 : i1
      %sub3A_165 = arith.constant 1 : i32
      %sub3A_166 = arith.subi %div3A_145, %sub3A_165 : i32
      %select_n3A_167 = arith.select %and3A_164, %sub3A_166, %div3A_145 : i32
      %while3A_168 = arith.constant 0 : i32
      %while3A_169 = arith.subi %select_n3A_167, %while3A_168 : i32
      %while3A_170 = arith.addi %while3A_168, %while3A_169 : i32
      %while3A_171 = arith.constant 1 : i32
      %while3A_172 = arith.divsi %while3A_169, %while3A_171 : i32
      %while3A_173 = arith.muli %while3A_172, %while3A_171 : i32
      %while3A_174 = arith.addi %while3A_168, %while3A_173 : i32
      %while3A_175 = arith.constant 1 : i32
      %while3A_176:8 = scf.for %while3A_233 = %while3A_168 to %while3A_174 step %while3A_175 iter_args(%while3A_234 = %while3A_99, %while3A_235 = %while3A_100, %while3A_236 = %while3A_101, %while3A_237 = %while3A_102, %while3A_238 = %while3A_103, %while3A_239 = %while3A_104, %while3A_240 = %while3A_105, %while3A_241 = %while3A_106) -> (vector<16xf32>, vector<16xf32>, vector<16xf32>, vector<16xf32>, vector<16xf32>, vector<16xf32>, vector<16xf32>, vector<16xf32>)  : i32 {
        %mul3A_242 = arith.constant 8 : i32
        %mul3A_243 = arith.muli %mul3A_242, %while3A_233 : i32
        %add3A_244 = arith.addi %while3A_94, %mul3A_243 : i32
        %sub3A_245 = arith.subi %add3A_244, %multiple_of3A_126 : i32
        %add3A_246 = arith.constant 0 : i32
        %add3A_247 = arith.addi %sub3A_245, %add3A_246 : i32
        %get3A_248 = arith.index_cast %select_n3A_122 : i32 to index
        %get3A_249 = arith.index_cast %add3A_247 : i32 to index
        %get3A_250 = arith.constant 0 : index
        %get3A_251 = tpu.vector_load %arg6[%get3A_248, %get3A_249, %get3A_250] {strides = array<i32>} : memref<3x192x128xf32, #tpu.memory_space<vmem>>, vector<1x1x16xf32>,
        %get3A_252 = vector.shape_cast %get3A_251 : vector<1x1x16xf32> to vector<16xf32>
        %add3A_253 = arith.addf %while3A_234, %get3A_252 : vector<16xf32>
        %add3A_254 = arith.constant 0 : i32
        %add3A_255 = arith.addi %sub3A_245, %add3A_254 : i32
        %get3A_256 = arith.index_cast %select_n3A_122 : i32 to index
        %get3A_257 = arith.index_cast %add3A_255 : i32 to index
        %get3A_258 = arith.constant 16 : index
        %get3A_259 = tpu.vector_load %arg6[%get3A_256, %get3A_257, %get3A_258] {strides = array<i32>} : memref<3x192x128xf32, #tpu.memory_space<vmem>>, vector<1x1x16xf32>,
        %get3A_260 = vector.shape_cast %get3A_259 : vector<1x1x16xf32> to vector<16xf32>
        %add3A_261 = arith.addf %while3A_235, %get3A_260 : vector<16xf32>
        %add3A_262 = arith.constant 0 : i32
        %add3A_263 = arith.addi %sub3A_245, %add3A_262 : i32
        %get3A_264 = arith.index_cast %select_n3A_122 : i32 to index
        %get3A_265 = arith.index_cast %add3A_263 : i32 to index
        %get3A_266 = arith.constant 32 : index
        %get3A_267 = tpu.vector_load %arg6[%get3A_264, %get3A_265, %get3A_266] {strides = array<i32>} : memref<3x192x128xf32, #tpu.memory_space<vmem>>, vector<1x1x16xf32>,
        %get3A_268 = vector.shape_cast %get3A_267 : vector<1x1x16xf32> to vector<16xf32>
        %add3A_269 = arith.addf %while3A_236, %get3A_268 : vector<16xf32>
        %add3A_270 = arith.constant 0 : i32
        %add3A_271 = arith.addi %sub3A_245, %add3A_270 : i32
        %get3A_272 = arith.index_cast %select_n3A_122 : i32 to index
        %get3A_273 = arith.index_cast %add3A_271 : i32 to index
        %get3A_274 = arith.constant 48 : index
        %get3A_275 = tpu.vector_load %arg6[%get3A_272, %get3A_273, %get3A_274] {strides = array<i32>} : memref<3x192x128xf32, #tpu.memory_space<vmem>>, vector<1x1x16xf32>,
        %get3A_276 = vector.shape_cast %get3A_275 : vector<1x1x16xf32> to vector<16xf32>
        %add3A_277 = arith.addf %while3A_237, %get3A_276 : vector<16xf32>
        %add3A_278 = arith.constant 0 : i32
        %add3A_279 = arith.addi %sub3A_245, %add3A_278 : i32
        %get3A_280 = arith.index_cast %select_n3A_122 : i32 to index
        %get3A_281 = arith.index_cast %add3A_279 : i32 to index
        %get3A_282 = arith.constant 64 : index
        %get3A_283 = tpu.vector_load %arg6[%get3A_280, %get3A_281, %get3A_282] {strides = array<i32>} : memref<3x192x128xf32, #tpu.memory_space<vmem>>, vector<1x1x16xf32>,
        %get3A_284 = vector.shape_cast %get3A_283 : vector<1x1x16xf32> to vector<16xf32>
        %add3A_285 = arith.addf %while3A_238, %get3A_284 : vector<16xf32>
        %add3A_286 = arith.constant 0 : i32
        %add3A_287 = arith.addi %sub3A_245, %add3A_286 : i32
        %get3A_288 = arith.index_cast %select_n3A_122 : i32 to index
        %get3A_289 = arith.index_cast %add3A_287 : i32 to index
        %get3A_290 = arith.constant 80 : index
        %get3A_291 = tpu.vector_load %arg6[%get3A_288, %get3A_289, %get3A_290] {strides = array<i32>} : memref<3x192x128xf32, #tpu.memory_space<vmem>>, vector<1x1x16xf32>,
        %get3A_292 = vector.shape_cast %get3A_291 : vector<1x1x16xf32> to vector<16xf32>
        %add3A_293 = arith.addf %while3A_239, %get3A_292 : vector<16xf32>
        %add3A_294 = arith.constant 0 : i32
        %add3A_295 = arith.addi %sub3A_245, %add3A_294 : i32
        %get3A_296 = arith.index_cast %select_n3A_122 : i32 to index
        %get3A_297 = arith.index_cast %add3A_295 : i32 to index
        %get3A_298 = arith.constant 96 : index
        %get3A_299 = tpu.vector_load %arg6[%get3A_296, %get3A_297, %get3A_298] {strides = array<i32>} : memref<3x192x128xf32, #tpu.memory_space<vmem>>, vector<1x1x16xf32>,
        %get3A_300 = vector.shape_cast %get3A_299 : vector<1x1x16xf32> to vector<16xf32>
        %add3A_301 = arith.addf %while3A_240, %get3A_300 : vector<16xf32>
        %add3A_302 = arith.constant 0 : i32
        %add3A_303 = arith.addi %sub3A_245, %add3A_302 : i32
        %get3A_304 = arith.index_cast %select_n3A_122 : i32 to index
        %get3A_305 = arith.index_cast %add3A_303 : i32 to index
        %get3A_306 = arith.constant 112 : index
        %get3A_307 = tpu.vector_load %arg6[%get3A_304, %get3A_305, %get3A_306] {strides = array<i32>} : memref<3x192x128xf32, #tpu.memory_space<vmem>>, vector<1x1x16xf32>,
        %get3A_308 = vector.shape_cast %get3A_307 : vector<1x1x16xf32> to vector<16xf32>
        %add3A_309 = arith.addf %while3A_241, %get3A_308 : vector<16xf32>
        %add3A_310 = arith.constant 1 : i32
        %add3A_311 = arith.addi %sub3A_245, %add3A_310 : i32
        %get3A_312 = arith.index_cast %select_n3A_122 : i32 to index
        %get3A_313 = arith.index_cast %add3A_311 : i32 to index
        %get3A_314 = arith.constant 0 : index
        %get3A_315 = tpu.vector_load %arg6[%get3A_312, %get3A_313, %get3A_314] {strides = array<i32>} : memref<3x192x128xf32, #tpu.memory_space<vmem>>, vector<1x1x16xf32>,
        %get3A_316 = vector.shape_cast %get3A_315 : vector<1x1x16xf32> to vector<16xf32>
        %add3A_317 = arith.addf %add3A_253, %get3A_316 : vector<16xf32>
        %add3A_318 = arith.constant 1 : i32
        %add3A_319 = arith.addi %sub3A_245, %add3A_318 : i32
        %get3A_320 = arith.index_cast %select_n3A_122 : i32 to index
        %get3A_321 = arith.index_cast %add3A_319 : i32 to index
        %get3A_322 = arith.constant 16 : index
        %get3A_323 = tpu.vector_load %arg6[%get3A_320, %get3A_321, %get3A_322] {strides = array<i32>} : memref<3x192x128xf32, #tpu.memory_space<vmem>>, vector<1x1x16xf32>,
        %get3A_324 = vector.shape_cast %get3A_323 : vector<1x1x16xf32> to vector<16xf32>
        %add3A_325 = arith.addf %add3A_261, %get3A_324 : vector<16xf32>
        %add3A_326 = arith.constant 1 : i32
        %add3A_327 = arith.addi %sub3A_245, %add3A_326 : i32
        %get3A_328 = arith.index_cast %select_n3A_122 : i32 to index
        %get3A_329 = arith.index_cast %add3A_327 : i32 to index
        %get3A_330 = arith.constant 32 : index
        %get3A_331 = tpu.vector_load %arg6[%get3A_328, %get3A_329, %get3A_330] {strides = array<i32>} : memref<3x192x128xf32, #tpu.memory_space<vmem>>, vector<1x1x16xf32>,
        %get3A_332 = vector.shape_cast %get3A_331 : vector<1x1x16xf32> to vector<16xf32>
        %add3A_333 = arith.addf %add3A_269, %get3A_332 : vector<16xf32>
        %add3A_334 = arith.constant 1 : i32
        %add3A_335 = arith.addi %sub3A_245, %add3A_334 : i32
        %get3A_336 = arith.index_cast %select_n3A_122 : i32 to index
        %get3A_337 = arith.index_cast %add3A_335 : i32 to index
        %get3A_338 = arith.constant 48 : index
        %get3A_339 = tpu.vector_load %arg6[%get3A_336, %get3A_337, %get3A_338] {strides = array<i32>} : memref<3x192x128xf32, #tpu.memory_space<vmem>>, vector<1x1x16xf32>,
        %get3A_340 = vector.shape_cast %get3A_339 : vector<1x1x16xf32> to vector<16xf32>
        %add3A_341 = arith.addf %add3A_277, %get3A_340 : vector<16xf32>
        %add3A_342 = arith.constant 1 : i32
        %add3A_343 = arith.addi %sub3A_245, %add3A_342 : i32
        %get3A_344 = arith.index_cast %select_n3A_122 : i32 to index
        %get3A_345 = arith.index_cast %add3A_343 : i32 to index
        %get3A_346 = arith.constant 64 : index
        %get3A_347 = tpu.vector_load %arg6[%get3A_344, %get3A_345, %get3A_346] {strides = array<i32>} : memref<3x192x128xf32, #tpu.memory_space<vmem>>, vector<1x1x16xf32>,
        %get3A_348 = vector.shape_cast %get3A_347 : vector<1x1x16xf32> to vector<16xf32>
        %add3A_349 = arith.addf %add3A_285, %get3A_348 : vector<16xf32>
        %add3A_350 = arith.constant 1 : i32
        %add3A_351 = arith.addi %sub3A_245, %add3A_350 : i32
        %get3A_352 = arith.index_cast %select_n3A_122 : i32 to index
        %get3A_353 = arith.index_cast %add3A_351 : i32 to index
        %get3A_354 = arith.constant 80 : index
        %get3A_355 = tpu.vector_load %arg6[%get3A_352, %get3A_353, %get3A_354] {strides = array<i32>} : memref<3x192x128xf32, #tpu.memory_space<vmem>>, vector<1x1x16xf32>,
        %get3A_356 = vector.shape_cast %get3A_355 : vector<1x1x16xf32> to vector<16xf32>
        %add3A_357 = arith.addf %add3A_293, %get3A_356 : vector<16xf32>
        %add3A_358 = arith.constant 1 : i32
        %add3A_359 = arith.addi %sub3A_245, %add3A_358 : i32
        %get3A_360 = arith.index_cast %select_n3A_122 : i32 to index
        %get3A_361 = arith.index_cast %add3A_359 : i32 to index
        %get3A_362 = arith.constant 96 : index
        %get3A_363 = tpu.vector_load %arg6[%get3A_360, %get3A_361, %get3A_362] {strides = array<i32>} : memref<3x192x128xf32, #tpu.memory_space<vmem>>, vector<1x1x16xf32>,
        %get3A_364 = vector.shape_cast %get3A_363 : vector<1x1x16xf32> to vector<16xf32>
        %add3A_365 = arith.addf %add3A_301, %get3A_364 : vector<16xf32>
        %add3A_366 = arith.constant 1 : i32
        %add3A_367 = arith.addi %sub3A_245, %add3A_366 : i32
        %get3A_368 = arith.index_cast %select_n3A_122 : i32 to index
        %get3A_369 = arith.index_cast %add3A_367 : i32 to index
        %get3A_370 = arith.constant 112 : index
        %get3A_371 = tpu.vector_load %arg6[%get3A_368, %get3A_369, %get3A_370] {strides = array<i32>} : memref<3x192x128xf32, #tpu.memory_space<vmem>>, vector<1x1x16xf32>,
        %get3A_372 = vector.shape_cast %get3A_371 : vector<1x1x16xf32> to vector<16xf32>
        %add3A_373 = arith.addf %add3A_309, %get3A_372 : vector<16xf32>
        %add3A_374 = arith.constant 2 : i32
        %add3A_375 = arith.addi %sub3A_245, %add3A_374 : i32
        %get3A_376 = arith.index_cast %select_n3A_122 : i32 to index
        %get3A_377 = arith.index_cast %add3A_375 : i32 to index
        %get3A_378 = arith.constant 0 : index
        %get3A_379 = tpu.vector_load %arg6[%get3A_376, %get3A_377, %get3A_378] {strides = array<i32>} : memref<3x192x128xf32, #tpu.memory_space<vmem>>, vector<1x1x16xf32>,
        %get3A_380 = vector.shape_cast %get3A_379 : vector<1x1x16xf32> to vector<16xf32>
        %add3A_381 = arith.addf %add3A_317, %get3A_380 : vector<16xf32>
        %add3A_382 = arith.constant 2 : i32
        %add3A_383 = arith.addi %sub3A_245, %add3A_382 : i32
        %get3A_384 = arith.index_cast %select_n3A_122 : i32 to index
        %get3A_385 = arith.index_cast %add3A_383 : i32 to index
        %get3A_386 = arith.constant 16 : index
        %get3A_387 = tpu.vector_load %arg6[%get3A_384, %get3A_385, %get3A_386] {strides = array<i32>} : memref<3x192x128xf32, #tpu.memory_space<vmem>>, vector<1x1x16xf32>,
        %get3A_388 = vector.shape_cast %get3A_387 : vector<1x1x16xf32> to vector<16xf32>
        %add3A_389 = arith.addf %add3A_325, %get3A_388 : vector<16xf32>
        %add3A_390 = arith.constant 2 : i32
        %add3A_391 = arith.addi %sub3A_245, %add3A_390 : i32
        %get3A_392 = arith.index_cast %select_n3A_122 : i32 to index
        %get3A_393 = arith.index_cast %add3A_391 : i32 to index
        %get3A_394 = arith.constant 32 : index
        %get3A_395 = tpu.vector_load %arg6[%get3A_392, %get3A_393, %get3A_394] {strides = array<i32>} : memref<3x192x128xf32, #tpu.memory_space<vmem>>, vector<1x1x16xf32>,
        %get3A_396 = vector.shape_cast %get3A_395 : vector<1x1x16xf32> to vector<16xf32>
        %add3A_397 = arith.addf %add3A_333, %get3A_396 : vector<16xf32>
        %add3A_398 = arith.constant 2 : i32
        %add3A_399 = arith.addi %sub3A_245, %add3A_398 : i32
        %get3A_400 = arith.index_cast %select_n3A_122 : i32 to index
        %get3A_401 = arith.index_cast %add3A_399 : i32 to index
        %get3A_402 = arith.constant 48 : index
        %get3A_403 = tpu.vector_load %arg6[%get3A_400, %get3A_401, %get3A_402] {strides = array<i32>} : memref<3x192x128xf32, #tpu.memory_space<vmem>>, vector<1x1x16xf32>,
        %get3A_404 = vector.shape_cast %get3A_403 : vector<1x1x16xf32> to vector<16xf32>
        %add3A_405 = arith.addf %add3A_341, %get3A_404 : vector<16xf32>
        %add3A_406 = arith.constant 2 : i32
        %add3A_407 = arith.addi %sub3A_245, %add3A_406 : i32
        %get3A_408 = arith.index_cast %select_n3A_122 : i32 to index
        %get3A_409 = arith.index_cast %add3A_407 : i32 to index
        %get3A_410 = arith.constant 64 : index
        %get3A_411 = tpu.vector_load %arg6[%get3A_408, %get3A_409, %get3A_410] {strides = array<i32>} : memref<3x192x128xf32, #tpu.memory_space<vmem>>, vector<1x1x16xf32>,
        %get3A_412 = vector.shape_cast %get3A_411 : vector<1x1x16xf32> to vector<16xf32>
        %add3A_413 = arith.addf %add3A_349, %get3A_412 : vector<16xf32>
        %add3A_414 = arith.constant 2 : i32
        %add3A_415 = arith.addi %sub3A_245, %add3A_414 : i32
        %get3A_416 = arith.index_cast %select_n3A_122 : i32 to index
        %get3A_417 = arith.index_cast %add3A_415 : i32 to index
        %get3A_418 = arith.constant 80 : index
        %get3A_419 = tpu.vector_load %arg6[%get3A_416, %get3A_417, %get3A_418] {strides = array<i32>} : memref<3x192x128xf32, #tpu.memory_space<vmem>>, vector<1x1x16xf32>,
        %get3A_420 = vector.shape_cast %get3A_419 : vector<1x1x16xf32> to vector<16xf32>
        %add3A_421 = arith.addf %add3A_357, %get3A_420 : vector<16xf32>
        %add3A_422 = arith.constant 2 : i32
        %add3A_423 = arith.addi %sub3A_245, %add3A_422 : i32
        %get3A_424 = arith.index_cast %select_n3A_122 : i32 to index
        %get3A_425 = arith.index_cast %add3A_423 : i32 to index
        %get3A_426 = arith.constant 96 : index
        %get3A_427 = tpu.vector_load %arg6[%get3A_424, %get3A_425, %get3A_426] {strides = array<i32>} : memref<3x192x128xf32, #tpu.memory_space<vmem>>, vector<1x1x16xf32>,
        %get3A_428 = vector.shape_cast %get3A_427 : vector<1x1x16xf32> to vector<16xf32>
        %add3A_429 = arith.addf %add3A_365, %get3A_428 : vector<16xf32>
        %add3A_430 = arith.constant 2 : i32
        %add3A_431 = arith.addi %sub3A_245, %add3A_430 : i32
        %get3A_432 = arith.index_cast %select_n3A_122 : i32 to index
        %get3A_433 = arith.index_cast %add3A_431 : i32 to index
        %get3A_434 = arith.constant 112 : index
        %get3A_435 = tpu.vector_load %arg6[%get3A_432, %get3A_433, %get3A_434] {strides = array<i32>} : memref<3x192x128xf32, #tpu.memory_space<vmem>>, vector<1x1x16xf32>,
        %get3A_436 = vector.shape_cast %get3A_435 : vector<1x1x16xf32> to vector<16xf32>
        %add3A_437 = arith.addf %add3A_373, %get3A_436 : vector<16xf32>
        %add3A_438 = arith.constant 3 : i32
        %add3A_439 = arith.addi %sub3A_245, %add3A_438 : i32
        %get3A_440 = arith.index_cast %select_n3A_122 : i32 to index
        %get3A_441 = arith.index_cast %add3A_439 : i32 to index
        %get3A_442 = arith.constant 0 : index
        %get3A_443 = tpu.vector_load %arg6[%get3A_440, %get3A_441, %get3A_442] {strides = array<i32>} : memref<3x192x128xf32, #tpu.memory_space<vmem>>, vector<1x1x16xf32>,
        %get3A_444 = vector.shape_cast %get3A_443 : vector<1x1x16xf32> to vector<16xf32>
        %add3A_445 = arith.addf %add3A_381, %get3A_444 : vector<16xf32>
        %add3A_446 = arith.constant 3 : i32
        %add3A_447 = arith.addi %sub3A_245, %add3A_446 : i32
        %get3A_448 = arith.index_cast %select_n3A_122 : i32 to index
        %get3A_449 = arith.index_cast %add3A_447 : i32 to index
        %get3A_450 = arith.constant 16 : index
        %get3A_451 = tpu.vector_load %arg6[%get3A_448, %get3A_449, %get3A_450] {strides = array<i32>} : memref<3x192x128xf32, #tpu.memory_space<vmem>>, vector<1x1x16xf32>,
        %get3A_452 = vector.shape_cast %get3A_451 : vector<1x1x16xf32> to vector<16xf32>
        %add3A_453 = arith.addf %add3A_389, %get3A_452 : vector<16xf32>
        %add3A_454 = arith.constant 3 : i32
        %add3A_455 = arith.addi %sub3A_245, %add3A_454 : i32
        %get3A_456 = arith.index_cast %select_n3A_122 : i32 to index
        %get3A_457 = arith.index_cast %add3A_455 : i32 to index
        %get3A_458 = arith.constant 32 : index
        %get3A_459 = tpu.vector_load %arg6[%get3A_456, %get3A_457, %get3A_458] {strides = array<i32>} : memref<3x192x128xf32, #tpu.memory_space<vmem>>, vector<1x1x16xf32>,
        %get3A_460 = vector.shape_cast %get3A_459 : vector<1x1x16xf32> to vector<16xf32>
        %add3A_461 = arith.addf %add3A_397, %get3A_460 : vector<16xf32>
        %add3A_462 = arith.constant 3 : i32
        %add3A_463 = arith.addi %sub3A_245, %add3A_462 : i32
        %get3A_464 = arith.index_cast %select_n3A_122 : i32 to index
        %get3A_465 = arith.index_cast %add3A_463 : i32 to index
        %get3A_466 = arith.constant 48 : index
        %get3A_467 = tpu.vector_load %arg6[%get3A_464, %get3A_465, %get3A_466] {strides = array<i32>} : memref<3x192x128xf32, #tpu.memory_space<vmem>>, vector<1x1x16xf32>,
        %get3A_468 = vector.shape_cast %get3A_467 : vector<1x1x16xf32> to vector<16xf32>
        %add3A_469 = arith.addf %add3A_405, %get3A_468 : vector<16xf32>
        %add3A_470 = arith.constant 3 : i32
        %add3A_471 = arith.addi %sub3A_245, %add3A_470 : i32
        %get3A_472 = arith.index_cast %select_n3A_122 : i32 to index
        %get3A_473 = arith.index_cast %add3A_471 : i32 to index
        %get3A_474 = arith.constant 64 : index
        %get3A_475 = tpu.vector_load %arg6[%get3A_472, %get3A_473, %get3A_474] {strides = array<i32>} : memref<3x192x128xf32, #tpu.memory_space<vmem>>, vector<1x1x16xf32>,
        %get3A_476 = vector.shape_cast %get3A_475 : vector<1x1x16xf32> to vector<16xf32>
        %add3A_477 = arith.addf %add3A_413, %get3A_476 : vector<16xf32>
        %add3A_478 = arith.constant 3 : i32
        %add3A_479 = arith.addi %sub3A_245, %add3A_478 : i32
        %get3A_480 = arith.index_cast %select_n3A_122 : i32 to index
        %get3A_481 = arith.index_cast %add3A_479 : i32 to index
        %get3A_482 = arith.constant 80 : index
        %get3A_483 = tpu.vector_load %arg6[%get3A_480, %get3A_481, %get3A_482] {strides = array<i32>} : memref<3x192x128xf32, #tpu.memory_space<vmem>>, vector<1x1x16xf32>,
        %get3A_484 = vector.shape_cast %get3A_483 : vector<1x1x16xf32> to vector<16xf32>
        %add3A_485 = arith.addf %add3A_421, %get3A_484 : vector<16xf32>
        %add3A_486 = arith.constant 3 : i32
        %add3A_487 = arith.addi %sub3A_245, %add3A_486 : i32
        %get3A_488 = arith.index_cast %select_n3A_122 : i32 to index
        %get3A_489 = arith.index_cast %add3A_487 : i32 to index
        %get3A_490 = arith.constant 96 : index
        %get3A_491 = tpu.vector_load %arg6[%get3A_488, %get3A_489, %get3A_490] {strides = array<i32>} : memref<3x192x128xf32, #tpu.memory_space<vmem>>, vector<1x1x16xf32>,
        %get3A_492 = vector.shape_cast %get3A_491 : vector<1x1x16xf32> to vector<16xf32>
        %add3A_493 = arith.addf %add3A_429, %get3A_492 : vector<16xf32>
        %add3A_494 = arith.constant 3 : i32
        %add3A_495 = arith.addi %sub3A_245, %add3A_494 : i32
        %get3A_496 = arith.index_cast %select_n3A_122 : i32 to index
        %get3A_497 = arith.index_cast %add3A_495 : i32 to index
        %get3A_498 = arith.constant 112 : index
        %get3A_499 = tpu.vector_load %arg6[%get3A_496, %get3A_497, %get3A_498] {strides = array<i32>} : memref<3x192x128xf32, #tpu.memory_space<vmem>>, vector<1x1x16xf32>,
        %get3A_500 = vector.shape_cast %get3A_499 : vector<1x1x16xf32> to vector<16xf32>
        %add3A_501 = arith.addf %add3A_437, %get3A_500 : vector<16xf32>
        %add3A_502 = arith.constant 4 : i32
        %add3A_503 = arith.addi %sub3A_245, %add3A_502 : i32
        %get3A_504 = arith.index_cast %select_n3A_122 : i32 to index
        %get3A_505 = arith.index_cast %add3A_503 : i32 to index
        %get3A_506 = arith.constant 0 : index
        %get3A_507 = tpu.vector_load %arg6[%get3A_504, %get3A_505, %get3A_506] {strides = array<i32>} : memref<3x192x128xf32, #tpu.memory_space<vmem>>, vector<1x1x16xf32>,
        %get3A_508 = vector.shape_cast %get3A_507 : vector<1x1x16xf32> to vector<16xf32>
        %add3A_509 = arith.addf %add3A_445, %get3A_508 : vector<16xf32>
        %add3A_510 = arith.constant 4 : i32
        %add3A_511 = arith.addi %sub3A_245, %add3A_510 : i32
        %get3A_512 = arith.index_cast %select_n3A_122 : i32 to index
        %get3A_513 = arith.index_cast %add3A_511 : i32 to index
        %get3A_514 = arith.constant 16 : index
        %get3A_515 = tpu.vector_load %arg6[%get3A_512, %get3A_513, %get3A_514] {strides = array<i32>} : memref<3x192x128xf32, #tpu.memory_space<vmem>>, vector<1x1x16xf32>,
        %get3A_516 = vector.shape_cast %get3A_515 : vector<1x1x16xf32> to vector<16xf32>
        %add3A_517 = arith.addf %add3A_453, %get3A_516 : vector<16xf32>
        %add3A_518 = arith.constant 4 : i32
        %add3A_519 = arith.addi %sub3A_245, %add3A_518 : i32
        %get3A_520 = arith.index_cast %select_n3A_122 : i32 to index
        %get3A_521 = arith.index_cast %add3A_519 : i32 to index
        %get3A_522 = arith.constant 32 : index
        %get3A_523 = tpu.vector_load %arg6[%get3A_520, %get3A_521, %get3A_522] {strides = array<i32>} : memref<3x192x128xf32, #tpu.memory_space<vmem>>, vector<1x1x16xf32>,
        %get3A_524 = vector.shape_cast %get3A_523 : vector<1x1x16xf32> to vector<16xf32>
        %add3A_525 = arith.addf %add3A_461, %get3A_524 : vector<16xf32>
        %add3A_526 = arith.constant 4 : i32
        %add3A_527 = arith.addi %sub3A_245, %add3A_526 : i32
        %get3A_528 = arith.index_cast %select_n3A_122 : i32 to index
        %get3A_529 = arith.index_cast %add3A_527 : i32 to index
        %get3A_530 = arith.constant 48 : index
        %get3A_531 = tpu.vector_load %arg6[%get3A_528, %get3A_529, %get3A_530] {strides = array<i32>} : memref<3x192x128xf32, #tpu.memory_space<vmem>>, vector<1x1x16xf32>,
        %get3A_532 = vector.shape_cast %get3A_531 : vector<1x1x16xf32> to vector<16xf32>
        %add3A_533 = arith.addf %add3A_469, %get3A_532 : vector<16xf32>
        %add3A_534 = arith.constant 4 : i32
        %add3A_535 = arith.addi %sub3A_245, %add3A_534 : i32
        %get3A_536 = arith.index_cast %select_n3A_122 : i32 to index
        %get3A_537 = arith.index_cast %add3A_535 : i32 to index
        %get3A_538 = arith.constant 64 : index
        %get3A_539 = tpu.vector_load %arg6[%get3A_536, %get3A_537, %get3A_538] {strides = array<i32>} : memref<3x192x128xf32, #tpu.memory_space<vmem>>, vector<1x1x16xf32>,
        %get3A_540 = vector.shape_cast %get3A_539 : vector<1x1x16xf32> to vector<16xf32>
        %add3A_541 = arith.addf %add3A_477, %get3A_540 : vector<16xf32>
        %add3A_542 = arith.constant 4 : i32
        %add3A_543 = arith.addi %sub3A_245, %add3A_542 : i32
        %get3A_544 = arith.index_cast %select_n3A_122 : i32 to index
        %get3A_545 = arith.index_cast %add3A_543 : i32 to index
        %get3A_546 = arith.constant 80 : index
        %get3A_547 = tpu.vector_load %arg6[%get3A_544, %get3A_545, %get3A_546] {strides = array<i32>} : memref<3x192x128xf32, #tpu.memory_space<vmem>>, vector<1x1x16xf32>,
        %get3A_548 = vector.shape_cast %get3A_547 : vector<1x1x16xf32> to vector<16xf32>
        %add3A_549 = arith.addf %add3A_485, %get3A_548 : vector<16xf32>
        %add3A_550 = arith.constant 4 : i32
        %add3A_551 = arith.addi %sub3A_245, %add3A_550 : i32
        %get3A_552 = arith.index_cast %select_n3A_122 : i32 to index
        %get3A_553 = arith.index_cast %add3A_551 : i32 to index
        %get3A_554 = arith.constant 96 : index
        %get3A_555 = tpu.vector_load %arg6[%get3A_552, %get3A_553, %get3A_554] {strides = array<i32>} : memref<3x192x128xf32, #tpu.memory_space<vmem>>, vector<1x1x16xf32>,
        %get3A_556 = vector.shape_cast %get3A_555 : vector<1x1x16xf32> to vector<16xf32>
        %add3A_557 = arith.addf %add3A_493, %get3A_556 : vector<16xf32>
        %add3A_558 = arith.constant 4 : i32
        %add3A_559 = arith.addi %sub3A_245, %add3A_558 : i32
        %get3A_560 = arith.index_cast %select_n3A_122 : i32 to index
        %get3A_561 = arith.index_cast %add3A_559 : i32 to index
        %get3A_562 = arith.constant 112 : index
        %get3A_563 = tpu.vector_load %arg6[%get3A_560, %get3A_561, %get3A_562] {strides = array<i32>} : memref<3x192x128xf32, #tpu.memory_space<vmem>>, vector<1x1x16xf32>,
        %get3A_564 = vector.shape_cast %get3A_563 : vector<1x1x16xf32> to vector<16xf32>
        %add3A_565 = arith.addf %add3A_501, %get3A_564 : vector<16xf32>
        %add3A_566 = arith.constant 5 : i32
        %add3A_567 = arith.addi %sub3A_245, %add3A_566 : i32
        %get3A_568 = arith.index_cast %select_n3A_122 : i32 to index
        %get3A_569 = arith.index_cast %add3A_567 : i32 to index
        %get3A_570 = arith.constant 0 : index
        %get3A_571 = tpu.vector_load %arg6[%get3A_568, %get3A_569, %get3A_570] {strides = array<i32>} : memref<3x192x128xf32, #tpu.memory_space<vmem>>, vector<1x1x16xf32>,
        %get3A_572 = vector.shape_cast %get3A_571 : vector<1x1x16xf32> to vector<16xf32>
        %add3A_573 = arith.addf %add3A_509, %get3A_572 : vector<16xf32>
        %add3A_574 = arith.constant 5 : i32
        %add3A_575 = arith.addi %sub3A_245, %add3A_574 : i32
        %get3A_576 = arith.index_cast %select_n3A_122 : i32 to index
        %get3A_577 = arith.index_cast %add3A_575 : i32 to index
        %get3A_578 = arith.constant 16 : index
        %get3A_579 = tpu.vector_load %arg6[%get3A_576, %get3A_577, %get3A_578] {strides = array<i32>} : memref<3x192x128xf32, #tpu.memory_space<vmem>>, vector<1x1x16xf32>,
        %get3A_580 = vector.shape_cast %get3A_579 : vector<1x1x16xf32> to vector<16xf32>
        %add3A_581 = arith.addf %add3A_517, %get3A_580 : vector<16xf32>
        %add3A_582 = arith.constant 5 : i32
        %add3A_583 = arith.addi %sub3A_245, %add3A_582 : i32
        %get3A_584 = arith.index_cast %select_n3A_122 : i32 to index
        %get3A_585 = arith.index_cast %add3A_583 : i32 to index
        %get3A_586 = arith.constant 32 : index
        %get3A_587 = tpu.vector_load %arg6[%get3A_584, %get3A_585, %get3A_586] {strides = array<i32>} : memref<3x192x128xf32, #tpu.memory_space<vmem>>, vector<1x1x16xf32>,
        %get3A_588 = vector.shape_cast %get3A_587 : vector<1x1x16xf32> to vector<16xf32>
        %add3A_589 = arith.addf %add3A_525, %get3A_588 : vector<16xf32>
        %add3A_590 = arith.constant 5 : i32
        %add3A_591 = arith.addi %sub3A_245, %add3A_590 : i32
        %get3A_592 = arith.index_cast %select_n3A_122 : i32 to index
        %get3A_593 = arith.index_cast %add3A_591 : i32 to index
        %get3A_594 = arith.constant 48 : index
        %get3A_595 = tpu.vector_load %arg6[%get3A_592, %get3A_593, %get3A_594] {strides = array<i32>} : memref<3x192x128xf32, #tpu.memory_space<vmem>>, vector<1x1x16xf32>,
        %get3A_596 = vector.shape_cast %get3A_595 : vector<1x1x16xf32> to vector<16xf32>
        %add3A_597 = arith.addf %add3A_533, %get3A_596 : vector<16xf32>
        %add3A_598 = arith.constant 5 : i32
        %add3A_599 = arith.addi %sub3A_245, %add3A_598 : i32
        %get3A_600 = arith.index_cast %select_n3A_122 : i32 to index
        %get3A_601 = arith.index_cast %add3A_599 : i32 to index
        %get3A_602 = arith.constant 64 : index
        %get3A_603 = tpu.vector_load %arg6[%get3A_600, %get3A_601, %get3A_602] {strides = array<i32>} : memref<3x192x128xf32, #tpu.memory_space<vmem>>, vector<1x1x16xf32>,
        %get3A_604 = vector.shape_cast %get3A_603 : vector<1x1x16xf32> to vector<16xf32>
        %add3A_605 = arith.addf %add3A_541, %get3A_604 : vector<16xf32>
        %add3A_606 = arith.constant 5 : i32
        %add3A_607 = arith.addi %sub3A_245, %add3A_606 : i32
        %get3A_608 = arith.index_cast %select_n3A_122 : i32 to index
        %get3A_609 = arith.index_cast %add3A_607 : i32 to index
        %get3A_610 = arith.constant 80 : index
        %get3A_611 = tpu.vector_load %arg6[%get3A_608, %get3A_609, %get3A_610] {strides = array<i32>} : memref<3x192x128xf32, #tpu.memory_space<vmem>>, vector<1x1x16xf32>,
        %get3A_612 = vector.shape_cast %get3A_611 : vector<1x1x16xf32> to vector<16xf32>
        %add3A_613 = arith.addf %add3A_549, %get3A_612 : vector<16xf32>
        %add3A_614 = arith.constant 5 : i32
        %add3A_615 = arith.addi %sub3A_245, %add3A_614 : i32
        %get3A_616 = arith.index_cast %select_n3A_122 : i32 to index
        %get3A_617 = arith.index_cast %add3A_615 : i32 to index
        %get3A_618 = arith.constant 96 : index
        %get3A_619 = tpu.vector_load %arg6[%get3A_616, %get3A_617, %get3A_618] {strides = array<i32>} : memref<3x192x128xf32, #tpu.memory_space<vmem>>, vector<1x1x16xf32>,
        %get3A_620 = vector.shape_cast %get3A_619 : vector<1x1x16xf32> to vector<16xf32>
        %add3A_621 = arith.addf %add3A_557, %get3A_620 : vector<16xf32>
        %add3A_622 = arith.constant 5 : i32
        %add3A_623 = arith.addi %sub3A_245, %add3A_622 : i32
        %get3A_624 = arith.index_cast %select_n3A_122 : i32 to index
        %get3A_625 = arith.index_cast %add3A_623 : i32 to index
        %get3A_626 = arith.constant 112 : index
        %get3A_627 = tpu.vector_load %arg6[%get3A_624, %get3A_625, %get3A_626] {strides = array<i32>} : memref<3x192x128xf32, #tpu.memory_space<vmem>>, vector<1x1x16xf32>,
        %get3A_628 = vector.shape_cast %get3A_627 : vector<1x1x16xf32> to vector<16xf32>
        %add3A_629 = arith.addf %add3A_565, %get3A_628 : vector<16xf32>
        %add3A_630 = arith.constant 6 : i32
        %add3A_631 = arith.addi %sub3A_245, %add3A_630 : i32
        %get3A_632 = arith.index_cast %select_n3A_122 : i32 to index
        %get3A_633 = arith.index_cast %add3A_631 : i32 to index
        %get3A_634 = arith.constant 0 : index
        %get3A_635 = tpu.vector_load %arg6[%get3A_632, %get3A_633, %get3A_634] {strides = array<i32>} : memref<3x192x128xf32, #tpu.memory_space<vmem>>, vector<1x1x16xf32>,
        %get3A_636 = vector.shape_cast %get3A_635 : vector<1x1x16xf32> to vector<16xf32>
        %add3A_637 = arith.addf %add3A_573, %get3A_636 : vector<16xf32>
        %add3A_638 = arith.constant 6 : i32
        %add3A_639 = arith.addi %sub3A_245, %add3A_638 : i32
        %get3A_640 = arith.index_cast %select_n3A_122 : i32 to index
        %get3A_641 = arith.index_cast %add3A_639 : i32 to index
        %get3A_642 = arith.constant 16 : index
        %get3A_643 = tpu.vector_load %arg6[%get3A_640, %get3A_641, %get3A_642] {strides = array<i32>} : memref<3x192x128xf32, #tpu.memory_space<vmem>>, vector<1x1x16xf32>,
        %get3A_644 = vector.shape_cast %get3A_643 : vector<1x1x16xf32> to vector<16xf32>
        %add3A_645 = arith.addf %add3A_581, %get3A_644 : vector<16xf32>
        %add3A_646 = arith.constant 6 : i32
        %add3A_647 = arith.addi %sub3A_245, %add3A_646 : i32
        %get3A_648 = arith.index_cast %select_n3A_122 : i32 to index
        %get3A_649 = arith.index_cast %add3A_647 : i32 to index
        %get3A_650 = arith.constant 32 : index
        %get3A_651 = tpu.vector_load %arg6[%get3A_648, %get3A_649, %get3A_650] {strides = array<i32>} : memref<3x192x128xf32, #tpu.memory_space<vmem>>, vector<1x1x16xf32>,
        %get3A_652 = vector.shape_cast %get3A_651 : vector<1x1x16xf32> to vector<16xf32>
        %add3A_653 = arith.addf %add3A_589, %get3A_652 : vector<16xf32>
        %add3A_654 = arith.constant 6 : i32
        %add3A_655 = arith.addi %sub3A_245, %add3A_654 : i32
        %get3A_656 = arith.index_cast %select_n3A_122 : i32 to index
        %get3A_657 = arith.index_cast %add3A_655 : i32 to index
        %get3A_658 = arith.constant 48 : index
        %get3A_659 = tpu.vector_load %arg6[%get3A_656, %get3A_657, %get3A_658] {strides = array<i32>} : memref<3x192x128xf32, #tpu.memory_space<vmem>>, vector<1x1x16xf32>,
        %get3A_660 = vector.shape_cast %get3A_659 : vector<1x1x16xf32> to vector<16xf32>
        %add3A_661 = arith.addf %add3A_597, %get3A_660 : vector<16xf32>
        %add3A_662 = arith.constant 6 : i32
        %add3A_663 = arith.addi %sub3A_245, %add3A_662 : i32
        %get3A_664 = arith.index_cast %select_n3A_122 : i32 to index
        %get3A_665 = arith.index_cast %add3A_663 : i32 to index
        %get3A_666 = arith.constant 64 : index
        %get3A_667 = tpu.vector_load %arg6[%get3A_664, %get3A_665, %get3A_666] {strides = array<i32>} : memref<3x192x128xf32, #tpu.memory_space<vmem>>, vector<1x1x16xf32>,
        %get3A_668 = vector.shape_cast %get3A_667 : vector<1x1x16xf32> to vector<16xf32>
        %add3A_669 = arith.addf %add3A_605, %get3A_668 : vector<16xf32>
        %add3A_670 = arith.constant 6 : i32
        %add3A_671 = arith.addi %sub3A_245, %add3A_670 : i32
        %get3A_672 = arith.index_cast %select_n3A_122 : i32 to index
        %get3A_673 = arith.index_cast %add3A_671 : i32 to index
        %get3A_674 = arith.constant 80 : index
        %get3A_675 = tpu.vector_load %arg6[%get3A_672, %get3A_673, %get3A_674] {strides = array<i32>} : memref<3x192x128xf32, #tpu.memory_space<vmem>>, vector<1x1x16xf32>,
        %get3A_676 = vector.shape_cast %get3A_675 : vector<1x1x16xf32> to vector<16xf32>
        %add3A_677 = arith.addf %add3A_613, %get3A_676 : vector<16xf32>
        %add3A_678 = arith.constant 6 : i32
        %add3A_679 = arith.addi %sub3A_245, %add3A_678 : i32
        %get3A_680 = arith.index_cast %select_n3A_122 : i32 to index
        %get3A_681 = arith.index_cast %add3A_679 : i32 to index
        %get3A_682 = arith.constant 96 : index
        %get3A_683 = tpu.vector_load %arg6[%get3A_680, %get3A_681, %get3A_682] {strides = array<i32>} : memref<3x192x128xf32, #tpu.memory_space<vmem>>, vector<1x1x16xf32>,
        %get3A_684 = vector.shape_cast %get3A_683 : vector<1x1x16xf32> to vector<16xf32>
        %add3A_685 = arith.addf %add3A_621, %get3A_684 : vector<16xf32>
        %add3A_686 = arith.constant 6 : i32
        %add3A_687 = arith.addi %sub3A_245, %add3A_686 : i32
        %get3A_688 = arith.index_cast %select_n3A_122 : i32 to index
        %get3A_689 = arith.index_cast %add3A_687 : i32 to index
        %get3A_690 = arith.constant 112 : index
        %get3A_691 = tpu.vector_load %arg6[%get3A_688, %get3A_689, %get3A_690] {strides = array<i32>} : memref<3x192x128xf32, #tpu.memory_space<vmem>>, vector<1x1x16xf32>,
        %get3A_692 = vector.shape_cast %get3A_691 : vector<1x1x16xf32> to vector<16xf32>
        %add3A_693 = arith.addf %add3A_629, %get3A_692 : vector<16xf32>
        %add3A_694 = arith.constant 7 : i32
        %add3A_695 = arith.addi %sub3A_245, %add3A_694 : i32
        %get3A_696 = arith.index_cast %select_n3A_122 : i32 to index
        %get3A_697 = arith.index_cast %add3A_695 : i32 to index
        %get3A_698 = arith.constant 0 : index
        %get3A_699 = tpu.vector_load %arg6[%get3A_696, %get3A_697, %get3A_698] {strides = array<i32>} : memref<3x192x128xf32, #tpu.memory_space<vmem>>, vector<1x1x16xf32>,
        %get3A_700 = vector.shape_cast %get3A_699 : vector<1x1x16xf32> to vector<16xf32>
        %add3A_701 = arith.addf %add3A_637, %get3A_700 : vector<16xf32>
        %add3A_702 = arith.constant 7 : i32
        %add3A_703 = arith.addi %sub3A_245, %add3A_702 : i32
        %get3A_704 = arith.index_cast %select_n3A_122 : i32 to index
        %get3A_705 = arith.index_cast %add3A_703 : i32 to index
        %get3A_706 = arith.constant 16 : index
        %get3A_707 = tpu.vector_load %arg6[%get3A_704, %get3A_705, %get3A_706] {strides = array<i32>} : memref<3x192x128xf32, #tpu.memory_space<vmem>>, vector<1x1x16xf32>,
        %get3A_708 = vector.shape_cast %get3A_707 : vector<1x1x16xf32> to vector<16xf32>
        %add3A_709 = arith.addf %add3A_645, %get3A_708 : vector<16xf32>
        %add3A_710 = arith.constant 7 : i32
        %add3A_711 = arith.addi %sub3A_245, %add3A_710 : i32
        %get3A_712 = arith.index_cast %select_n3A_122 : i32 to index
        %get3A_713 = arith.index_cast %add3A_711 : i32 to index
        %get3A_714 = arith.constant 32 : index
        %get3A_715 = tpu.vector_load %arg6[%get3A_712, %get3A_713, %get3A_714] {strides = array<i32>} : memref<3x192x128xf32, #tpu.memory_space<vmem>>, vector<1x1x16xf32>,
        %get3A_716 = vector.shape_cast %get3A_715 : vector<1x1x16xf32> to vector<16xf32>
        %add3A_717 = arith.addf %add3A_653, %get3A_716 : vector<16xf32>
        %add3A_718 = arith.constant 7 : i32
        %add3A_719 = arith.addi %sub3A_245, %add3A_718 : i32
        %get3A_720 = arith.index_cast %select_n3A_122 : i32 to index
        %get3A_721 = arith.index_cast %add3A_719 : i32 to index
        %get3A_722 = arith.constant 48 : index
        %get3A_723 = tpu.vector_load %arg6[%get3A_720, %get3A_721, %get3A_722] {strides = array<i32>} : memref<3x192x128xf32, #tpu.memory_space<vmem>>, vector<1x1x16xf32>,
        %get3A_724 = vector.shape_cast %get3A_723 : vector<1x1x16xf32> to vector<16xf32>
        %add3A_725 = arith.addf %add3A_661, %get3A_724 : vector<16xf32>
        %add3A_726 = arith.constant 7 : i32
        %add3A_727 = arith.addi %sub3A_245, %add3A_726 : i32
        %get3A_728 = arith.index_cast %select_n3A_122 : i32 to index
        %get3A_729 = arith.index_cast %add3A_727 : i32 to index
        %get3A_730 = arith.constant 64 : index
        %get3A_731 = tpu.vector_load %arg6[%get3A_728, %get3A_729, %get3A_730] {strides = array<i32>} : memref<3x192x128xf32, #tpu.memory_space<vmem>>, vector<1x1x16xf32>,
        %get3A_732 = vector.shape_cast %get3A_731 : vector<1x1x16xf32> to vector<16xf32>
        %add3A_733 = arith.addf %add3A_669, %get3A_732 : vector<16xf32>
        %add3A_734 = arith.constant 7 : i32
        %add3A_735 = arith.addi %sub3A_245, %add3A_734 : i32
        %get3A_736 = arith.index_cast %select_n3A_122 : i32 to index
        %get3A_737 = arith.index_cast %add3A_735 : i32 to index
        %get3A_738 = arith.constant 80 : index
        %get3A_739 = tpu.vector_load %arg6[%get3A_736, %get3A_737, %get3A_738] {strides = array<i32>} : memref<3x192x128xf32, #tpu.memory_space<vmem>>, vector<1x1x16xf32>,
        %get3A_740 = vector.shape_cast %get3A_739 : vector<1x1x16xf32> to vector<16xf32>
        %add3A_741 = arith.addf %add3A_677, %get3A_740 : vector<16xf32>
        %add3A_742 = arith.constant 7 : i32
        %add3A_743 = arith.addi %sub3A_245, %add3A_742 : i32
        %get3A_744 = arith.index_cast %select_n3A_122 : i32 to index
        %get3A_745 = arith.index_cast %add3A_743 : i32 to index
        %get3A_746 = arith.constant 96 : index
        %get3A_747 = tpu.vector_load %arg6[%get3A_744, %get3A_745, %get3A_746] {strides = array<i32>} : memref<3x192x128xf32, #tpu.memory_space<vmem>>, vector<1x1x16xf32>,
        %get3A_748 = vector.shape_cast %get3A_747 : vector<1x1x16xf32> to vector<16xf32>
        %add3A_749 = arith.addf %add3A_685, %get3A_748 : vector<16xf32>
        %add3A_750 = arith.constant 7 : i32
        %add3A_751 = arith.addi %sub3A_245, %add3A_750 : i32
        %get3A_752 = arith.index_cast %select_n3A_122 : i32 to index
        %get3A_753 = arith.index_cast %add3A_751 : i32 to index
        %get3A_754 = arith.constant 112 : index
        %get3A_755 = tpu.vector_load %arg6[%get3A_752, %get3A_753, %get3A_754] {strides = array<i32>} : memref<3x192x128xf32, #tpu.memory_space<vmem>>, vector<1x1x16xf32>,
        %get3A_756 = vector.shape_cast %get3A_755 : vector<1x1x16xf32> to vector<16xf32>
        %add3A_757 = arith.addf %add3A_693, %get3A_756 : vector<16xf32>
        scf.yield %add3A_701, %add3A_709, %add3A_717, %add3A_725, %add3A_733, %add3A_741, %add3A_749, %add3A_757 : vector<16xf32>, vector<16xf32>, vector<16xf32>, vector<16xf32>, vector<16xf32>, vector<16xf32>, vector<16xf32>, vector<16xf32>
      }
      %while3A_177 = arith.constant 1 : i32
      %while3A_178:8 = scf.for %while3A_233 = %while3A_174 to %while3A_170 step %while3A_177 iter_args(%while3A_234 = %while3A_176#0, %while3A_235 = %while3A_176#1, %while3A_236 = %while3A_176#2, %while3A_237 = %while3A_176#3, %while3A_238 = %while3A_176#4, %while3A_239 = %while3A_176#5, %while3A_240 = %while3A_176#6, %while3A_241 = %while3A_176#7) -> (vector<16xf32>, vector<16xf32>, vector<16xf32>, vector<16xf32>, vector<16xf32>, vector<16xf32>, vector<16xf32>, vector<16xf32>)  : i32 {
        %mul3A_242 = arith.constant 8 : i32
        %mul3A_243 = arith.muli %mul3A_242, %while3A_233 : i32
        %add3A_244 = arith.addi %while3A_94, %mul3A_243 : i32
        %sub3A_245 = arith.subi %add3A_244, %multiple_of3A_126 : i32
        %add3A_246 = arith.constant 0 : i32
        %add3A_247 = arith.addi %sub3A_245, %add3A_246 : i32
        %get3A_248 = arith.index_cast %select_n3A_122 : i32 to index
        %get3A_249 = arith.index_cast %add3A_247 : i32 to index
        %get3A_250 = arith.constant 0 : index
        %get3A_251 = tpu.vector_load %arg6[%get3A_248, %get3A_249, %get3A_250] {strides = array<i32>} : memref<3x192x128xf32, #tpu.memory_space<vmem>>, vector<1x1x16xf32>,
        %get3A_252 = vector.shape_cast %get3A_251 : vector<1x1x16xf32> to vector<16xf32>
        %add3A_253 = arith.addf %while3A_234, %get3A_252 : vector<16xf32>
        %add3A_254 = arith.constant 0 : i32
        %add3A_255 = arith.addi %sub3A_245, %add3A_254 : i32
        %get3A_256 = arith.index_cast %select_n3A_122 : i32 to index
        %get3A_257 = arith.index_cast %add3A_255 : i32 to index
        %get3A_258 = arith.constant 16 : index
        %get3A_259 = tpu.vector_load %arg6[%get3A_256, %get3A_257, %get3A_258] {strides = array<i32>} : memref<3x192x128xf32, #tpu.memory_space<vmem>>, vector<1x1x16xf32>,
        %get3A_260 = vector.shape_cast %get3A_259 : vector<1x1x16xf32> to vector<16xf32>
        %add3A_261 = arith.addf %while3A_235, %get3A_260 : vector<16xf32>
        %add3A_262 = arith.constant 0 : i32
        %add3A_263 = arith.addi %sub3A_245, %add3A_262 : i32
        %get3A_264 = arith.index_cast %select_n3A_122 : i32 to index
        %get3A_265 = arith.index_cast %add3A_263 : i32 to index
        %get3A_266 = arith.constant 32 : index
        %get3A_267 = tpu.vector_load %arg6[%get3A_264, %get3A_265, %get3A_266] {strides = array<i32>} : memref<3x192x128xf32, #tpu.memory_space<vmem>>, vector<1x1x16xf32>,
        %get3A_268 = vector.shape_cast %get3A_267 : vector<1x1x16xf32> to vector<16xf32>
        %add3A_269 = arith.addf %while3A_236, %get3A_268 : vector<16xf32>
        %add3A_270 = arith.constant 0 : i32
        %add3A_271 = arith.addi %sub3A_245, %add3A_270 : i32
        %get3A_272 = arith.index_cast %select_n3A_122 : i32 to index
        %get3A_273 = arith.index_cast %add3A_271 : i32 to index
        %get3A_274 = arith.constant 48 : index
        %get3A_275 = tpu.vector_load %arg6[%get3A_272, %get3A_273, %get3A_274] {strides = array<i32>} : memref<3x192x128xf32, #tpu.memory_space<vmem>>, vector<1x1x16xf32>,
        %get3A_276 = vector.shape_cast %get3A_275 : vector<1x1x16xf32> to vector<16xf32>
        %add3A_277 = arith.addf %while3A_237, %get3A_276 : vector<16xf32>
        %add3A_278 = arith.constant 0 : i32
        %add3A_279 = arith.addi %sub3A_245, %add3A_278 : i32
        %get3A_280 = arith.index_cast %select_n3A_122 : i32 to index
        %get3A_281 = arith.index_cast %add3A_279 : i32 to index
        %get3A_282 = arith.constant 64 : index
        %get3A_283 = tpu.vector_load %arg6[%get3A_280, %get3A_281, %get3A_282] {strides = array<i32>} : memref<3x192x128xf32, #tpu.memory_space<vmem>>, vector<1x1x16xf32>,
        %get3A_284 = vector.shape_cast %get3A_283 : vector<1x1x16xf32> to vector<16xf32>
        %add3A_285 = arith.addf %while3A_238, %get3A_284 : vector<16xf32>
        %add3A_286 = arith.constant 0 : i32
        %add3A_287 = arith.addi %sub3A_245, %add3A_286 : i32
        %get3A_288 = arith.index_cast %select_n3A_122 : i32 to index
        %get3A_289 = arith.index_cast %add3A_287 : i32 to index
        %get3A_290 = arith.constant 80 : index
        %get3A_291 = tpu.vector_load %arg6[%get3A_288, %get3A_289, %get3A_290] {strides = array<i32>} : memref<3x192x128xf32, #tpu.memory_space<vmem>>, vector<1x1x16xf32>,
        %get3A_292 = vector.shape_cast %get3A_291 : vector<1x1x16xf32> to vector<16xf32>
        %add3A_293 = arith.addf %while3A_239, %get3A_292 : vector<16xf32>
        %add3A_294 = arith.constant 0 : i32
        %add3A_295 = arith.addi %sub3A_245, %add3A_294 : i32
        %get3A_296 = arith.index_cast %select_n3A_122 : i32 to index
        %get3A_297 = arith.index_cast %add3A_295 : i32 to index
        %get3A_298 = arith.constant 96 : index
        %get3A_299 = tpu.vector_load %arg6[%get3A_296, %get3A_297, %get3A_298] {strides = array<i32>} : memref<3x192x128xf32, #tpu.memory_space<vmem>>, vector<1x1x16xf32>,
        %get3A_300 = vector.shape_cast %get3A_299 : vector<1x1x16xf32> to vector<16xf32>
        %add3A_301 = arith.addf %while3A_240, %get3A_300 : vector<16xf32>
        %add3A_302 = arith.constant 0 : i32
        %add3A_303 = arith.addi %sub3A_245, %add3A_302 : i32
        %get3A_304 = arith.index_cast %select_n3A_122 : i32 to index
        %get3A_305 = arith.index_cast %add3A_303 : i32 to index
        %get3A_306 = arith.constant 112 : index
        %get3A_307 = tpu.vector_load %arg6[%get3A_304, %get3A_305, %get3A_306] {strides = array<i32>} : memref<3x192x128xf32, #tpu.memory_space<vmem>>, vector<1x1x16xf32>,
        %get3A_308 = vector.shape_cast %get3A_307 : vector<1x1x16xf32> to vector<16xf32>
        %add3A_309 = arith.addf %while3A_241, %get3A_308 : vector<16xf32>
        %add3A_310 = arith.constant 1 : i32
        %add3A_311 = arith.addi %sub3A_245, %add3A_310 : i32
        %get3A_312 = arith.index_cast %select_n3A_122 : i32 to index
        %get3A_313 = arith.index_cast %add3A_311 : i32 to index
        %get3A_314 = arith.constant 0 : index
        %get3A_315 = tpu.vector_load %arg6[%get3A_312, %get3A_313, %get3A_314] {strides = array<i32>} : memref<3x192x128xf32, #tpu.memory_space<vmem>>, vector<1x1x16xf32>,
        %get3A_316 = vector.shape_cast %get3A_315 : vector<1x1x16xf32> to vector<16xf32>
        %add3A_317 = arith.addf %add3A_253, %get3A_316 : vector<16xf32>
        %add3A_318 = arith.constant 1 : i32
        %add3A_319 = arith.addi %sub3A_245, %add3A_318 : i32
        %get3A_320 = arith.index_cast %select_n3A_122 : i32 to index
        %get3A_321 = arith.index_cast %add3A_319 : i32 to index
        %get3A_322 = arith.constant 16 : index
        %get3A_323 = tpu.vector_load %arg6[%get3A_320, %get3A_321, %get3A_322] {strides = array<i32>} : memref<3x192x128xf32, #tpu.memory_space<vmem>>, vector<1x1x16xf32>,
        %get3A_324 = vector.shape_cast %get3A_323 : vector<1x1x16xf32> to vector<16xf32>
        %add3A_325 = arith.addf %add3A_261, %get3A_324 : vector<16xf32>
        %add3A_326 = arith.constant 1 : i32
        %add3A_327 = arith.addi %sub3A_245, %add3A_326 : i32
        %get3A_328 = arith.index_cast %select_n3A_122 : i32 to index
        %get3A_329 = arith.index_cast %add3A_327 : i32 to index
        %get3A_330 = arith.constant 32 : index
        %get3A_331 = tpu.vector_load %arg6[%get3A_328, %get3A_329, %get3A_330] {strides = array<i32>} : memref<3x192x128xf32, #tpu.memory_space<vmem>>, vector<1x1x16xf32>,
        %get3A_332 = vector.shape_cast %get3A_331 : vector<1x1x16xf32> to vector<16xf32>
        %add3A_333 = arith.addf %add3A_269, %get3A_332 : vector<16xf32>
        %add3A_334 = arith.constant 1 : i32
        %add3A_335 = arith.addi %sub3A_245, %add3A_334 : i32
        %get3A_336 = arith.index_cast %select_n3A_122 : i32 to index
        %get3A_337 = arith.index_cast %add3A_335 : i32 to index
        %get3A_338 = arith.constant 48 : index
        %get3A_339 = tpu.vector_load %arg6[%get3A_336, %get3A_337, %get3A_338] {strides = array<i32>} : memref<3x192x128xf32, #tpu.memory_space<vmem>>, vector<1x1x16xf32>,
        %get3A_340 = vector.shape_cast %get3A_339 : vector<1x1x16xf32> to vector<16xf32>
        %add3A_341 = arith.addf %add3A_277, %get3A_340 : vector<16xf32>
        %add3A_342 = arith.constant 1 : i32
        %add3A_343 = arith.addi %sub3A_245, %add3A_342 : i32
        %get3A_344 = arith.index_cast %select_n3A_122 : i32 to index
        %get3A_345 = arith.index_cast %add3A_343 : i32 to index
        %get3A_346 = arith.constant 64 : index
        %get3A_347 = tpu.vector_load %arg6[%get3A_344, %get3A_345, %get3A_346] {strides = array<i32>} : memref<3x192x128xf32, #tpu.memory_space<vmem>>, vector<1x1x16xf32>,
        %get3A_348 = vector.shape_cast %get3A_347 : vector<1x1x16xf32> to vector<16xf32>
        %add3A_349 = arith.addf %add3A_285, %get3A_348 : vector<16xf32>
        %add3A_350 = arith.constant 1 : i32
        %add3A_351 = arith.addi %sub3A_245, %add3A_350 : i32
        %get3A_352 = arith.index_cast %select_n3A_122 : i32 to index
        %get3A_353 = arith.index_cast %add3A_351 : i32 to index
        %get3A_354 = arith.constant 80 : index
        %get3A_355 = tpu.vector_load %arg6[%get3A_352, %get3A_353, %get3A_354] {strides = array<i32>} : memref<3x192x128xf32, #tpu.memory_space<vmem>>, vector<1x1x16xf32>,
        %get3A_356 = vector.shape_cast %get3A_355 : vector<1x1x16xf32> to vector<16xf32>
        %add3A_357 = arith.addf %add3A_293, %get3A_356 : vector<16xf32>
        %add3A_358 = arith.constant 1 : i32
        %add3A_359 = arith.addi %sub3A_245, %add3A_358 : i32
        %get3A_360 = arith.index_cast %select_n3A_122 : i32 to index
        %get3A_361 = arith.index_cast %add3A_359 : i32 to index
        %get3A_362 = arith.constant 96 : index
        %get3A_363 = tpu.vector_load %arg6[%get3A_360, %get3A_361, %get3A_362] {strides = array<i32>} : memref<3x192x128xf32, #tpu.memory_space<vmem>>, vector<1x1x16xf32>,
        %get3A_364 = vector.shape_cast %get3A_363 : vector<1x1x16xf32> to vector<16xf32>
        %add3A_365 = arith.addf %add3A_301, %get3A_364 : vector<16xf32>
        %add3A_366 = arith.constant 1 : i32
        %add3A_367 = arith.addi %sub3A_245, %add3A_366 : i32
        %get3A_368 = arith.index_cast %select_n3A_122 : i32 to index
        %get3A_369 = arith.index_cast %add3A_367 : i32 to index
        %get3A_370 = arith.constant 112 : index
        %get3A_371 = tpu.vector_load %arg6[%get3A_368, %get3A_369, %get3A_370] {strides = array<i32>} : memref<3x192x128xf32, #tpu.memory_space<vmem>>, vector<1x1x16xf32>,
        %get3A_372 = vector.shape_cast %get3A_371 : vector<1x1x16xf32> to vector<16xf32>
        %add3A_373 = arith.addf %add3A_309, %get3A_372 : vector<16xf32>
        %add3A_374 = arith.constant 2 : i32
        %add3A_375 = arith.addi %sub3A_245, %add3A_374 : i32
        %get3A_376 = arith.index_cast %select_n3A_122 : i32 to index
        %get3A_377 = arith.index_cast %add3A_375 : i32 to index
        %get3A_378 = arith.constant 0 : index
        %get3A_379 = tpu.vector_load %arg6[%get3A_376, %get3A_377, %get3A_378] {strides = array<i32>} : memref<3x192x128xf32, #tpu.memory_space<vmem>>, vector<1x1x16xf32>,
        %get3A_380 = vector.shape_cast %get3A_379 : vector<1x1x16xf32> to vector<16xf32>
        %add3A_381 = arith.addf %add3A_317, %get3A_380 : vector<16xf32>
        %add3A_382 = arith.constant 2 : i32
        %add3A_383 = arith.addi %sub3A_245, %add3A_382 : i32
        %get3A_384 = arith.index_cast %select_n3A_122 : i32 to index
        %get3A_385 = arith.index_cast %add3A_383 : i32 to index
        %get3A_386 = arith.constant 16 : index
        %get3A_387 = tpu.vector_load %arg6[%get3A_384, %get3A_385, %get3A_386] {strides = array<i32>} : memref<3x192x128xf32, #tpu.memory_space<vmem>>, vector<1x1x16xf32>,
        %get3A_388 = vector.shape_cast %get3A_387 : vector<1x1x16xf32> to vector<16xf32>
        %add3A_389 = arith.addf %add3A_325, %get3A_388 : vector<16xf32>
        %add3A_390 = arith.constant 2 : i32
        %add3A_391 = arith.addi %sub3A_245, %add3A_390 : i32
        %get3A_392 = arith.index_cast %select_n3A_122 : i32 to index
        %get3A_393 = arith.index_cast %add3A_391 : i32 to index
        %get3A_394 = arith.constant 32 : index
        %get3A_395 = tpu.vector_load %arg6[%get3A_392, %get3A_393, %get3A_394] {strides = array<i32>} : memref<3x192x128xf32, #tpu.memory_space<vmem>>, vector<1x1x16xf32>,
        %get3A_396 = vector.shape_cast %get3A_395 : vector<1x1x16xf32> to vector<16xf32>
        %add3A_397 = arith.addf %add3A_333, %get3A_396 : vector<16xf32>
        %add3A_398 = arith.constant 2 : i32
        %add3A_399 = arith.addi %sub3A_245, %add3A_398 : i32
        %get3A_400 = arith.index_cast %select_n3A_122 : i32 to index
        %get3A_401 = arith.index_cast %add3A_399 : i32 to index
        %get3A_402 = arith.constant 48 : index
        %get3A_403 = tpu.vector_load %arg6[%get3A_400, %get3A_401, %get3A_402] {strides = array<i32>} : memref<3x192x128xf32, #tpu.memory_space<vmem>>, vector<1x1x16xf32>,
        %get3A_404 = vector.shape_cast %get3A_403 : vector<1x1x16xf32> to vector<16xf32>
        %add3A_405 = arith.addf %add3A_341, %get3A_404 : vector<16xf32>
        %add3A_406 = arith.constant 2 : i32
        %add3A_407 = arith.addi %sub3A_245, %add3A_406 : i32
        %get3A_408 = arith.index_cast %select_n3A_122 : i32 to index
        %get3A_409 = arith.index_cast %add3A_407 : i32 to index
        %get3A_410 = arith.constant 64 : index
        %get3A_411 = tpu.vector_load %arg6[%get3A_408, %get3A_409, %get3A_410] {strides = array<i32>} : memref<3x192x128xf32, #tpu.memory_space<vmem>>, vector<1x1x16xf32>,
        %get3A_412 = vector.shape_cast %get3A_411 : vector<1x1x16xf32> to vector<16xf32>
        %add3A_413 = arith.addf %add3A_349, %get3A_412 : vector<16xf32>
        %add3A_414 = arith.constant 2 : i32
        %add3A_415 = arith.addi %sub3A_245, %add3A_414 : i32
        %get3A_416 = arith.index_cast %select_n3A_122 : i32 to index
        %get3A_417 = arith.index_cast %add3A_415 : i32 to index
        %get3A_418 = arith.constant 80 : index
        %get3A_419 = tpu.vector_load %arg6[%get3A_416, %get3A_417, %get3A_418] {strides = array<i32>} : memref<3x192x128xf32, #tpu.memory_space<vmem>>, vector<1x1x16xf32>,
        %get3A_420 = vector.shape_cast %get3A_419 : vector<1x1x16xf32> to vector<16xf32>
        %add3A_421 = arith.addf %add3A_357, %get3A_420 : vector<16xf32>
        %add3A_422 = arith.constant 2 : i32
        %add3A_423 = arith.addi %sub3A_245, %add3A_422 : i32
        %get3A_424 = arith.index_cast %select_n3A_122 : i32 to index
        %get3A_425 = arith.index_cast %add3A_423 : i32 to index
        %get3A_426 = arith.constant 96 : index
        %get3A_427 = tpu.vector_load %arg6[%get3A_424, %get3A_425, %get3A_426] {strides = array<i32>} : memref<3x192x128xf32, #tpu.memory_space<vmem>>, vector<1x1x16xf32>,
        %get3A_428 = vector.shape_cast %get3A_427 : vector<1x1x16xf32> to vector<16xf32>
        %add3A_429 = arith.addf %add3A_365, %get3A_428 : vector<16xf32>
        %add3A_430 = arith.constant 2 : i32
        %add3A_431 = arith.addi %sub3A_245, %add3A_430 : i32
        %get3A_432 = arith.index_cast %select_n3A_122 : i32 to index
        %get3A_433 = arith.index_cast %add3A_431 : i32 to index
        %get3A_434 = arith.constant 112 : index
        %get3A_435 = tpu.vector_load %arg6[%get3A_432, %get3A_433, %get3A_434] {strides = array<i32>} : memref<3x192x128xf32, #tpu.memory_space<vmem>>, vector<1x1x16xf32>,
        %get3A_436 = vector.shape_cast %get3A_435 : vector<1x1x16xf32> to vector<16xf32>
        %add3A_437 = arith.addf %add3A_373, %get3A_436 : vector<16xf32>
        %add3A_438 = arith.constant 3 : i32
        %add3A_439 = arith.addi %sub3A_245, %add3A_438 : i32
        %get3A_440 = arith.index_cast %select_n3A_122 : i32 to index
        %get3A_441 = arith.index_cast %add3A_439 : i32 to index
        %get3A_442 = arith.constant 0 : index
        %get3A_443 = tpu.vector_load %arg6[%get3A_440, %get3A_441, %get3A_442] {strides = array<i32>} : memref<3x192x128xf32, #tpu.memory_space<vmem>>, vector<1x1x16xf32>,
        %get3A_444 = vector.shape_cast %get3A_443 : vector<1x1x16xf32> to vector<16xf32>
        %add3A_445 = arith.addf %add3A_381, %get3A_444 : vector<16xf32>
        %add3A_446 = arith.constant 3 : i32
        %add3A_447 = arith.addi %sub3A_245, %add3A_446 : i32
        %get3A_448 = arith.index_cast %select_n3A_122 : i32 to index
        %get3A_449 = arith.index_cast %add3A_447 : i32 to index
        %get3A_450 = arith.constant 16 : index
        %get3A_451 = tpu.vector_load %arg6[%get3A_448, %get3A_449, %get3A_450] {strides = array<i32>} : memref<3x192x128xf32, #tpu.memory_space<vmem>>, vector<1x1x16xf32>,
        %get3A_452 = vector.shape_cast %get3A_451 : vector<1x1x16xf32> to vector<16xf32>
        %add3A_453 = arith.addf %add3A_389, %get3A_452 : vector<16xf32>
        %add3A_454 = arith.constant 3 : i32
        %add3A_455 = arith.addi %sub3A_245, %add3A_454 : i32
        %get3A_456 = arith.index_cast %select_n3A_122 : i32 to index
        %get3A_457 = arith.index_cast %add3A_455 : i32 to index
        %get3A_458 = arith.constant 32 : index
        %get3A_459 = tpu.vector_load %arg6[%get3A_456, %get3A_457, %get3A_458] {strides = array<i32>} : memref<3x192x128xf32, #tpu.memory_space<vmem>>, vector<1x1x16xf32>,
        %get3A_460 = vector.shape_cast %get3A_459 : vector<1x1x16xf32> to vector<16xf32>
        %add3A_461 = arith.addf %add3A_397, %get3A_460 : vector<16xf32>
        %add3A_462 = arith.constant 3 : i32
        %add3A_463 = arith.addi %sub3A_245, %add3A_462 : i32
        %get3A_464 = arith.index_cast %select_n3A_122 : i32 to index
        %get3A_465 = arith.index_cast %add3A_463 : i32 to index
        %get3A_466 = arith.constant 48 : index
        %get3A_467 = tpu.vector_load %arg6[%get3A_464, %get3A_465, %get3A_466] {strides = array<i32>} : memref<3x192x128xf32, #tpu.memory_space<vmem>>, vector<1x1x16xf32>,
        %get3A_468 = vector.shape_cast %get3A_467 : vector<1x1x16xf32> to vector<16xf32>
        %add3A_469 = arith.addf %add3A_405, %get3A_468 : vector<16xf32>
        %add3A_470 = arith.constant 3 : i32
        %add3A_471 = arith.addi %sub3A_245, %add3A_470 : i32
        %get3A_472 = arith.index_cast %select_n3A_122 : i32 to index
        %get3A_473 = arith.index_cast %add3A_471 : i32 to index
        %get3A_474 = arith.constant 64 : index
        %get3A_475 = tpu.vector_load %arg6[%get3A_472, %get3A_473, %get3A_474] {strides = array<i32>} : memref<3x192x128xf32, #tpu.memory_space<vmem>>, vector<1x1x16xf32>,
        %get3A_476 = vector.shape_cast %get3A_475 : vector<1x1x16xf32> to vector<16xf32>
        %add3A_477 = arith.addf %add3A_413, %get3A_476 : vector<16xf32>
        %add3A_478 = arith.constant 3 : i32
        %add3A_479 = arith.addi %sub3A_245, %add3A_478 : i32
        %get3A_480 = arith.index_cast %select_n3A_122 : i32 to index
        %get3A_481 = arith.index_cast %add3A_479 : i32 to index
        %get3A_482 = arith.constant 80 : index
        %get3A_483 = tpu.vector_load %arg6[%get3A_480, %get3A_481, %get3A_482] {strides = array<i32>} : memref<3x192x128xf32, #tpu.memory_space<vmem>>, vector<1x1x16xf32>,
        %get3A_484 = vector.shape_cast %get3A_483 : vector<1x1x16xf32> to vector<16xf32>
        %add3A_485 = arith.addf %add3A_421, %get3A_484 : vector<16xf32>
        %add3A_486 = arith.constant 3 : i32
        %add3A_487 = arith.addi %sub3A_245, %add3A_486 : i32
        %get3A_488 = arith.index_cast %select_n3A_122 : i32 to index
        %get3A_489 = arith.index_cast %add3A_487 : i32 to index
        %get3A_490 = arith.constant 96 : index
        %get3A_491 = tpu.vector_load %arg6[%get3A_488, %get3A_489, %get3A_490] {strides = array<i32>} : memref<3x192x128xf32, #tpu.memory_space<vmem>>, vector<1x1x16xf32>,
        %get3A_492 = vector.shape_cast %get3A_491 : vector<1x1x16xf32> to vector<16xf32>
        %add3A_493 = arith.addf %add3A_429, %get3A_492 : vector<16xf32>
        %add3A_494 = arith.constant 3 : i32
        %add3A_495 = arith.addi %sub3A_245, %add3A_494 : i32
        %get3A_496 = arith.index_cast %select_n3A_122 : i32 to index
        %get3A_497 = arith.index_cast %add3A_495 : i32 to index
        %get3A_498 = arith.constant 112 : index
        %get3A_499 = tpu.vector_load %arg6[%get3A_496, %get3A_497, %get3A_498] {strides = array<i32>} : memref<3x192x128xf32, #tpu.memory_space<vmem>>, vector<1x1x16xf32>,
        %get3A_500 = vector.shape_cast %get3A_499 : vector<1x1x16xf32> to vector<16xf32>
        %add3A_501 = arith.addf %add3A_437, %get3A_500 : vector<16xf32>
        %add3A_502 = arith.constant 4 : i32
        %add3A_503 = arith.addi %sub3A_245, %add3A_502 : i32
        %get3A_504 = arith.index_cast %select_n3A_122 : i32 to index
        %get3A_505 = arith.index_cast %add3A_503 : i32 to index
        %get3A_506 = arith.constant 0 : index
        %get3A_507 = tpu.vector_load %arg6[%get3A_504, %get3A_505, %get3A_506] {strides = array<i32>} : memref<3x192x128xf32, #tpu.memory_space<vmem>>, vector<1x1x16xf32>,
        %get3A_508 = vector.shape_cast %get3A_507 : vector<1x1x16xf32> to vector<16xf32>
        %add3A_509 = arith.addf %add3A_445, %get3A_508 : vector<16xf32>
        %add3A_510 = arith.constant 4 : i32
        %add3A_511 = arith.addi %sub3A_245, %add3A_510 : i32
        %get3A_512 = arith.index_cast %select_n3A_122 : i32 to index
        %get3A_513 = arith.index_cast %add3A_511 : i32 to index
        %get3A_514 = arith.constant 16 : index
        %get3A_515 = tpu.vector_load %arg6[%get3A_512, %get3A_513, %get3A_514] {strides = array<i32>} : memref<3x192x128xf32, #tpu.memory_space<vmem>>, vector<1x1x16xf32>,
        %get3A_516 = vector.shape_cast %get3A_515 : vector<1x1x16xf32> to vector<16xf32>
        %add3A_517 = arith.addf %add3A_453, %get3A_516 : vector<16xf32>
        %add3A_518 = arith.constant 4 : i32
        %add3A_519 = arith.addi %sub3A_245, %add3A_518 : i32
        %get3A_520 = arith.index_cast %select_n3A_122 : i32 to index
        %get3A_521 = arith.index_cast %add3A_519 : i32 to index
        %get3A_522 = arith.constant 32 : index
        %get3A_523 = tpu.vector_load %arg6[%get3A_520, %get3A_521, %get3A_522] {strides = array<i32>} : memref<3x192x128xf32, #tpu.memory_space<vmem>>, vector<1x1x16xf32>,
        %get3A_524 = vector.shape_cast %get3A_523 : vector<1x1x16xf32> to vector<16xf32>
        %add3A_525 = arith.addf %add3A_461, %get3A_524 : vector<16xf32>
        %add3A_526 = arith.constant 4 : i32
        %add3A_527 = arith.addi %sub3A_245, %add3A_526 : i32
        %get3A_528 = arith.index_cast %select_n3A_122 : i32 to index
        %get3A_529 = arith.index_cast %add3A_527 : i32 to index
        %get3A_530 = arith.constant 48 : index
        %get3A_531 = tpu.vector_load %arg6[%get3A_528, %get3A_529, %get3A_530] {strides = array<i32>} : memref<3x192x128xf32, #tpu.memory_space<vmem>>, vector<1x1x16xf32>,
        %get3A_532 = vector.shape_cast %get3A_531 : vector<1x1x16xf32> to vector<16xf32>
        %add3A_533 = arith.addf %add3A_469, %get3A_532 : vector<16xf32>
        %add3A_534 = arith.constant 4 : i32
        %add3A_535 = arith.addi %sub3A_245, %add3A_534 : i32
        %get3A_536 = arith.index_cast %select_n3A_122 : i32 to index
        %get3A_537 = arith.index_cast %add3A_535 : i32 to index
        %get3A_538 = arith.constant 64 : index
        %get3A_539 = tpu.vector_load %arg6[%get3A_536, %get3A_537, %get3A_538] {strides = array<i32>} : memref<3x192x128xf32, #tpu.memory_space<vmem>>, vector<1x1x16xf32>,
        %get3A_540 = vector.shape_cast %get3A_539 : vector<1x1x16xf32> to vector<16xf32>
        %add3A_541 = arith.addf %add3A_477, %get3A_540 : vector<16xf32>
        %add3A_542 = arith.constant 4 : i32
        %add3A_543 = arith.addi %sub3A_245, %add3A_542 : i32
        %get3A_544 = arith.index_cast %select_n3A_122 : i32 to index
        %get3A_545 = arith.index_cast %add3A_543 : i32 to index
        %get3A_546 = arith.constant 80 : index
        %get3A_547 = tpu.vector_load %arg6[%get3A_544, %get3A_545, %get3A_546] {strides = array<i32>} : memref<3x192x128xf32, #tpu.memory_space<vmem>>, vector<1x1x16xf32>,
        %get3A_548 = vector.shape_cast %get3A_547 : vector<1x1x16xf32> to vector<16xf32>
        %add3A_549 = arith.addf %add3A_485, %get3A_548 : vector<16xf32>
        %add3A_550 = arith.constant 4 : i32
        %add3A_551 = arith.addi %sub3A_245, %add3A_550 : i32
        %get3A_552 = arith.index_cast %select_n3A_122 : i32 to index
        %get3A_553 = arith.index_cast %add3A_551 : i32 to index
        %get3A_554 = arith.constant 96 : index
        %get3A_555 = tpu.vector_load %arg6[%get3A_552, %get3A_553, %get3A_554] {strides = array<i32>} : memref<3x192x128xf32, #tpu.memory_space<vmem>>, vector<1x1x16xf32>,
        %get3A_556 = vector.shape_cast %get3A_555 : vector<1x1x16xf32> to vector<16xf32>
        %add3A_557 = arith.addf %add3A_493, %get3A_556 : vector<16xf32>
        %add3A_558 = arith.constant 4 : i32
        %add3A_559 = arith.addi %sub3A_245, %add3A_558 : i32
        %get3A_560 = arith.index_cast %select_n3A_122 : i32 to index
        %get3A_561 = arith.index_cast %add3A_559 : i32 to index
        %get3A_562 = arith.constant 112 : index
        %get3A_563 = tpu.vector_load %arg6[%get3A_560, %get3A_561, %get3A_562] {strides = array<i32>} : memref<3x192x128xf32, #tpu.memory_space<vmem>>, vector<1x1x16xf32>,
        %get3A_564 = vector.shape_cast %get3A_563 : vector<1x1x16xf32> to vector<16xf32>
        %add3A_565 = arith.addf %add3A_501, %get3A_564 : vector<16xf32>
        %add3A_566 = arith.constant 5 : i32
        %add3A_567 = arith.addi %sub3A_245, %add3A_566 : i32
        %get3A_568 = arith.index_cast %select_n3A_122 : i32 to index
        %get3A_569 = arith.index_cast %add3A_567 : i32 to index
        %get3A_570 = arith.constant 0 : index
        %get3A_571 = tpu.vector_load %arg6[%get3A_568, %get3A_569, %get3A_570] {strides = array<i32>} : memref<3x192x128xf32, #tpu.memory_space<vmem>>, vector<1x1x16xf32>,
        %get3A_572 = vector.shape_cast %get3A_571 : vector<1x1x16xf32> to vector<16xf32>
        %add3A_573 = arith.addf %add3A_509, %get3A_572 : vector<16xf32>
        %add3A_574 = arith.constant 5 : i32
        %add3A_575 = arith.addi %sub3A_245, %add3A_574 : i32
        %get3A_576 = arith.index_cast %select_n3A_122 : i32 to index
        %get3A_577 = arith.index_cast %add3A_575 : i32 to index
        %get3A_578 = arith.constant 16 : index
        %get3A_579 = tpu.vector_load %arg6[%get3A_576, %get3A_577, %get3A_578] {strides = array<i32>} : memref<3x192x128xf32, #tpu.memory_space<vmem>>, vector<1x1x16xf32>,
        %get3A_580 = vector.shape_cast %get3A_579 : vector<1x1x16xf32> to vector<16xf32>
        %add3A_581 = arith.addf %add3A_517, %get3A_580 : vector<16xf32>
        %add3A_582 = arith.constant 5 : i32
        %add3A_583 = arith.addi %sub3A_245, %add3A_582 : i32
        %get3A_584 = arith.index_cast %select_n3A_122 : i32 to index
        %get3A_585 = arith.index_cast %add3A_583 : i32 to index
        %get3A_586 = arith.constant 32 : index
        %get3A_587 = tpu.vector_load %arg6[%get3A_584, %get3A_585, %get3A_586] {strides = array<i32>} : memref<3x192x128xf32, #tpu.memory_space<vmem>>, vector<1x1x16xf32>,
        %get3A_588 = vector.shape_cast %get3A_587 : vector<1x1x16xf32> to vector<16xf32>
        %add3A_589 = arith.addf %add3A_525, %get3A_588 : vector<16xf32>
        %add3A_590 = arith.constant 5 : i32
        %add3A_591 = arith.addi %sub3A_245, %add3A_590 : i32
        %get3A_592 = arith.index_cast %select_n3A_122 : i32 to index
        %get3A_593 = arith.index_cast %add3A_591 : i32 to index
        %get3A_594 = arith.constant 48 : index
        %get3A_595 = tpu.vector_load %arg6[%get3A_592, %get3A_593, %get3A_594] {strides = array<i32>} : memref<3x192x128xf32, #tpu.memory_space<vmem>>, vector<1x1x16xf32>,
        %get3A_596 = vector.shape_cast %get3A_595 : vector<1x1x16xf32> to vector<16xf32>
        %add3A_597 = arith.addf %add3A_533, %get3A_596 : vector<16xf32>
        %add3A_598 = arith.constant 5 : i32
        %add3A_599 = arith.addi %sub3A_245, %add3A_598 : i32
        %get3A_600 = arith.index_cast %select_n3A_122 : i32 to index
        %get3A_601 = arith.index_cast %add3A_599 : i32 to index
        %get3A_602 = arith.constant 64 : index
        %get3A_603 = tpu.vector_load %arg6[%get3A_600, %get3A_601, %get3A_602] {strides = array<i32>} : memref<3x192x128xf32, #tpu.memory_space<vmem>>, vector<1x1x16xf32>,
        %get3A_604 = vector.shape_cast %get3A_603 : vector<1x1x16xf32> to vector<16xf32>
        %add3A_605 = arith.addf %add3A_541, %get3A_604 : vector<16xf32>
        %add3A_606 = arith.constant 5 : i32
        %add3A_607 = arith.addi %sub3A_245, %add3A_606 : i32
        %get3A_608 = arith.index_cast %select_n3A_122 : i32 to index
        %get3A_609 = arith.index_cast %add3A_607 : i32 to index
        %get3A_610 = arith.constant 80 : index
        %get3A_611 = tpu.vector_load %arg6[%get3A_608, %get3A_609, %get3A_610] {strides = array<i32>} : memref<3x192x128xf32, #tpu.memory_space<vmem>>, vector<1x1x16xf32>,
        %get3A_612 = vector.shape_cast %get3A_611 : vector<1x1x16xf32> to vector<16xf32>
        %add3A_613 = arith.addf %add3A_549, %get3A_612 : vector<16xf32>
        %add3A_614 = arith.constant 5 : i32
        %add3A_615 = arith.addi %sub3A_245, %add3A_614 : i32
        %get3A_616 = arith.index_cast %select_n3A_122 : i32 to index
        %get3A_617 = arith.index_cast %add3A_615 : i32 to index
        %get3A_618 = arith.constant 96 : index
        %get3A_619 = tpu.vector_load %arg6[%get3A_616, %get3A_617, %get3A_618] {strides = array<i32>} : memref<3x192x128xf32, #tpu.memory_space<vmem>>, vector<1x1x16xf32>,
        %get3A_620 = vector.shape_cast %get3A_619 : vector<1x1x16xf32> to vector<16xf32>
        %add3A_621 = arith.addf %add3A_557, %get3A_620 : vector<16xf32>
        %add3A_622 = arith.constant 5 : i32
        %add3A_623 = arith.addi %sub3A_245, %add3A_622 : i32
        %get3A_624 = arith.index_cast %select_n3A_122 : i32 to index
        %get3A_625 = arith.index_cast %add3A_623 : i32 to index
        %get3A_626 = arith.constant 112 : index
        %get3A_627 = tpu.vector_load %arg6[%get3A_624, %get3A_625, %get3A_626] {strides = array<i32>} : memref<3x192x128xf32, #tpu.memory_space<vmem>>, vector<1x1x16xf32>,
        %get3A_628 = vector.shape_cast %get3A_627 : vector<1x1x16xf32> to vector<16xf32>
        %add3A_629 = arith.addf %add3A_565, %get3A_628 : vector<16xf32>
        %add3A_630 = arith.constant 6 : i32
        %add3A_631 = arith.addi %sub3A_245, %add3A_630 : i32
        %get3A_632 = arith.index_cast %select_n3A_122 : i32 to index
        %get3A_633 = arith.index_cast %add3A_631 : i32 to index
        %get3A_634 = arith.constant 0 : index
        %get3A_635 = tpu.vector_load %arg6[%get3A_632, %get3A_633, %get3A_634] {strides = array<i32>} : memref<3x192x128xf32, #tpu.memory_space<vmem>>, vector<1x1x16xf32>,
        %get3A_636 = vector.shape_cast %get3A_635 : vector<1x1x16xf32> to vector<16xf32>
        %add3A_637 = arith.addf %add3A_573, %get3A_636 : vector<16xf32>
        %add3A_638 = arith.constant 6 : i32
        %add3A_639 = arith.addi %sub3A_245, %add3A_638 : i32
        %get3A_640 = arith.index_cast %select_n3A_122 : i32 to index
        %get3A_641 = arith.index_cast %add3A_639 : i32 to index
        %get3A_642 = arith.constant 16 : index
        %get3A_643 = tpu.vector_load %arg6[%get3A_640, %get3A_641, %get3A_642] {strides = array<i32>} : memref<3x192x128xf32, #tpu.memory_space<vmem>>, vector<1x1x16xf32>,
        %get3A_644 = vector.shape_cast %get3A_643 : vector<1x1x16xf32> to vector<16xf32>
        %add3A_645 = arith.addf %add3A_581, %get3A_644 : vector<16xf32>
        %add3A_646 = arith.constant 6 : i32
        %add3A_647 = arith.addi %sub3A_245, %add3A_646 : i32
        %get3A_648 = arith.index_cast %select_n3A_122 : i32 to index
        %get3A_649 = arith.index_cast %add3A_647 : i32 to index
        %get3A_650 = arith.constant 32 : index
        %get3A_651 = tpu.vector_load %arg6[%get3A_648, %get3A_649, %get3A_650] {strides = array<i32>} : memref<3x192x128xf32, #tpu.memory_space<vmem>>, vector<1x1x16xf32>,
        %get3A_652 = vector.shape_cast %get3A_651 : vector<1x1x16xf32> to vector<16xf32>
        %add3A_653 = arith.addf %add3A_589, %get3A_652 : vector<16xf32>
        %add3A_654 = arith.constant 6 : i32
        %add3A_655 = arith.addi %sub3A_245, %add3A_654 : i32
        %get3A_656 = arith.index_cast %select_n3A_122 : i32 to index
        %get3A_657 = arith.index_cast %add3A_655 : i32 to index
        %get3A_658 = arith.constant 48 : index
        %get3A_659 = tpu.vector_load %arg6[%get3A_656, %get3A_657, %get3A_658] {strides = array<i32>} : memref<3x192x128xf32, #tpu.memory_space<vmem>>, vector<1x1x16xf32>,
        %get3A_660 = vector.shape_cast %get3A_659 : vector<1x1x16xf32> to vector<16xf32>
        %add3A_661 = arith.addf %add3A_597, %get3A_660 : vector<16xf32>
        %add3A_662 = arith.constant 6 : i32
        %add3A_663 = arith.addi %sub3A_245, %add3A_662 : i32
        %get3A_664 = arith.index_cast %select_n3A_122 : i32 to index
        %get3A_665 = arith.index_cast %add3A_663 : i32 to index
        %get3A_666 = arith.constant 64 : index
        %get3A_667 = tpu.vector_load %arg6[%get3A_664, %get3A_665, %get3A_666] {strides = array<i32>} : memref<3x192x128xf32, #tpu.memory_space<vmem>>, vector<1x1x16xf32>,
        %get3A_668 = vector.shape_cast %get3A_667 : vector<1x1x16xf32> to vector<16xf32>
        %add3A_669 = arith.addf %add3A_605, %get3A_668 : vector<16xf32>
        %add3A_670 = arith.constant 6 : i32
        %add3A_671 = arith.addi %sub3A_245, %add3A_670 : i32
        %get3A_672 = arith.index_cast %select_n3A_122 : i32 to index
        %get3A_673 = arith.index_cast %add3A_671 : i32 to index
        %get3A_674 = arith.constant 80 : index
        %get3A_675 = tpu.vector_load %arg6[%get3A_672, %get3A_673, %get3A_674] {strides = array<i32>} : memref<3x192x128xf32, #tpu.memory_space<vmem>>, vector<1x1x16xf32>,
        %get3A_676 = vector.shape_cast %get3A_675 : vector<1x1x16xf32> to vector<16xf32>
        %add3A_677 = arith.addf %add3A_613, %get3A_676 : vector<16xf32>
        %add3A_678 = arith.constant 6 : i32
        %add3A_679 = arith.addi %sub3A_245, %add3A_678 : i32
        %get3A_680 = arith.index_cast %select_n3A_122 : i32 to index
        %get3A_681 = arith.index_cast %add3A_679 : i32 to index
        %get3A_682 = arith.constant 96 : index
        %get3A_683 = tpu.vector_load %arg6[%get3A_680, %get3A_681, %get3A_682] {strides = array<i32>} : memref<3x192x128xf32, #tpu.memory_space<vmem>>, vector<1x1x16xf32>,
        %get3A_684 = vector.shape_cast %get3A_683 : vector<1x1x16xf32> to vector<16xf32>
        %add3A_685 = arith.addf %add3A_621, %get3A_684 : vector<16xf32>
        %add3A_686 = arith.constant 6 : i32
        %add3A_687 = arith.addi %sub3A_245, %add3A_686 : i32
        %get3A_688 = arith.index_cast %select_n3A_122 : i32 to index
        %get3A_689 = arith.index_cast %add3A_687 : i32 to index
        %get3A_690 = arith.constant 112 : index
        %get3A_691 = tpu.vector_load %arg6[%get3A_688, %get3A_689, %get3A_690] {strides = array<i32>} : memref<3x192x128xf32, #tpu.memory_space<vmem>>, vector<1x1x16xf32>,
        %get3A_692 = vector.shape_cast %get3A_691 : vector<1x1x16xf32> to vector<16xf32>
        %add3A_693 = arith.addf %add3A_629, %get3A_692 : vector<16xf32>
        %add3A_694 = arith.constant 7 : i32
        %add3A_695 = arith.addi %sub3A_245, %add3A_694 : i32
        %get3A_696 = arith.index_cast %select_n3A_122 : i32 to index
        %get3A_697 = arith.index_cast %add3A_695 : i32 to index
        %get3A_698 = arith.constant 0 : index
        %get3A_699 = tpu.vector_load %arg6[%get3A_696, %get3A_697, %get3A_698] {strides = array<i32>} : memref<3x192x128xf32, #tpu.memory_space<vmem>>, vector<1x1x16xf32>,
        %get3A_700 = vector.shape_cast %get3A_699 : vector<1x1x16xf32> to vector<16xf32>
        %add3A_701 = arith.addf %add3A_637, %get3A_700 : vector<16xf32>
        %add3A_702 = arith.constant 7 : i32
        %add3A_703 = arith.addi %sub3A_245, %add3A_702 : i32
        %get3A_704 = arith.index_cast %select_n3A_122 : i32 to index
        %get3A_705 = arith.index_cast %add3A_703 : i32 to index
        %get3A_706 = arith.constant 16 : index
        %get3A_707 = tpu.vector_load %arg6[%get3A_704, %get3A_705, %get3A_706] {strides = array<i32>} : memref<3x192x128xf32, #tpu.memory_space<vmem>>, vector<1x1x16xf32>,
        %get3A_708 = vector.shape_cast %get3A_707 : vector<1x1x16xf32> to vector<16xf32>
        %add3A_709 = arith.addf %add3A_645, %get3A_708 : vector<16xf32>
        %add3A_710 = arith.constant 7 : i32
        %add3A_711 = arith.addi %sub3A_245, %add3A_710 : i32
        %get3A_712 = arith.index_cast %select_n3A_122 : i32 to index
        %get3A_713 = arith.index_cast %add3A_711 : i32 to index
        %get3A_714 = arith.constant 32 : index
        %get3A_715 = tpu.vector_load %arg6[%get3A_712, %get3A_713, %get3A_714] {strides = array<i32>} : memref<3x192x128xf32, #tpu.memory_space<vmem>>, vector<1x1x16xf32>,
        %get3A_716 = vector.shape_cast %get3A_715 : vector<1x1x16xf32> to vector<16xf32>
        %add3A_717 = arith.addf %add3A_653, %get3A_716 : vector<16xf32>
        %add3A_718 = arith.constant 7 : i32
        %add3A_719 = arith.addi %sub3A_245, %add3A_718 : i32
        %get3A_720 = arith.index_cast %select_n3A_122 : i32 to index
        %get3A_721 = arith.index_cast %add3A_719 : i32 to index
        %get3A_722 = arith.constant 48 : index
        %get3A_723 = tpu.vector_load %arg6[%get3A_720, %get3A_721, %get3A_722] {strides = array<i32>} : memref<3x192x128xf32, #tpu.memory_space<vmem>>, vector<1x1x16xf32>,
        %get3A_724 = vector.shape_cast %get3A_723 : vector<1x1x16xf32> to vector<16xf32>
        %add3A_725 = arith.addf %add3A_661, %get3A_724 : vector<16xf32>
        %add3A_726 = arith.constant 7 : i32
        %add3A_727 = arith.addi %sub3A_245, %add3A_726 : i32
        %get3A_728 = arith.index_cast %select_n3A_122 : i32 to index
        %get3A_729 = arith.index_cast %add3A_727 : i32 to index
        %get3A_730 = arith.constant 64 : index
        %get3A_731 = tpu.vector_load %arg6[%get3A_728, %get3A_729, %get3A_730] {strides = array<i32>} : memref<3x192x128xf32, #tpu.memory_space<vmem>>, vector<1x1x16xf32>,
        %get3A_732 = vector.shape_cast %get3A_731 : vector<1x1x16xf32> to vector<16xf32>
        %add3A_733 = arith.addf %add3A_669, %get3A_732 : vector<16xf32>
        %add3A_734 = arith.constant 7 : i32
        %add3A_735 = arith.addi %sub3A_245, %add3A_734 : i32
        %get3A_736 = arith.index_cast %select_n3A_122 : i32 to index
        %get3A_737 = arith.index_cast %add3A_735 : i32 to index
        %get3A_738 = arith.constant 80 : index
        %get3A_739 = tpu.vector_load %arg6[%get3A_736, %get3A_737, %get3A_738] {strides = array<i32>} : memref<3x192x128xf32, #tpu.memory_space<vmem>>, vector<1x1x16xf32>,
        %get3A_740 = vector.shape_cast %get3A_739 : vector<1x1x16xf32> to vector<16xf32>
        %add3A_741 = arith.addf %add3A_677, %get3A_740 : vector<16xf32>
        %add3A_742 = arith.constant 7 : i32
        %add3A_743 = arith.addi %sub3A_245, %add3A_742 : i32
        %get3A_744 = arith.index_cast %select_n3A_122 : i32 to index
        %get3A_745 = arith.index_cast %add3A_743 : i32 to index
        %get3A_746 = arith.constant 96 : index
        %get3A_747 = tpu.vector_load %arg6[%get3A_744, %get3A_745, %get3A_746] {strides = array<i32>} : memref<3x192x128xf32, #tpu.memory_space<vmem>>, vector<1x1x16xf32>,
        %get3A_748 = vector.shape_cast %get3A_747 : vector<1x1x16xf32> to vector<16xf32>
        %add3A_749 = arith.addf %add3A_685, %get3A_748 : vector<16xf32>
        %add3A_750 = arith.constant 7 : i32
        %add3A_751 = arith.addi %sub3A_245, %add3A_750 : i32
        %get3A_752 = arith.index_cast %select_n3A_122 : i32 to index
        %get3A_753 = arith.index_cast %add3A_751 : i32 to index
        %get3A_754 = arith.constant 112 : index
        %get3A_755 = tpu.vector_load %arg6[%get3A_752, %get3A_753, %get3A_754] {strides = array<i32>} : memref<3x192x128xf32, #tpu.memory_space<vmem>>, vector<1x1x16xf32>,
        %get3A_756 = vector.shape_cast %get3A_755 : vector<1x1x16xf32> to vector<16xf32>
        %add3A_757 = arith.addf %add3A_693, %get3A_756 : vector<16xf32>
        scf.yield %add3A_701, %add3A_709, %add3A_717, %add3A_725, %add3A_733, %add3A_741, %add3A_749, %add3A_757 : vector<16xf32>, vector<16xf32>, vector<16xf32>, vector<16xf32>, vector<16xf32>, vector<16xf32>, vector<16xf32>, vector<16xf32>
      }
      %jit3A_179 = arith.constant 8 : i32
      %div3A_180 = arith.divsi %sub3A_143, %jit3A_179 : i32
      %sign3A_181 = arith.constant 0 : i32
      %sign3A_182 = arith.cmpi sgt, %sub3A_143, %sign3A_181 : i32
      %sign3A_183 = arith.extui %sign3A_182 : i1 to i32
      %sign3A_184 = arith.constant 0 : i32
      %sign3A_185 = arith.cmpi slt, %sub3A_143, %sign3A_184 : i32
      %sign3A_186 = arith.extui %sign3A_185 : i1 to i32
      %sign3A_187 = arith.subi %sign3A_183, %sign3A_186 : i32
      %sign3A_188 = arith.constant 0 : i32
      %sign3A_189 = arith.cmpi sgt, %jit3A_179, %sign3A_188 : i32
      %sign3A_190 = arith.extui %sign3A_189 : i1 to i32
      %sign3A_191 = arith.constant 0 : i32
      %sign3A_192 = arith.cmpi slt, %jit3A_179, %sign3A_191 : i32
      %sign3A_193 = arith.extui %sign3A_192 : i1 to i32
      %sign3A_194 = arith.subi %sign3A_190, %sign3A_193 : i32
      %ne3A_195 = arith.cmpi ne, %sign3A_187, %sign3A_194 : i32
      %rem3A_196 = arith.remsi %sub3A_143, %jit3A_179 : i32
      %ne3A_197 = arith.constant 0 : i32
      %ne3A_198 = arith.cmpi ne, %rem3A_196, %ne3A_197 : i32
      %and3A_199 = arith.andi %ne3A_195, %ne3A_198 : i1
      %sub3A_200 = arith.constant 1 : i32
      %sub3A_201 = arith.subi %div3A_180, %sub3A_200 : i32
      %select_n3A_202 = arith.select %and3A_199, %sub3A_201, %div3A_180 : i32
      %mul3A_203 = arith.constant 8 : i32
      %mul3A_204 = arith.muli %select_n3A_202, %mul3A_203 : i32
      %while3A_205 = arith.subi %sub3A_143, %mul3A_204 : i32
      %while3A_206 = arith.addi %mul3A_204, %while3A_205 : i32
      %while3A_207 = arith.constant 1 : i32
      %while3A_208 = arith.divsi %while3A_205, %while3A_207 : i32
      %while3A_209 = arith.muli %while3A_208, %while3A_207 : i32
      %while3A_210 = arith.addi %mul3A_204, %while3A_209 : i32
      %while3A_211 = arith.constant 1 : i32
      %while3A_212:8 = scf.for %while3A_233 = %mul3A_204 to %while3A_210 step %while3A_211 iter_args(%while3A_234 = %while3A_178#0, %while3A_235 = %while3A_178#1, %while3A_236 = %while3A_178#2, %while3A_237 = %while3A_178#3, %while3A_238 = %while3A_178#4, %while3A_239 = %while3A_178#5, %while3A_240 = %while3A_178#6, %while3A_241 = %while3A_178#7) -> (vector<16xf32>, vector<16xf32>, vector<16xf32>, vector<16xf32>, vector<16xf32>, vector<16xf32>, vector<16xf32>, vector<16xf32>)  : i32 {
        %add3A_242 = arith.addi %while3A_94, %while3A_233 : i32
        %sub3A_243 = arith.subi %add3A_242, %multiple_of3A_126 : i32
        %get3A_244 = arith.index_cast %select_n3A_122 : i32 to index
        %get3A_245 = arith.index_cast %sub3A_243 : i32 to index
        %get3A_246 = arith.constant 0 : index
        %get3A_247 = tpu.vector_load %arg6[%get3A_244, %get3A_245, %get3A_246] {strides = array<i32>} : memref<3x192x128xf32, #tpu.memory_space<vmem>>, vector<1x1x16xf32>,
        %get3A_248 = vector.shape_cast %get3A_247 : vector<1x1x16xf32> to vector<16xf32>
        %add3A_249 = arith.addf %while3A_234, %get3A_248 : vector<16xf32>
        %get3A_250 = arith.index_cast %select_n3A_122 : i32 to index
        %get3A_251 = arith.index_cast %sub3A_243 : i32 to index
        %get3A_252 = arith.constant 16 : index
        %get3A_253 = tpu.vector_load %arg6[%get3A_250, %get3A_251, %get3A_252] {strides = array<i32>} : memref<3x192x128xf32, #tpu.memory_space<vmem>>, vector<1x1x16xf32>,
        %get3A_254 = vector.shape_cast %get3A_253 : vector<1x1x16xf32> to vector<16xf32>
        %add3A_255 = arith.addf %while3A_235, %get3A_254 : vector<16xf32>
        %get3A_256 = arith.index_cast %select_n3A_122 : i32 to index
        %get3A_257 = arith.index_cast %sub3A_243 : i32 to index
        %get3A_258 = arith.constant 32 : index
        %get3A_259 = tpu.vector_load %arg6[%get3A_256, %get3A_257, %get3A_258] {strides = array<i32>} : memref<3x192x128xf32, #tpu.memory_space<vmem>>, vector<1x1x16xf32>,
        %get3A_260 = vector.shape_cast %get3A_259 : vector<1x1x16xf32> to vector<16xf32>
        %add3A_261 = arith.addf %while3A_236, %get3A_260 : vector<16xf32>
        %get3A_262 = arith.index_cast %select_n3A_122 : i32 to index
        %get3A_263 = arith.index_cast %sub3A_243 : i32 to index
        %get3A_264 = arith.constant 48 : index
        %get3A_265 = tpu.vector_load %arg6[%get3A_262, %get3A_263, %get3A_264] {strides = array<i32>} : memref<3x192x128xf32, #tpu.memory_space<vmem>>, vector<1x1x16xf32>,
        %get3A_266 = vector.shape_cast %get3A_265 : vector<1x1x16xf32> to vector<16xf32>
        %add3A_267 = arith.addf %while3A_237, %get3A_266 : vector<16xf32>
        %get3A_268 = arith.index_cast %select_n3A_122 : i32 to index
        %get3A_269 = arith.index_cast %sub3A_243 : i32 to index
        %get3A_270 = arith.constant 64 : index
        %get3A_271 = tpu.vector_load %arg6[%get3A_268, %get3A_269, %get3A_270] {strides = array<i32>} : memref<3x192x128xf32, #tpu.memory_space<vmem>>, vector<1x1x16xf32>,
        %get3A_272 = vector.shape_cast %get3A_271 : vector<1x1x16xf32> to vector<16xf32>
        %add3A_273 = arith.addf %while3A_238, %get3A_272 : vector<16xf32>
        %get3A_274 = arith.index_cast %select_n3A_122 : i32 to index
        %get3A_275 = arith.index_cast %sub3A_243 : i32 to index
        %get3A_276 = arith.constant 80 : index
        %get3A_277 = tpu.vector_load %arg6[%get3A_274, %get3A_275, %get3A_276] {strides = array<i32>} : memref<3x192x128xf32, #tpu.memory_space<vmem>>, vector<1x1x16xf32>,
        %get3A_278 = vector.shape_cast %get3A_277 : vector<1x1x16xf32> to vector<16xf32>
        %add3A_279 = arith.addf %while3A_239, %get3A_278 : vector<16xf32>
        %get3A_280 = arith.index_cast %select_n3A_122 : i32 to index
        %get3A_281 = arith.index_cast %sub3A_243 : i32 to index
        %get3A_282 = arith.constant 96 : index
        %get3A_283 = tpu.vector_load %arg6[%get3A_280, %get3A_281, %get3A_282] {strides = array<i32>} : memref<3x192x128xf32, #tpu.memory_space<vmem>>, vector<1x1x16xf32>,
        %get3A_284 = vector.shape_cast %get3A_283 : vector<1x1x16xf32> to vector<16xf32>
        %add3A_285 = arith.addf %while3A_240, %get3A_284 : vector<16xf32>
        %get3A_286 = arith.index_cast %select_n3A_122 : i32 to index
        %get3A_287 = arith.index_cast %sub3A_243 : i32 to index
        %get3A_288 = arith.constant 112 : index
        %get3A_289 = tpu.vector_load %arg6[%get3A_286, %get3A_287, %get3A_288] {strides = array<i32>} : memref<3x192x128xf32, #tpu.memory_space<vmem>>, vector<1x1x16xf32>,
        %get3A_290 = vector.shape_cast %get3A_289 : vector<1x1x16xf32> to vector<16xf32>
        %add3A_291 = arith.addf %while3A_241, %get3A_290 : vector<16xf32>
        scf.yield %add3A_249, %add3A_255, %add3A_261, %add3A_267, %add3A_273, %add3A_279, %add3A_285, %add3A_291 : vector<16xf32>, vector<16xf32>, vector<16xf32>, vector<16xf32>, vector<16xf32>, vector<16xf32>, vector<16xf32>, vector<16xf32>
      }
      %while3A_213 = arith.constant 1 : i32
      %while3A_214:8 = scf.for %while3A_233 = %while3A_210 to %while3A_206 step %while3A_213 iter_args(%while3A_234 = %while3A_212#0, %while3A_235 = %while3A_212#1, %while3A_236 = %while3A_212#2, %while3A_237 = %while3A_212#3, %while3A_238 = %while3A_212#4, %while3A_239 = %while3A_212#5, %while3A_240 = %while3A_212#6, %while3A_241 = %while3A_212#7) -> (vector<16xf32>, vector<16xf32>, vector<16xf32>, vector<16xf32>, vector<16xf32>, vector<16xf32>, vector<16xf32>, vector<16xf32>)  : i32 {
        %add3A_242 = arith.addi %while3A_94, %while3A_233 : i32
        %sub3A_243 = arith.subi %add3A_242, %multiple_of3A_126 : i32
        %get3A_244 = arith.index_cast %select_n3A_122 : i32 to index
        %get3A_245 = arith.index_cast %sub3A_243 : i32 to index
        %get3A_246 = arith.constant 0 : index
        %get3A_247 = tpu.vector_load %arg6[%get3A_244, %get3A_245, %get3A_246] {strides = array<i32>} : memref<3x192x128xf32, #tpu.memory_space<vmem>>, vector<1x1x16xf32>,
        %get3A_248 = vector.shape_cast %get3A_247 : vector<1x1x16xf32> to vector<16xf32>
        %add3A_249 = arith.addf %while3A_234, %get3A_248 : vector<16xf32>
        %get3A_250 = arith.index_cast %select_n3A_122 : i32 to index
        %get3A_251 = arith.index_cast %sub3A_243 : i32 to index
        %get3A_252 = arith.constant 16 : index
        %get3A_253 = tpu.vector_load %arg6[%get3A_250, %get3A_251, %get3A_252] {strides = array<i32>} : memref<3x192x128xf32, #tpu.memory_space<vmem>>, vector<1x1x16xf32>,
        %get3A_254 = vector.shape_cast %get3A_253 : vector<1x1x16xf32> to vector<16xf32>
        %add3A_255 = arith.addf %while3A_235, %get3A_254 : vector<16xf32>
        %get3A_256 = arith.index_cast %select_n3A_122 : i32 to index
        %get3A_257 = arith.index_cast %sub3A_243 : i32 to index
        %get3A_258 = arith.constant 32 : index
        %get3A_259 = tpu.vector_load %arg6[%get3A_256, %get3A_257, %get3A_258] {strides = array<i32>} : memref<3x192x128xf32, #tpu.memory_space<vmem>>, vector<1x1x16xf32>,
        %get3A_260 = vector.shape_cast %get3A_259 : vector<1x1x16xf32> to vector<16xf32>
        %add3A_261 = arith.addf %while3A_236, %get3A_260 : vector<16xf32>
        %get3A_262 = arith.index_cast %select_n3A_122 : i32 to index
        %get3A_263 = arith.index_cast %sub3A_243 : i32 to index
        %get3A_264 = arith.constant 48 : index
        %get3A_265 = tpu.vector_load %arg6[%get3A_262, %get3A_263, %get3A_264] {strides = array<i32>} : memref<3x192x128xf32, #tpu.memory_space<vmem>>, vector<1x1x16xf32>,
        %get3A_266 = vector.shape_cast %get3A_265 : vector<1x1x16xf32> to vector<16xf32>
        %add3A_267 = arith.addf %while3A_237, %get3A_266 : vector<16xf32>
        %get3A_268 = arith.index_cast %select_n3A_122 : i32 to index
        %get3A_269 = arith.index_cast %sub3A_243 : i32 to index
        %get3A_270 = arith.constant 64 : index
        %get3A_271 = tpu.vector_load %arg6[%get3A_268, %get3A_269, %get3A_270] {strides = array<i32>} : memref<3x192x128xf32, #tpu.memory_space<vmem>>, vector<1x1x16xf32>,
        %get3A_272 = vector.shape_cast %get3A_271 : vector<1x1x16xf32> to vector<16xf32>
        %add3A_273 = arith.addf %while3A_238, %get3A_272 : vector<16xf32>
        %get3A_274 = arith.index_cast %select_n3A_122 : i32 to index
        %get3A_275 = arith.index_cast %sub3A_243 : i32 to index
        %get3A_276 = arith.constant 80 : index
        %get3A_277 = tpu.vector_load %arg6[%get3A_274, %get3A_275, %get3A_276] {strides = array<i32>} : memref<3x192x128xf32, #tpu.memory_space<vmem>>, vector<1x1x16xf32>,
        %get3A_278 = vector.shape_cast %get3A_277 : vector<1x1x16xf32> to vector<16xf32>
        %add3A_279 = arith.addf %while3A_239, %get3A_278 : vector<16xf32>
        %get3A_280 = arith.index_cast %select_n3A_122 : i32 to index
        %get3A_281 = arith.index_cast %sub3A_243 : i32 to index
        %get3A_282 = arith.constant 96 : index
        %get3A_283 = tpu.vector_load %arg6[%get3A_280, %get3A_281, %get3A_282] {strides = array<i32>} : memref<3x192x128xf32, #tpu.memory_space<vmem>>, vector<1x1x16xf32>,
        %get3A_284 = vector.shape_cast %get3A_283 : vector<1x1x16xf32> to vector<16xf32>
        %add3A_285 = arith.addf %while3A_240, %get3A_284 : vector<16xf32>
        %get3A_286 = arith.index_cast %select_n3A_122 : i32 to index
        %get3A_287 = arith.index_cast %sub3A_243 : i32 to index
        %get3A_288 = arith.constant 112 : index
        %get3A_289 = tpu.vector_load %arg6[%get3A_286, %get3A_287, %get3A_288] {strides = array<i32>} : memref<3x192x128xf32, #tpu.memory_space<vmem>>, vector<1x1x16xf32>,
        %get3A_290 = vector.shape_cast %get3A_289 : vector<1x1x16xf32> to vector<16xf32>
        %add3A_291 = arith.addf %while3A_241, %get3A_290 : vector<16xf32>
        scf.yield %add3A_249, %add3A_255, %add3A_261, %add3A_267, %add3A_273, %add3A_279, %add3A_285, %add3A_291 : vector<16xf32>, vector<16xf32>, vector<16xf32>, vector<16xf32>, vector<16xf32>, vector<16xf32>, vector<16xf32>, vector<16xf32>
      }
      %ge3A_215 = arith.cmpi sge, %min3A_142, %squeeze3A_140 : i32
      %lt3A_216 = arith.cmpi slt, %while3A_95, %select_n3A : i32
      %and3A_217 = arith.andi %ge3A_215, %lt3A_216 : i1
      %convert_element_type3A_218 = arith.extui %and3A_217 : i1 to i32
      %cond3A_219 = arith.constant 0 : i32
      %cond3A_220 = arith.cmpi ne, %convert_element_type3A_218, %cond3A_219 : i32
      scf.if %cond3A_220 {
        %swap3A = arith.index_cast %while3A_95 : i32 to index
        %swap3A_233 = arith.constant 0 : index
        %swap3A_234 = tpu.vector_load %arg7[%swap3A, %swap3A_233] {strides = array<i32>} : memref<320x128xf32, #tpu.memory_space<vmem>>, vector<1x16xf32>,
        %swap3A_235 = vector.shape_cast %swap3A_234 : vector<1x16xf32> to vector<16xf32>
        %swap3A_236 = vector.shape_cast %while3A_214#0 : vector<16xf32> to vector<1x16xf32>
        tpu.vector_store %arg7[%swap3A, %swap3A_233], %swap3A_236 {strides = array<i32>} : memref<320x128xf32, #tpu.memory_space<vmem>>, vector<1x16xf32>,
        %swap3A_237 = arith.index_cast %while3A_95 : i32 to index
        %swap3A_238 = arith.constant 16 : index
        %swap3A_239 = tpu.vector_load %arg7[%swap3A_237, %swap3A_238] {strides = array<i32>} : memref<320x128xf32, #tpu.memory_space<vmem>>, vector<1x16xf32>,
        %swap3A_240 = vector.shape_cast %swap3A_239 : vector<1x16xf32> to vector<16xf32>
        %swap3A_241 = vector.shape_cast %while3A_214#1 : vector<16xf32> to vector<1x16xf32>
        tpu.vector_store %arg7[%swap3A_237, %swap3A_238], %swap3A_241 {strides = array<i32>} : memref<320x128xf32, #tpu.memory_space<vmem>>, vector<1x16xf32>,
        %swap3A_242 = arith.index_cast %while3A_95 : i32 to index
        %swap3A_243 = arith.constant 32 : index
        %swap3A_244 = tpu.vector_load %arg7[%swap3A_242, %swap3A_243] {strides = array<i32>} : memref<320x128xf32, #tpu.memory_space<vmem>>, vector<1x16xf32>,
        %swap3A_245 = vector.shape_cast %swap3A_244 : vector<1x16xf32> to vector<16xf32>
        %swap3A_246 = vector.shape_cast %while3A_214#2 : vector<16xf32> to vector<1x16xf32>
        tpu.vector_store %arg7[%swap3A_242, %swap3A_243], %swap3A_246 {strides = array<i32>} : memref<320x128xf32, #tpu.memory_space<vmem>>, vector<1x16xf32>,
        %swap3A_247 = arith.index_cast %while3A_95 : i32 to index
        %swap3A_248 = arith.constant 48 : index
        %swap3A_249 = tpu.vector_load %arg7[%swap3A_247, %swap3A_248] {strides = array<i32>} : memref<320x128xf32, #tpu.memory_space<vmem>>, vector<1x16xf32>,
        %swap3A_250 = vector.shape_cast %swap3A_249 : vector<1x16xf32> to vector<16xf32>
        %swap3A_251 = vector.shape_cast %while3A_214#3 : vector<16xf32> to vector<1x16xf32>
        tpu.vector_store %arg7[%swap3A_247, %swap3A_248], %swap3A_251 {strides = array<i32>} : memref<320x128xf32, #tpu.memory_space<vmem>>, vector<1x16xf32>,
        %swap3A_252 = arith.index_cast %while3A_95 : i32 to index
        %swap3A_253 = arith.constant 64 : index
        %swap3A_254 = tpu.vector_load %arg7[%swap3A_252, %swap3A_253] {strides = array<i32>} : memref<320x128xf32, #tpu.memory_space<vmem>>, vector<1x16xf32>,
        %swap3A_255 = vector.shape_cast %swap3A_254 : vector<1x16xf32> to vector<16xf32>
        %swap3A_256 = vector.shape_cast %while3A_214#4 : vector<16xf32> to vector<1x16xf32>
        tpu.vector_store %arg7[%swap3A_252, %swap3A_253], %swap3A_256 {strides = array<i32>} : memref<320x128xf32, #tpu.memory_space<vmem>>, vector<1x16xf32>,
        %swap3A_257 = arith.index_cast %while3A_95 : i32 to index
        %swap3A_258 = arith.constant 80 : index
        %swap3A_259 = tpu.vector_load %arg7[%swap3A_257, %swap3A_258] {strides = array<i32>} : memref<320x128xf32, #tpu.memory_space<vmem>>, vector<1x16xf32>,
        %swap3A_260 = vector.shape_cast %swap3A_259 : vector<1x16xf32> to vector<16xf32>
        %swap3A_261 = vector.shape_cast %while3A_214#5 : vector<16xf32> to vector<1x16xf32>
        tpu.vector_store %arg7[%swap3A_257, %swap3A_258], %swap3A_261 {strides = array<i32>} : memref<320x128xf32, #tpu.memory_space<vmem>>, vector<1x16xf32>,
        %swap3A_262 = arith.index_cast %while3A_95 : i32 to index
        %swap3A_263 = arith.constant 96 : index
        %swap3A_264 = tpu.vector_load %arg7[%swap3A_262, %swap3A_263] {strides = array<i32>} : memref<320x128xf32, #tpu.memory_space<vmem>>, vector<1x16xf32>,
        %swap3A_265 = vector.shape_cast %swap3A_264 : vector<1x16xf32> to vector<16xf32>
        %swap3A_266 = vector.shape_cast %while3A_214#6 : vector<16xf32> to vector<1x16xf32>
        tpu.vector_store %arg7[%swap3A_262, %swap3A_263], %swap3A_266 {strides = array<i32>} : memref<320x128xf32, #tpu.memory_space<vmem>>, vector<1x16xf32>,
        %swap3A_267 = arith.index_cast %while3A_95 : i32 to index
        %swap3A_268 = arith.constant 112 : index
        %swap3A_269 = tpu.vector_load %arg7[%swap3A_267, %swap3A_268] {strides = array<i32>} : memref<320x128xf32, #tpu.memory_space<vmem>>, vector<1x16xf32>,
        %swap3A_270 = vector.shape_cast %swap3A_269 : vector<1x16xf32> to vector<16xf32>
        %swap3A_271 = vector.shape_cast %while3A_214#7 : vector<16xf32> to vector<1x16xf32>
        tpu.vector_store %arg7[%swap3A_267, %swap3A_268], %swap3A_271 {strides = array<i32>} : memref<320x128xf32, #tpu.memory_space<vmem>>, vector<1x16xf32>,
      } else {
      }
      %jit3A_221 = arith.constant 1 : i32
      %jit3A_222 = arith.constant 0 : i32
      %select_n3A_223 = arith.select %and3A_217, %jit3A_221, %jit3A_222 : i32
      %add3A_224 = arith.addi %while3A_95, %select_n3A_223 : i32
      %select_n3A_225 = arith.select %and3A_217, %broadcast_in_dim3A_3, %while3A_214#0 : vector<16xf32>
      %select_n3A_226 = arith.select %and3A_217, %broadcast_in_dim3A_3, %while3A_214#1 : vector<16xf32>
      %select_n3A_227 = arith.select %and3A_217, %broadcast_in_dim3A_3, %while3A_214#2 : vector<16xf32>
      %select_n3A_228 = arith.select %and3A_217, %broadcast_in_dim3A_3, %while3A_214#3 : vector<16xf32>
      %select_n3A_229 = arith.select %and3A_217, %broadcast_in_dim3A_3, %while3A_214#4 : vector<16xf32>
      %select_n3A_230 = arith.select %and3A_217, %broadcast_in_dim3A_3, %while3A_214#5 : vector<16xf32>
      %select_n3A_231 = arith.select %and3A_217, %broadcast_in_dim3A_3, %while3A_214#6 : vector<16xf32>
      %select_n3A_232 = arith.select %and3A_217, %broadcast_in_dim3A_3, %while3A_214#7 : vector<16xf32>
      scf.yield %min3A_142, %add3A_224, %add3A_110, %add3A_113, %select_n3A_122, %select_n3A_225, %select_n3A_226, %select_n3A_227, %select_n3A_228, %select_n3A_229, %select_n3A_230, %select_n3A_231, %select_n3A_232 : i32, i32, i32, i32, i32, vector<16xf32>, vector<16xf32>, vector<16xf32>, vector<16xf32>, vector<16xf32>, vector<16xf32>, vector<16xf32>, vector<16xf32>
    }
    %while3A_82 = arith.constant 1 : i32
    %while3A_83:13 = scf.for %while3A_93 = %while3A_79 to %while3A_75 step %while3A_82 iter_args(%while3A_94 = %while3A_81#0, %while3A_95 = %while3A_81#1, %while3A_96 = %while3A_81#2, %while3A_97 = %while3A_81#3, %while3A_98 = %while3A_81#4, %while3A_99 = %while3A_81#5, %while3A_100 = %while3A_81#6, %while3A_101 = %while3A_81#7, %while3A_102 = %while3A_81#8, %while3A_103 = %while3A_81#9, %while3A_104 = %while3A_81#10, %while3A_105 = %while3A_81#11, %while3A_106 = %while3A_81#12) -> (i32, i32, i32, i32, i32, vector<16xf32>, vector<16xf32>, vector<16xf32>, vector<16xf32>, vector<16xf32>, vector<16xf32>, vector<16xf32>, vector<16xf32>)  : i32 {
      %ge3A = arith.cmpi sge, %while3A_94, %while3A_97 : i32
      %jit3A_107 = arith.constant 1 : i32
      %jit3A_108 = arith.constant 0 : i32
      %select_n3A_109 = arith.select %ge3A, %jit3A_107, %jit3A_108 : i32
      %add3A_110 = arith.addi %while3A_96, %select_n3A_109 : i32
      %mul3A_111 = arith.constant 192 : i32
      %mul3A_112 = arith.muli %select_n3A_109, %mul3A_111 : i32
      %add3A_113 = arith.addi %while3A_97, %mul3A_112 : i32
      %eq3A_114 = arith.constant 1 : i32
      %eq3A_115 = arith.cmpi eq, %select_n3A_109, %eq3A_114 : i32
      %eq3A_116 = arith.constant 2 : i32
      %eq3A_117 = arith.cmpi eq, %while3A_98, %eq3A_116 : i32
      %add3A_118 = arith.constant 1 : i32
      %add3A_119 = arith.addi %while3A_98, %add3A_118 : i32
      %jit3A_120 = arith.constant 0 : i32
      %select_n3A_121 = arith.select %eq3A_117, %jit3A_120, %add3A_119 : i32
      %select_n3A_122 = arith.select %eq3A_115, %select_n3A_121, %while3A_98 : i32
      %sub3A_123 = arith.constant 192 : i32
      %sub3A_124 = arith.subi %add3A_113, %sub3A_123 : i32
      %min3A = arith.constant 319808 : i32
      %min3A_125 = arith.minsi %sub3A_124, %min3A : i32
      %multiple_of3A_126 = tpu.assume_multiple %min3A_125, 8 : i32
      %eq3A_127 = arith.constant 1 : i32
      %eq3A_128 = arith.cmpi eq, %select_n3A_109, %eq3A_127 : i32
      %lt3A_129 = arith.cmpi slt, %add3A_110, %select_n3A_61 : i32
      %and3A_130 = arith.andi %eq3A_128, %lt3A_129 : i1
      %convert_element_type3A_131 = arith.extui %and3A_130 : i1 to i32
      %cond3A_132 = arith.constant 0 : i32
      %cond3A_133 = arith.cmpi ne, %convert_element_type3A_131, %cond3A_132 : i32
      scf.if %cond3A_133 {
        %eq3A_233 = arith.constant 0 : i32
        %eq3A_234 = arith.cmpi eq, %select_n3A_122, %eq3A_233 : i32
        %convert_element_type3A_235 = arith.extui %eq3A_234 : i1 to i32
        %cond3A_236 = arith.constant 0 : i32
        %cond3A_237 = arith.cmpi ne, %convert_element_type3A_235, %cond3A_236 : i32
        scf.if %cond3A_237 {
          %add3A_254 = arith.constant 96 : i32
          %add3A_255 = arith.addi %multiple_of3A_126, %add3A_254 : i32
          %multiple_of3A_256 = tpu.assume_multiple %add3A_255, 8 : i32
          %dma_wait3A = arith.constant 0 : i32
          %dma_wait3A_257 = arith.constant 0 : i32
          %dma_wait3A_258 = arith.constant 0 : i32
          %dma_wait3A_259 = tpu.memref_slice %arg6[%dma_wait3A, %dma_wait3A_257, %dma_wait3A_258] : memref<3x192x128xf32, #tpu.memory_space<vmem>> -> memref<1x96x128xf32, #tpu.memory_space<vmem>>
          %dma_wait3A_260 = tpu.memref_squeeze %dma_wait3A_259 : memref<1x96x128xf32, #tpu.memory_space<vmem>> -> memref<96x128xf32, #tpu.memory_space<vmem>>
          %dma_wait3A_261 = arith.constant 0 : i32
          %dma_wait3A_262 = tpu.memref_slice %arg2[%multiple_of3A_126, %dma_wait3A_261] : memref<320000x128xf32, #tpu.memory_space<hbm>> -> memref<96x128xf32, #tpu.memory_space<hbm>>
          %dma_wait3A_263 = arith.constant 0 : i32
          %dma_wait3A_264 = arith.constant 0 : i32
          %dma_wait3A_265 = tpu.memref_slice %arg6[%dma_wait3A, %dma_wait3A_263, %dma_wait3A_264] : memref<3x192x128xf32, #tpu.memory_space<vmem>> -> memref<1x96x128xf32, #tpu.memory_space<vmem>>
          %dma_wait3A_266 = tpu.memref_squeeze %dma_wait3A_265 : memref<1x96x128xf32, #tpu.memory_space<vmem>> -> memref<96x128xf32, #tpu.memory_space<vmem>>
          %dma_wait3A_267 = arith.constant 0 : i32
          %dma_wait3A_268 = tpu.memref_slice %arg2[%multiple_of3A_126, %dma_wait3A_267] : memref<320000x128xf32, #tpu.memory_space<hbm>> -> memref<96x128xf32, #tpu.memory_space<hbm>>
          tpu.wait_dma2 semaphore(%arg8 : memref<!tpu.dma_semaphore, #tpu.memory_space<semaphore_mem>>) src(%dma_wait3A_268 : memref<96x128xf32, #tpu.memory_space<hbm>>) dst(%dma_wait3A_266 : memref<96x128xf32, #tpu.memory_space<vmem>>)
          %dma_wait3A_269 = arith.constant 0 : i32
          %dma_wait3A_270 = arith.constant 96 : i32
          %dma_wait3A_271 = arith.constant 0 : i32
          %dma_wait3A_272 = tpu.memref_slice %arg6[%dma_wait3A_269, %dma_wait3A_270, %dma_wait3A_271] : memref<3x192x128xf32, #tpu.memory_space<vmem>> -> memref<1x96x128xf32, #tpu.memory_space<vmem>>
          %dma_wait3A_273 = tpu.memref_squeeze %dma_wait3A_272 : memref<1x96x128xf32, #tpu.memory_space<vmem>> -> memref<96x128xf32, #tpu.memory_space<vmem>>
          %dma_wait3A_274 = arith.constant 0 : i32
          %dma_wait3A_275 = tpu.memref_slice %arg2[%multiple_of3A_256, %dma_wait3A_274] : memref<320000x128xf32, #tpu.memory_space<hbm>> -> memref<96x128xf32, #tpu.memory_space<hbm>>
          %dma_wait3A_276 = arith.constant 96 : i32
          %dma_wait3A_277 = arith.constant 0 : i32
          %dma_wait3A_278 = tpu.memref_slice %arg6[%dma_wait3A_269, %dma_wait3A_276, %dma_wait3A_277] : memref<3x192x128xf32, #tpu.memory_space<vmem>> -> memref<1x96x128xf32, #tpu.memory_space<vmem>>
          %dma_wait3A_279 = tpu.memref_squeeze %dma_wait3A_278 : memref<1x96x128xf32, #tpu.memory_space<vmem>> -> memref<96x128xf32, #tpu.memory_space<vmem>>
          %dma_wait3A_280 = arith.constant 0 : i32
          %dma_wait3A_281 = tpu.memref_slice %arg2[%multiple_of3A_256, %dma_wait3A_280] : memref<320000x128xf32, #tpu.memory_space<hbm>> -> memref<96x128xf32, #tpu.memory_space<hbm>>
          tpu.wait_dma2 semaphore(%arg9 : memref<!tpu.dma_semaphore, #tpu.memory_space<semaphore_mem>>) src(%dma_wait3A_281 : memref<96x128xf32, #tpu.memory_space<hbm>>) dst(%dma_wait3A_279 : memref<96x128xf32, #tpu.memory_space<vmem>>)
        } else {
        }
        %eq3A_238 = arith.constant 1 : i32
        %eq3A_239 = arith.cmpi eq, %select_n3A_122, %eq3A_238 : i32
        %convert_element_type3A_240 = arith.extui %eq3A_239 : i1 to i32
        %cond3A_241 = arith.constant 0 : i32
        %cond3A_242 = arith.cmpi ne, %convert_element_type3A_240, %cond3A_241 : i32
        scf.if %cond3A_242 {
          %add3A_254 = arith.constant 96 : i32
          %add3A_255 = arith.addi %multiple_of3A_126, %add3A_254 : i32
          %multiple_of3A_256 = tpu.assume_multiple %add3A_255, 8 : i32
          %dma_wait3A = arith.constant 1 : i32
          %dma_wait3A_257 = arith.constant 0 : i32
          %dma_wait3A_258 = arith.constant 0 : i32
          %dma_wait3A_259 = tpu.memref_slice %arg6[%dma_wait3A, %dma_wait3A_257, %dma_wait3A_258] : memref<3x192x128xf32, #tpu.memory_space<vmem>> -> memref<1x96x128xf32, #tpu.memory_space<vmem>>
          %dma_wait3A_260 = tpu.memref_squeeze %dma_wait3A_259 : memref<1x96x128xf32, #tpu.memory_space<vmem>> -> memref<96x128xf32, #tpu.memory_space<vmem>>
          %dma_wait3A_261 = arith.constant 0 : i32
          %dma_wait3A_262 = tpu.memref_slice %arg2[%multiple_of3A_126, %dma_wait3A_261] : memref<320000x128xf32, #tpu.memory_space<hbm>> -> memref<96x128xf32, #tpu.memory_space<hbm>>
          %dma_wait3A_263 = arith.constant 0 : i32
          %dma_wait3A_264 = arith.constant 0 : i32
          %dma_wait3A_265 = tpu.memref_slice %arg6[%dma_wait3A, %dma_wait3A_263, %dma_wait3A_264] : memref<3x192x128xf32, #tpu.memory_space<vmem>> -> memref<1x96x128xf32, #tpu.memory_space<vmem>>
          %dma_wait3A_266 = tpu.memref_squeeze %dma_wait3A_265 : memref<1x96x128xf32, #tpu.memory_space<vmem>> -> memref<96x128xf32, #tpu.memory_space<vmem>>
          %dma_wait3A_267 = arith.constant 0 : i32
          %dma_wait3A_268 = tpu.memref_slice %arg2[%multiple_of3A_126, %dma_wait3A_267] : memref<320000x128xf32, #tpu.memory_space<hbm>> -> memref<96x128xf32, #tpu.memory_space<hbm>>
          tpu.wait_dma2 semaphore(%arg10 : memref<!tpu.dma_semaphore, #tpu.memory_space<semaphore_mem>>) src(%dma_wait3A_268 : memref<96x128xf32, #tpu.memory_space<hbm>>) dst(%dma_wait3A_266 : memref<96x128xf32, #tpu.memory_space<vmem>>)
          %dma_wait3A_269 = arith.constant 1 : i32
          %dma_wait3A_270 = arith.constant 96 : i32
          %dma_wait3A_271 = arith.constant 0 : i32
          %dma_wait3A_272 = tpu.memref_slice %arg6[%dma_wait3A_269, %dma_wait3A_270, %dma_wait3A_271] : memref<3x192x128xf32, #tpu.memory_space<vmem>> -> memref<1x96x128xf32, #tpu.memory_space<vmem>>
          %dma_wait3A_273 = tpu.memref_squeeze %dma_wait3A_272 : memref<1x96x128xf32, #tpu.memory_space<vmem>> -> memref<96x128xf32, #tpu.memory_space<vmem>>
          %dma_wait3A_274 = arith.constant 0 : i32
          %dma_wait3A_275 = tpu.memref_slice %arg2[%multiple_of3A_256, %dma_wait3A_274] : memref<320000x128xf32, #tpu.memory_space<hbm>> -> memref<96x128xf32, #tpu.memory_space<hbm>>
          %dma_wait3A_276 = arith.constant 96 : i32
          %dma_wait3A_277 = arith.constant 0 : i32
          %dma_wait3A_278 = tpu.memref_slice %arg6[%dma_wait3A_269, %dma_wait3A_276, %dma_wait3A_277] : memref<3x192x128xf32, #tpu.memory_space<vmem>> -> memref<1x96x128xf32, #tpu.memory_space<vmem>>
          %dma_wait3A_279 = tpu.memref_squeeze %dma_wait3A_278 : memref<1x96x128xf32, #tpu.memory_space<vmem>> -> memref<96x128xf32, #tpu.memory_space<vmem>>
          %dma_wait3A_280 = arith.constant 0 : i32
          %dma_wait3A_281 = tpu.memref_slice %arg2[%multiple_of3A_256, %dma_wait3A_280] : memref<320000x128xf32, #tpu.memory_space<hbm>> -> memref<96x128xf32, #tpu.memory_space<hbm>>
          tpu.wait_dma2 semaphore(%arg11 : memref<!tpu.dma_semaphore, #tpu.memory_space<semaphore_mem>>) src(%dma_wait3A_281 : memref<96x128xf32, #tpu.memory_space<hbm>>) dst(%dma_wait3A_279 : memref<96x128xf32, #tpu.memory_space<vmem>>)
        } else {
        }
        %eq3A_243 = arith.constant 2 : i32
        %eq3A_244 = arith.cmpi eq, %select_n3A_122, %eq3A_243 : i32
        %convert_element_type3A_245 = arith.extui %eq3A_244 : i1 to i32
        %cond3A_246 = arith.constant 0 : i32
        %cond3A_247 = arith.cmpi ne, %convert_element_type3A_245, %cond3A_246 : i32
        scf.if %cond3A_247 {
          %add3A_254 = arith.constant 96 : i32
          %add3A_255 = arith.addi %multiple_of3A_126, %add3A_254 : i32
          %multiple_of3A_256 = tpu.assume_multiple %add3A_255, 8 : i32
          %dma_wait3A = arith.constant 2 : i32
          %dma_wait3A_257 = arith.constant 0 : i32
          %dma_wait3A_258 = arith.constant 0 : i32
          %dma_wait3A_259 = tpu.memref_slice %arg6[%dma_wait3A, %dma_wait3A_257, %dma_wait3A_258] : memref<3x192x128xf32, #tpu.memory_space<vmem>> -> memref<1x96x128xf32, #tpu.memory_space<vmem>>
          %dma_wait3A_260 = tpu.memref_squeeze %dma_wait3A_259 : memref<1x96x128xf32, #tpu.memory_space<vmem>> -> memref<96x128xf32, #tpu.memory_space<vmem>>
          %dma_wait3A_261 = arith.constant 0 : i32
          %dma_wait3A_262 = tpu.memref_slice %arg2[%multiple_of3A_126, %dma_wait3A_261] : memref<320000x128xf32, #tpu.memory_space<hbm>> -> memref<96x128xf32, #tpu.memory_space<hbm>>
          %dma_wait3A_263 = arith.constant 0 : i32
          %dma_wait3A_264 = arith.constant 0 : i32
          %dma_wait3A_265 = tpu.memref_slice %arg6[%dma_wait3A, %dma_wait3A_263, %dma_wait3A_264] : memref<3x192x128xf32, #tpu.memory_space<vmem>> -> memref<1x96x128xf32, #tpu.memory_space<vmem>>
          %dma_wait3A_266 = tpu.memref_squeeze %dma_wait3A_265 : memref<1x96x128xf32, #tpu.memory_space<vmem>> -> memref<96x128xf32, #tpu.memory_space<vmem>>
          %dma_wait3A_267 = arith.constant 0 : i32
          %dma_wait3A_268 = tpu.memref_slice %arg2[%multiple_of3A_126, %dma_wait3A_267] : memref<320000x128xf32, #tpu.memory_space<hbm>> -> memref<96x128xf32, #tpu.memory_space<hbm>>
          tpu.wait_dma2 semaphore(%arg12 : memref<!tpu.dma_semaphore, #tpu.memory_space<semaphore_mem>>) src(%dma_wait3A_268 : memref<96x128xf32, #tpu.memory_space<hbm>>) dst(%dma_wait3A_266 : memref<96x128xf32, #tpu.memory_space<vmem>>)
          %dma_wait3A_269 = arith.constant 2 : i32
          %dma_wait3A_270 = arith.constant 96 : i32
          %dma_wait3A_271 = arith.constant 0 : i32
          %dma_wait3A_272 = tpu.memref_slice %arg6[%dma_wait3A_269, %dma_wait3A_270, %dma_wait3A_271] : memref<3x192x128xf32, #tpu.memory_space<vmem>> -> memref<1x96x128xf32, #tpu.memory_space<vmem>>
          %dma_wait3A_273 = tpu.memref_squeeze %dma_wait3A_272 : memref<1x96x128xf32, #tpu.memory_space<vmem>> -> memref<96x128xf32, #tpu.memory_space<vmem>>
          %dma_wait3A_274 = arith.constant 0 : i32
          %dma_wait3A_275 = tpu.memref_slice %arg2[%multiple_of3A_256, %dma_wait3A_274] : memref<320000x128xf32, #tpu.memory_space<hbm>> -> memref<96x128xf32, #tpu.memory_space<hbm>>
          %dma_wait3A_276 = arith.constant 96 : i32
          %dma_wait3A_277 = arith.constant 0 : i32
          %dma_wait3A_278 = tpu.memref_slice %arg6[%dma_wait3A_269, %dma_wait3A_276, %dma_wait3A_277] : memref<3x192x128xf32, #tpu.memory_space<vmem>> -> memref<1x96x128xf32, #tpu.memory_space<vmem>>
          %dma_wait3A_279 = tpu.memref_squeeze %dma_wait3A_278 : memref<1x96x128xf32, #tpu.memory_space<vmem>> -> memref<96x128xf32, #tpu.memory_space<vmem>>
          %dma_wait3A_280 = arith.constant 0 : i32
          %dma_wait3A_281 = tpu.memref_slice %arg2[%multiple_of3A_256, %dma_wait3A_280] : memref<320000x128xf32, #tpu.memory_space<hbm>> -> memref<96x128xf32, #tpu.memory_space<hbm>>
          tpu.wait_dma2 semaphore(%arg13 : memref<!tpu.dma_semaphore, #tpu.memory_space<semaphore_mem>>) src(%dma_wait3A_281 : memref<96x128xf32, #tpu.memory_space<hbm>>) dst(%dma_wait3A_279 : memref<96x128xf32, #tpu.memory_space<vmem>>)
        } else {
        }
        %add3A_248 = arith.constant 2 : i32
        %add3A_249 = arith.addi %add3A_110, %add3A_248 : i32
        %lt3A_250 = arith.cmpi slt, %add3A_249, %select_n3A_61 : i32
        %convert_element_type3A_251 = arith.extui %lt3A_250 : i1 to i32
        %cond3A_252 = arith.constant 0 : i32
        %cond3A_253 = arith.cmpi ne, %convert_element_type3A_251, %cond3A_252 : i32
        scf.if %cond3A_253 {
          %add3A_254 = arith.constant 2 : i32
          %add3A_255 = arith.addi %add3A_110, %add3A_254 : i32
          %mul3A_256 = arith.constant 192 : i32
          %mul3A_257 = arith.muli %add3A_255, %mul3A_256 : i32
          %add3A_258 = arith.addi %mul3A_32, %mul3A_257 : i32
          %min3A_259 = arith.constant 319808 : i32
          %min3A_260 = arith.minsi %add3A_258, %min3A_259 : i32
          %multiple_of3A_261 = tpu.assume_multiple %min3A_260, 8 : i32
          %add3A_262 = arith.constant 2 : i32
          %add3A_263 = arith.addi %select_n3A_122, %add3A_262 : i32
          %jit3A_264 = arith.constant 3 : i32
          %eq3A_265 = arith.constant 0 : i32
          %eq3A_266 = arith.cmpi eq, %jit3A_264, %eq3A_265 : i32
          %jit3A_267 = arith.constant 1 : i32
          %select_n3A_268 = arith.select %eq3A_266, %jit3A_267, %jit3A_264 : i32
          %rem3A_269 = arith.remsi %add3A_263, %select_n3A_268 : i32
          %ne3A_270 = arith.constant 0 : i32
          %ne3A_271 = arith.cmpi ne, %rem3A_269, %ne3A_270 : i32
          %lt3A_272 = arith.constant 0 : i32
          %lt3A_273 = arith.cmpi slt, %rem3A_269, %lt3A_272 : i32
          %lt3A_274 = arith.constant 0 : i32
          %lt3A_275 = arith.cmpi slt, %select_n3A_268, %lt3A_274 : i32
          %ne3A_276 = arith.xori %lt3A_273, %lt3A_275 : i1
          %and3A_277 = arith.andi %ne3A_276, %ne3A_271 : i1
          %add3A_278 = arith.addi %rem3A_269, %select_n3A_268 : i32
          %select_n3A_279 = arith.select %and3A_277, %add3A_278, %rem3A_269 : i32
          %eq3A_280 = arith.constant 0 : i32
          %eq3A_281 = arith.cmpi eq, %select_n3A_279, %eq3A_280 : i32
          %convert_element_type3A_282 = arith.extui %eq3A_281 : i1 to i32
          %cond3A_283 = arith.constant 0 : i32
          %cond3A_284 = arith.cmpi ne, %convert_element_type3A_282, %cond3A_283 : i32
          scf.if %cond3A_284 {
            %add3A_331 = arith.constant 96 : i32
            %add3A_332 = arith.addi %multiple_of3A_261, %add3A_331 : i32
            %multiple_of3A_333 = tpu.assume_multiple %add3A_332, 8 : i32
            %dma_start3A = arith.constant 0 : i32
            %dma_start3A_334 = arith.constant 0 : i32
            %dma_start3A_335 = arith.constant 0 : i32
            %dma_start3A_336 = tpu.memref_slice %arg6[%dma_start3A, %dma_start3A_334, %dma_start3A_335] : memref<3x192x128xf32, #tpu.memory_space<vmem>> -> memref<1x96x128xf32, #tpu.memory_space<vmem>>
            %dma_start3A_337 = tpu.memref_squeeze %dma_start3A_336 : memref<1x96x128xf32, #tpu.memory_space<vmem>> -> memref<96x128xf32, #tpu.memory_space<vmem>>
            %dma_start3A_338 = arith.constant 0 : i32
            %dma_start3A_339 = tpu.memref_slice %arg2[%multiple_of3A_261, %dma_start3A_338] : memref<320000x128xf32, #tpu.memory_space<hbm>> -> memref<96x128xf32, #tpu.memory_space<hbm>>
            %dma_start3A_340 = arith.constant 0 : i32
            %dma_start3A_341 = arith.constant 0 : i32
            %dma_start3A_342 = tpu.memref_slice %arg6[%dma_start3A, %dma_start3A_340, %dma_start3A_341] : memref<3x192x128xf32, #tpu.memory_space<vmem>> -> memref<1x96x128xf32, #tpu.memory_space<vmem>>
            %dma_start3A_343 = tpu.memref_squeeze %dma_start3A_342 : memref<1x96x128xf32, #tpu.memory_space<vmem>> -> memref<96x128xf32, #tpu.memory_space<vmem>>
            %dma_start3A_344 = arith.constant 0 : i32
            %dma_start3A_345 = tpu.memref_slice %arg2[%multiple_of3A_261, %dma_start3A_344] : memref<320000x128xf32, #tpu.memory_space<hbm>> -> memref<96x128xf32, #tpu.memory_space<hbm>>
            tpu.enqueue_dma source(%dma_start3A_345 : memref<96x128xf32, #tpu.memory_space<hbm>>) target(%dma_start3A_343 : memref<96x128xf32, #tpu.memory_space<vmem>>) target_semaphore(%arg8 : memref<!tpu.dma_semaphore, #tpu.memory_space<semaphore_mem>>)
            %dma_start3A_346 = arith.constant 0 : i32
            %dma_start3A_347 = arith.constant 96 : i32
            %dma_start3A_348 = arith.constant 0 : i32
            %dma_start3A_349 = tpu.memref_slice %arg6[%dma_start3A_346, %dma_start3A_347, %dma_start3A_348] : memref<3x192x128xf32, #tpu.memory_space<vmem>> -> memref<1x96x128xf32, #tpu.memory_space<vmem>>
            %dma_start3A_350 = tpu.memref_squeeze %dma_start3A_349 : memref<1x96x128xf32, #tpu.memory_space<vmem>> -> memref<96x128xf32, #tpu.memory_space<vmem>>
            %dma_start3A_351 = arith.constant 0 : i32
            %dma_start3A_352 = tpu.memref_slice %arg2[%multiple_of3A_333, %dma_start3A_351] : memref<320000x128xf32, #tpu.memory_space<hbm>> -> memref<96x128xf32, #tpu.memory_space<hbm>>
            %dma_start3A_353 = arith.constant 96 : i32
            %dma_start3A_354 = arith.constant 0 : i32
            %dma_start3A_355 = tpu.memref_slice %arg6[%dma_start3A_346, %dma_start3A_353, %dma_start3A_354] : memref<3x192x128xf32, #tpu.memory_space<vmem>> -> memref<1x96x128xf32, #tpu.memory_space<vmem>>
            %dma_start3A_356 = tpu.memref_squeeze %dma_start3A_355 : memref<1x96x128xf32, #tpu.memory_space<vmem>> -> memref<96x128xf32, #tpu.memory_space<vmem>>
            %dma_start3A_357 = arith.constant 0 : i32
            %dma_start3A_358 = tpu.memref_slice %arg2[%multiple_of3A_333, %dma_start3A_357] : memref<320000x128xf32, #tpu.memory_space<hbm>> -> memref<96x128xf32, #tpu.memory_space<hbm>>
            tpu.enqueue_dma source(%dma_start3A_358 : memref<96x128xf32, #tpu.memory_space<hbm>>) target(%dma_start3A_356 : memref<96x128xf32, #tpu.memory_space<vmem>>) target_semaphore(%arg9 : memref<!tpu.dma_semaphore, #tpu.memory_space<semaphore_mem>>)
          } else {
          }
          %add3A_285 = arith.constant 2 : i32
          %add3A_286 = arith.addi %select_n3A_122, %add3A_285 : i32
          %jit3A_287 = arith.constant 3 : i32
          %eq3A_288 = arith.constant 0 : i32
          %eq3A_289 = arith.cmpi eq, %jit3A_287, %eq3A_288 : i32
          %jit3A_290 = arith.constant 1 : i32
          %select_n3A_291 = arith.select %eq3A_289, %jit3A_290, %jit3A_287 : i32
          %rem3A_292 = arith.remsi %add3A_286, %select_n3A_291 : i32
          %ne3A_293 = arith.constant 0 : i32
          %ne3A_294 = arith.cmpi ne, %rem3A_292, %ne3A_293 : i32
          %lt3A_295 = arith.constant 0 : i32
          %lt3A_296 = arith.cmpi slt, %rem3A_292, %lt3A_295 : i32
          %lt3A_297 = arith.constant 0 : i32
          %lt3A_298 = arith.cmpi slt, %select_n3A_291, %lt3A_297 : i32
          %ne3A_299 = arith.xori %lt3A_296, %lt3A_298 : i1
          %and3A_300 = arith.andi %ne3A_299, %ne3A_294 : i1
          %add3A_301 = arith.addi %rem3A_292, %select_n3A_291 : i32
          %select_n3A_302 = arith.select %and3A_300, %add3A_301, %rem3A_292 : i32
          %eq3A_303 = arith.constant 1 : i32
          %eq3A_304 = arith.cmpi eq, %select_n3A_302, %eq3A_303 : i32
          %convert_element_type3A_305 = arith.extui %eq3A_304 : i1 to i32
          %cond3A_306 = arith.constant 0 : i32
          %cond3A_307 = arith.cmpi ne, %convert_element_type3A_305, %cond3A_306 : i32
          scf.if %cond3A_307 {
            %add3A_331 = arith.constant 96 : i32
            %add3A_332 = arith.addi %multiple_of3A_261, %add3A_331 : i32
            %multiple_of3A_333 = tpu.assume_multiple %add3A_332, 8 : i32
            %dma_start3A = arith.constant 1 : i32
            %dma_start3A_334 = arith.constant 0 : i32
            %dma_start3A_335 = arith.constant 0 : i32
            %dma_start3A_336 = tpu.memref_slice %arg6[%dma_start3A, %dma_start3A_334, %dma_start3A_335] : memref<3x192x128xf32, #tpu.memory_space<vmem>> -> memref<1x96x128xf32, #tpu.memory_space<vmem>>
            %dma_start3A_337 = tpu.memref_squeeze %dma_start3A_336 : memref<1x96x128xf32, #tpu.memory_space<vmem>> -> memref<96x128xf32, #tpu.memory_space<vmem>>
            %dma_start3A_338 = arith.constant 0 : i32
            %dma_start3A_339 = tpu.memref_slice %arg2[%multiple_of3A_261, %dma_start3A_338] : memref<320000x128xf32, #tpu.memory_space<hbm>> -> memref<96x128xf32, #tpu.memory_space<hbm>>
            %dma_start3A_340 = arith.constant 0 : i32
            %dma_start3A_341 = arith.constant 0 : i32
            %dma_start3A_342 = tpu.memref_slice %arg6[%dma_start3A, %dma_start3A_340, %dma_start3A_341] : memref<3x192x128xf32, #tpu.memory_space<vmem>> -> memref<1x96x128xf32, #tpu.memory_space<vmem>>
            %dma_start3A_343 = tpu.memref_squeeze %dma_start3A_342 : memref<1x96x128xf32, #tpu.memory_space<vmem>> -> memref<96x128xf32, #tpu.memory_space<vmem>>
            %dma_start3A_344 = arith.constant 0 : i32
            %dma_start3A_345 = tpu.memref_slice %arg2[%multiple_of3A_261, %dma_start3A_344] : memref<320000x128xf32, #tpu.memory_space<hbm>> -> memref<96x128xf32, #tpu.memory_space<hbm>>
            tpu.enqueue_dma source(%dma_start3A_345 : memref<96x128xf32, #tpu.memory_space<hbm>>) target(%dma_start3A_343 : memref<96x128xf32, #tpu.memory_space<vmem>>) target_semaphore(%arg10 : memref<!tpu.dma_semaphore, #tpu.memory_space<semaphore_mem>>)
            %dma_start3A_346 = arith.constant 1 : i32
            %dma_start3A_347 = arith.constant 96 : i32
            %dma_start3A_348 = arith.constant 0 : i32
            %dma_start3A_349 = tpu.memref_slice %arg6[%dma_start3A_346, %dma_start3A_347, %dma_start3A_348] : memref<3x192x128xf32, #tpu.memory_space<vmem>> -> memref<1x96x128xf32, #tpu.memory_space<vmem>>
            %dma_start3A_350 = tpu.memref_squeeze %dma_start3A_349 : memref<1x96x128xf32, #tpu.memory_space<vmem>> -> memref<96x128xf32, #tpu.memory_space<vmem>>
            %dma_start3A_351 = arith.constant 0 : i32
            %dma_start3A_352 = tpu.memref_slice %arg2[%multiple_of3A_333, %dma_start3A_351] : memref<320000x128xf32, #tpu.memory_space<hbm>> -> memref<96x128xf32, #tpu.memory_space<hbm>>
            %dma_start3A_353 = arith.constant 96 : i32
            %dma_start3A_354 = arith.constant 0 : i32
            %dma_start3A_355 = tpu.memref_slice %arg6[%dma_start3A_346, %dma_start3A_353, %dma_start3A_354] : memref<3x192x128xf32, #tpu.memory_space<vmem>> -> memref<1x96x128xf32, #tpu.memory_space<vmem>>
            %dma_start3A_356 = tpu.memref_squeeze %dma_start3A_355 : memref<1x96x128xf32, #tpu.memory_space<vmem>> -> memref<96x128xf32, #tpu.memory_space<vmem>>
            %dma_start3A_357 = arith.constant 0 : i32
            %dma_start3A_358 = tpu.memref_slice %arg2[%multiple_of3A_333, %dma_start3A_357] : memref<320000x128xf32, #tpu.memory_space<hbm>> -> memref<96x128xf32, #tpu.memory_space<hbm>>
            tpu.enqueue_dma source(%dma_start3A_358 : memref<96x128xf32, #tpu.memory_space<hbm>>) target(%dma_start3A_356 : memref<96x128xf32, #tpu.memory_space<vmem>>) target_semaphore(%arg11 : memref<!tpu.dma_semaphore, #tpu.memory_space<semaphore_mem>>)
          } else {
          }
          %add3A_308 = arith.constant 2 : i32
          %add3A_309 = arith.addi %select_n3A_122, %add3A_308 : i32
          %jit3A_310 = arith.constant 3 : i32
          %eq3A_311 = arith.constant 0 : i32
          %eq3A_312 = arith.cmpi eq, %jit3A_310, %eq3A_311 : i32
          %jit3A_313 = arith.constant 1 : i32
          %select_n3A_314 = arith.select %eq3A_312, %jit3A_313, %jit3A_310 : i32
          %rem3A_315 = arith.remsi %add3A_309, %select_n3A_314 : i32
          %ne3A_316 = arith.constant 0 : i32
          %ne3A_317 = arith.cmpi ne, %rem3A_315, %ne3A_316 : i32
          %lt3A_318 = arith.constant 0 : i32
          %lt3A_319 = arith.cmpi slt, %rem3A_315, %lt3A_318 : i32
          %lt3A_320 = arith.constant 0 : i32
          %lt3A_321 = arith.cmpi slt, %select_n3A_314, %lt3A_320 : i32
          %ne3A_322 = arith.xori %lt3A_319, %lt3A_321 : i1
          %and3A_323 = arith.andi %ne3A_322, %ne3A_317 : i1
          %add3A_324 = arith.addi %rem3A_315, %select_n3A_314 : i32
          %select_n3A_325 = arith.select %and3A_323, %add3A_324, %rem3A_315 : i32
          %eq3A_326 = arith.constant 2 : i32
          %eq3A_327 = arith.cmpi eq, %select_n3A_325, %eq3A_326 : i32
          %convert_element_type3A_328 = arith.extui %eq3A_327 : i1 to i32
          %cond3A_329 = arith.constant 0 : i32
          %cond3A_330 = arith.cmpi ne, %convert_element_type3A_328, %cond3A_329 : i32
          scf.if %cond3A_330 {
            %add3A_331 = arith.constant 96 : i32
            %add3A_332 = arith.addi %multiple_of3A_261, %add3A_331 : i32
            %multiple_of3A_333 = tpu.assume_multiple %add3A_332, 8 : i32
            %dma_start3A = arith.constant 2 : i32
            %dma_start3A_334 = arith.constant 0 : i32
            %dma_start3A_335 = arith.constant 0 : i32
            %dma_start3A_336 = tpu.memref_slice %arg6[%dma_start3A, %dma_start3A_334, %dma_start3A_335] : memref<3x192x128xf32, #tpu.memory_space<vmem>> -> memref<1x96x128xf32, #tpu.memory_space<vmem>>
            %dma_start3A_337 = tpu.memref_squeeze %dma_start3A_336 : memref<1x96x128xf32, #tpu.memory_space<vmem>> -> memref<96x128xf32, #tpu.memory_space<vmem>>
            %dma_start3A_338 = arith.constant 0 : i32
            %dma_start3A_339 = tpu.memref_slice %arg2[%multiple_of3A_261, %dma_start3A_338] : memref<320000x128xf32, #tpu.memory_space<hbm>> -> memref<96x128xf32, #tpu.memory_space<hbm>>
            %dma_start3A_340 = arith.constant 0 : i32
            %dma_start3A_341 = arith.constant 0 : i32
            %dma_start3A_342 = tpu.memref_slice %arg6[%dma_start3A, %dma_start3A_340, %dma_start3A_341] : memref<3x192x128xf32, #tpu.memory_space<vmem>> -> memref<1x96x128xf32, #tpu.memory_space<vmem>>
            %dma_start3A_343 = tpu.memref_squeeze %dma_start3A_342 : memref<1x96x128xf32, #tpu.memory_space<vmem>> -> memref<96x128xf32, #tpu.memory_space<vmem>>
            %dma_start3A_344 = arith.constant 0 : i32
            %dma_start3A_345 = tpu.memref_slice %arg2[%multiple_of3A_261, %dma_start3A_344] : memref<320000x128xf32, #tpu.memory_space<hbm>> -> memref<96x128xf32, #tpu.memory_space<hbm>>
            tpu.enqueue_dma source(%dma_start3A_345 : memref<96x128xf32, #tpu.memory_space<hbm>>) target(%dma_start3A_343 : memref<96x128xf32, #tpu.memory_space<vmem>>) target_semaphore(%arg12 : memref<!tpu.dma_semaphore, #tpu.memory_space<semaphore_mem>>)
            %dma_start3A_346 = arith.constant 2 : i32
            %dma_start3A_347 = arith.constant 96 : i32
            %dma_start3A_348 = arith.constant 0 : i32
            %dma_start3A_349 = tpu.memref_slice %arg6[%dma_start3A_346, %dma_start3A_347, %dma_start3A_348] : memref<3x192x128xf32, #tpu.memory_space<vmem>> -> memref<1x96x128xf32, #tpu.memory_space<vmem>>
            %dma_start3A_350 = tpu.memref_squeeze %dma_start3A_349 : memref<1x96x128xf32, #tpu.memory_space<vmem>> -> memref<96x128xf32, #tpu.memory_space<vmem>>
            %dma_start3A_351 = arith.constant 0 : i32
            %dma_start3A_352 = tpu.memref_slice %arg2[%multiple_of3A_333, %dma_start3A_351] : memref<320000x128xf32, #tpu.memory_space<hbm>> -> memref<96x128xf32, #tpu.memory_space<hbm>>
            %dma_start3A_353 = arith.constant 96 : i32
            %dma_start3A_354 = arith.constant 0 : i32
            %dma_start3A_355 = tpu.memref_slice %arg6[%dma_start3A_346, %dma_start3A_353, %dma_start3A_354] : memref<3x192x128xf32, #tpu.memory_space<vmem>> -> memref<1x96x128xf32, #tpu.memory_space<vmem>>
            %dma_start3A_356 = tpu.memref_squeeze %dma_start3A_355 : memref<1x96x128xf32, #tpu.memory_space<vmem>> -> memref<96x128xf32, #tpu.memory_space<vmem>>
            %dma_start3A_357 = arith.constant 0 : i32
            %dma_start3A_358 = tpu.memref_slice %arg2[%multiple_of3A_333, %dma_start3A_357] : memref<320000x128xf32, #tpu.memory_space<hbm>> -> memref<96x128xf32, #tpu.memory_space<hbm>>
            tpu.enqueue_dma source(%dma_start3A_358 : memref<96x128xf32, #tpu.memory_space<hbm>>) target(%dma_start3A_356 : memref<96x128xf32, #tpu.memory_space<vmem>>) target_semaphore(%arg13 : memref<!tpu.dma_semaphore, #tpu.memory_space<semaphore_mem>>)
          } else {
          }
        } else {
        }
      } else {
      }
      %add3A_134 = arith.constant 1 : i32
      %add3A_135 = arith.addi %while3A_95, %add3A_134 : i32
      %get3A_136 = arith.index_cast %add3A_135 : i32 to index
      %get3A_137 = tpu.vector_load %arg5[%get3A_136] {strides = array<i32>} : memref<344xi32, #tpu.memory_space<vmem>>, vector<16xi32>,
      %get3A_138 = vector.shape_cast %get3A_137 : vector<16xi32> to vector<16xi32>
      %slice3A_139 = vector.extract_strided_slice %get3A_138 {offsets = [0], sizes = [1], strides = [1]} : vector<16xi32> to vector<1xi32>
      %squeeze3A_140 = vector.extract %slice3A_139[0] : i32 from vector<1xi32>
      %min3A_141 = arith.minsi %squeeze3A_140, %add3A_113 : i32
      %min3A_142 = arith.minsi %min3A_141, %squeeze3A_12 : i32
      %sub3A_143 = arith.subi %min3A_142, %while3A_94 : i32
      %jit3A_144 = arith.constant 8 : i32
      %div3A_145 = arith.divsi %sub3A_143, %jit3A_144 : i32
      %sign3A_146 = arith.constant 0 : i32
      %sign3A_147 = arith.cmpi sgt, %sub3A_143, %sign3A_146 : i32
      %sign3A_148 = arith.extui %sign3A_147 : i1 to i32
      %sign3A_149 = arith.constant 0 : i32
      %sign3A_150 = arith.cmpi slt, %sub3A_143, %sign3A_149 : i32
      %sign3A_151 = arith.extui %sign3A_150 : i1 to i32
      %sign3A_152 = arith.subi %sign3A_148, %sign3A_151 : i32
      %sign3A_153 = arith.constant 0 : i32
      %sign3A_154 = arith.cmpi sgt, %jit3A_144, %sign3A_153 : i32
      %sign3A_155 = arith.extui %sign3A_154 : i1 to i32
      %sign3A_156 = arith.constant 0 : i32
      %sign3A_157 = arith.cmpi slt, %jit3A_144, %sign3A_156 : i32
      %sign3A_158 = arith.extui %sign3A_157 : i1 to i32
      %sign3A_159 = arith.subi %sign3A_155, %sign3A_158 : i32
      %ne3A_160 = arith.cmpi ne, %sign3A_152, %sign3A_159 : i32
      %rem3A_161 = arith.remsi %sub3A_143, %jit3A_144 : i32
      %ne3A_162 = arith.constant 0 : i32
      %ne3A_163 = arith.cmpi ne, %rem3A_161, %ne3A_162 : i32
      %and3A_164 = arith.andi %ne3A_160, %ne3A_163 : i1
      %sub3A_165 = arith.constant 1 : i32
      %sub3A_166 = arith.subi %div3A_145, %sub3A_165 : i32
      %select_n3A_167 = arith.select %and3A_164, %sub3A_166, %div3A_145 : i32
      %while3A_168 = arith.constant 0 : i32
      %while3A_169 = arith.subi %select_n3A_167, %while3A_168 : i32
      %while3A_170 = arith.addi %while3A_168, %while3A_169 : i32
      %while3A_171 = arith.constant 1 : i32
      %while3A_172 = arith.divsi %while3A_169, %while3A_171 : i32
      %while3A_173 = arith.muli %while3A_172, %while3A_171 : i32
      %while3A_174 = arith.addi %while3A_168, %while3A_173 : i32
      %while3A_175 = arith.constant 1 : i32
      %while3A_176:8 = scf.for %while3A_233 = %while3A_168 to %while3A_174 step %while3A_175 iter_args(%while3A_234 = %while3A_99, %while3A_235 = %while3A_100, %while3A_236 = %while3A_101, %while3A_237 = %while3A_102, %while3A_238 = %while3A_103, %while3A_239 = %while3A_104, %while3A_240 = %while3A_105, %while3A_241 = %while3A_106) -> (vector<16xf32>, vector<16xf32>, vector<16xf32>, vector<16xf32>, vector<16xf32>, vector<16xf32>, vector<16xf32>, vector<16xf32>)  : i32 {
        %mul3A_242 = arith.constant 8 : i32
        %mul3A_243 = arith.muli %mul3A_242, %while3A_233 : i32
        %add3A_244 = arith.addi %while3A_94, %mul3A_243 : i32
        %sub3A_245 = arith.subi %add3A_244, %multiple_of3A_126 : i32
        %add3A_246 = arith.constant 0 : i32
        %add3A_247 = arith.addi %sub3A_245, %add3A_246 : i32
        %get3A_248 = arith.index_cast %select_n3A_122 : i32 to index
        %get3A_249 = arith.index_cast %add3A_247 : i32 to index
        %get3A_250 = arith.constant 0 : index
        %get3A_251 = tpu.vector_load %arg6[%get3A_248, %get3A_249, %get3A_250] {strides = array<i32>} : memref<3x192x128xf32, #tpu.memory_space<vmem>>, vector<1x1x16xf32>,
        %get3A_252 = vector.shape_cast %get3A_251 : vector<1x1x16xf32> to vector<16xf32>
        %add3A_253 = arith.addf %while3A_234, %get3A_252 : vector<16xf32>
        %add3A_254 = arith.constant 0 : i32
        %add3A_255 = arith.addi %sub3A_245, %add3A_254 : i32
        %get3A_256 = arith.index_cast %select_n3A_122 : i32 to index
        %get3A_257 = arith.index_cast %add3A_255 : i32 to index
        %get3A_258 = arith.constant 16 : index
        %get3A_259 = tpu.vector_load %arg6[%get3A_256, %get3A_257, %get3A_258] {strides = array<i32>} : memref<3x192x128xf32, #tpu.memory_space<vmem>>, vector<1x1x16xf32>,
        %get3A_260 = vector.shape_cast %get3A_259 : vector<1x1x16xf32> to vector<16xf32>
        %add3A_261 = arith.addf %while3A_235, %get3A_260 : vector<16xf32>
        %add3A_262 = arith.constant 0 : i32
        %add3A_263 = arith.addi %sub3A_245, %add3A_262 : i32
        %get3A_264 = arith.index_cast %select_n3A_122 : i32 to index
        %get3A_265 = arith.index_cast %add3A_263 : i32 to index
        %get3A_266 = arith.constant 32 : index
        %get3A_267 = tpu.vector_load %arg6[%get3A_264, %get3A_265, %get3A_266] {strides = array<i32>} : memref<3x192x128xf32, #tpu.memory_space<vmem>>, vector<1x1x16xf32>,
        %get3A_268 = vector.shape_cast %get3A_267 : vector<1x1x16xf32> to vector<16xf32>
        %add3A_269 = arith.addf %while3A_236, %get3A_268 : vector<16xf32>
        %add3A_270 = arith.constant 0 : i32
        %add3A_271 = arith.addi %sub3A_245, %add3A_270 : i32
        %get3A_272 = arith.index_cast %select_n3A_122 : i32 to index
        %get3A_273 = arith.index_cast %add3A_271 : i32 to index
        %get3A_274 = arith.constant 48 : index
        %get3A_275 = tpu.vector_load %arg6[%get3A_272, %get3A_273, %get3A_274] {strides = array<i32>} : memref<3x192x128xf32, #tpu.memory_space<vmem>>, vector<1x1x16xf32>,
        %get3A_276 = vector.shape_cast %get3A_275 : vector<1x1x16xf32> to vector<16xf32>
        %add3A_277 = arith.addf %while3A_237, %get3A_276 : vector<16xf32>
        %add3A_278 = arith.constant 0 : i32
        %add3A_279 = arith.addi %sub3A_245, %add3A_278 : i32
        %get3A_280 = arith.index_cast %select_n3A_122 : i32 to index
        %get3A_281 = arith.index_cast %add3A_279 : i32 to index
        %get3A_282 = arith.constant 64 : index
        %get3A_283 = tpu.vector_load %arg6[%get3A_280, %get3A_281, %get3A_282] {strides = array<i32>} : memref<3x192x128xf32, #tpu.memory_space<vmem>>, vector<1x1x16xf32>,
        %get3A_284 = vector.shape_cast %get3A_283 : vector<1x1x16xf32> to vector<16xf32>
        %add3A_285 = arith.addf %while3A_238, %get3A_284 : vector<16xf32>
        %add3A_286 = arith.constant 0 : i32
        %add3A_287 = arith.addi %sub3A_245, %add3A_286 : i32
        %get3A_288 = arith.index_cast %select_n3A_122 : i32 to index
        %get3A_289 = arith.index_cast %add3A_287 : i32 to index
        %get3A_290 = arith.constant 80 : index
        %get3A_291 = tpu.vector_load %arg6[%get3A_288, %get3A_289, %get3A_290] {strides = array<i32>} : memref<3x192x128xf32, #tpu.memory_space<vmem>>, vector<1x1x16xf32>,
        %get3A_292 = vector.shape_cast %get3A_291 : vector<1x1x16xf32> to vector<16xf32>
        %add3A_293 = arith.addf %while3A_239, %get3A_292 : vector<16xf32>
        %add3A_294 = arith.constant 0 : i32
        %add3A_295 = arith.addi %sub3A_245, %add3A_294 : i32
        %get3A_296 = arith.index_cast %select_n3A_122 : i32 to index
        %get3A_297 = arith.index_cast %add3A_295 : i32 to index
        %get3A_298 = arith.constant 96 : index
        %get3A_299 = tpu.vector_load %arg6[%get3A_296, %get3A_297, %get3A_298] {strides = array<i32>} : memref<3x192x128xf32, #tpu.memory_space<vmem>>, vector<1x1x16xf32>,
        %get3A_300 = vector.shape_cast %get3A_299 : vector<1x1x16xf32> to vector<16xf32>
        %add3A_301 = arith.addf %while3A_240, %get3A_300 : vector<16xf32>
        %add3A_302 = arith.constant 0 : i32
        %add3A_303 = arith.addi %sub3A_245, %add3A_302 : i32
        %get3A_304 = arith.index_cast %select_n3A_122 : i32 to index
        %get3A_305 = arith.index_cast %add3A_303 : i32 to index
        %get3A_306 = arith.constant 112 : index
        %get3A_307 = tpu.vector_load %arg6[%get3A_304, %get3A_305, %get3A_306] {strides = array<i32>} : memref<3x192x128xf32, #tpu.memory_space<vmem>>, vector<1x1x16xf32>,
        %get3A_308 = vector.shape_cast %get3A_307 : vector<1x1x16xf32> to vector<16xf32>
        %add3A_309 = arith.addf %while3A_241, %get3A_308 : vector<16xf32>
        %add3A_310 = arith.constant 1 : i32
        %add3A_311 = arith.addi %sub3A_245, %add3A_310 : i32
        %get3A_312 = arith.index_cast %select_n3A_122 : i32 to index
        %get3A_313 = arith.index_cast %add3A_311 : i32 to index
        %get3A_314 = arith.constant 0 : index
        %get3A_315 = tpu.vector_load %arg6[%get3A_312, %get3A_313, %get3A_314] {strides = array<i32>} : memref<3x192x128xf32, #tpu.memory_space<vmem>>, vector<1x1x16xf32>,
        %get3A_316 = vector.shape_cast %get3A_315 : vector<1x1x16xf32> to vector<16xf32>
        %add3A_317 = arith.addf %add3A_253, %get3A_316 : vector<16xf32>
        %add3A_318 = arith.constant 1 : i32
        %add3A_319 = arith.addi %sub3A_245, %add3A_318 : i32
        %get3A_320 = arith.index_cast %select_n3A_122 : i32 to index
        %get3A_321 = arith.index_cast %add3A_319 : i32 to index
        %get3A_322 = arith.constant 16 : index
        %get3A_323 = tpu.vector_load %arg6[%get3A_320, %get3A_321, %get3A_322] {strides = array<i32>} : memref<3x192x128xf32, #tpu.memory_space<vmem>>, vector<1x1x16xf32>,
        %get3A_324 = vector.shape_cast %get3A_323 : vector<1x1x16xf32> to vector<16xf32>
        %add3A_325 = arith.addf %add3A_261, %get3A_324 : vector<16xf32>
        %add3A_326 = arith.constant 1 : i32
        %add3A_327 = arith.addi %sub3A_245, %add3A_326 : i32
        %get3A_328 = arith.index_cast %select_n3A_122 : i32 to index
        %get3A_329 = arith.index_cast %add3A_327 : i32 to index
        %get3A_330 = arith.constant 32 : index
        %get3A_331 = tpu.vector_load %arg6[%get3A_328, %get3A_329, %get3A_330] {strides = array<i32>} : memref<3x192x128xf32, #tpu.memory_space<vmem>>, vector<1x1x16xf32>,
        %get3A_332 = vector.shape_cast %get3A_331 : vector<1x1x16xf32> to vector<16xf32>
        %add3A_333 = arith.addf %add3A_269, %get3A_332 : vector<16xf32>
        %add3A_334 = arith.constant 1 : i32
        %add3A_335 = arith.addi %sub3A_245, %add3A_334 : i32
        %get3A_336 = arith.index_cast %select_n3A_122 : i32 to index
        %get3A_337 = arith.index_cast %add3A_335 : i32 to index
        %get3A_338 = arith.constant 48 : index
        %get3A_339 = tpu.vector_load %arg6[%get3A_336, %get3A_337, %get3A_338] {strides = array<i32>} : memref<3x192x128xf32, #tpu.memory_space<vmem>>, vector<1x1x16xf32>,
        %get3A_340 = vector.shape_cast %get3A_339 : vector<1x1x16xf32> to vector<16xf32>
        %add3A_341 = arith.addf %add3A_277, %get3A_340 : vector<16xf32>
        %add3A_342 = arith.constant 1 : i32
        %add3A_343 = arith.addi %sub3A_245, %add3A_342 : i32
        %get3A_344 = arith.index_cast %select_n3A_122 : i32 to index
        %get3A_345 = arith.index_cast %add3A_343 : i32 to index
        %get3A_346 = arith.constant 64 : index
        %get3A_347 = tpu.vector_load %arg6[%get3A_344, %get3A_345, %get3A_346] {strides = array<i32>} : memref<3x192x128xf32, #tpu.memory_space<vmem>>, vector<1x1x16xf32>,
        %get3A_348 = vector.shape_cast %get3A_347 : vector<1x1x16xf32> to vector<16xf32>
        %add3A_349 = arith.addf %add3A_285, %get3A_348 : vector<16xf32>
        %add3A_350 = arith.constant 1 : i32
        %add3A_351 = arith.addi %sub3A_245, %add3A_350 : i32
        %get3A_352 = arith.index_cast %select_n3A_122 : i32 to index
        %get3A_353 = arith.index_cast %add3A_351 : i32 to index
        %get3A_354 = arith.constant 80 : index
        %get3A_355 = tpu.vector_load %arg6[%get3A_352, %get3A_353, %get3A_354] {strides = array<i32>} : memref<3x192x128xf32, #tpu.memory_space<vmem>>, vector<1x1x16xf32>,
        %get3A_356 = vector.shape_cast %get3A_355 : vector<1x1x16xf32> to vector<16xf32>
        %add3A_357 = arith.addf %add3A_293, %get3A_356 : vector<16xf32>
        %add3A_358 = arith.constant 1 : i32
        %add3A_359 = arith.addi %sub3A_245, %add3A_358 : i32
        %get3A_360 = arith.index_cast %select_n3A_122 : i32 to index
        %get3A_361 = arith.index_cast %add3A_359 : i32 to index
        %get3A_362 = arith.constant 96 : index
        %get3A_363 = tpu.vector_load %arg6[%get3A_360, %get3A_361, %get3A_362] {strides = array<i32>} : memref<3x192x128xf32, #tpu.memory_space<vmem>>, vector<1x1x16xf32>,
        %get3A_364 = vector.shape_cast %get3A_363 : vector<1x1x16xf32> to vector<16xf32>
        %add3A_365 = arith.addf %add3A_301, %get3A_364 : vector<16xf32>
        %add3A_366 = arith.constant 1 : i32
        %add3A_367 = arith.addi %sub3A_245, %add3A_366 : i32
        %get3A_368 = arith.index_cast %select_n3A_122 : i32 to index
        %get3A_369 = arith.index_cast %add3A_367 : i32 to index
        %get3A_370 = arith.constant 112 : index
        %get3A_371 = tpu.vector_load %arg6[%get3A_368, %get3A_369, %get3A_370] {strides = array<i32>} : memref<3x192x128xf32, #tpu.memory_space<vmem>>, vector<1x1x16xf32>,
        %get3A_372 = vector.shape_cast %get3A_371 : vector<1x1x16xf32> to vector<16xf32>
        %add3A_373 = arith.addf %add3A_309, %get3A_372 : vector<16xf32>
        %add3A_374 = arith.constant 2 : i32
        %add3A_375 = arith.addi %sub3A_245, %add3A_374 : i32
        %get3A_376 = arith.index_cast %select_n3A_122 : i32 to index
        %get3A_377 = arith.index_cast %add3A_375 : i32 to index
        %get3A_378 = arith.constant 0 : index
        %get3A_379 = tpu.vector_load %arg6[%get3A_376, %get3A_377, %get3A_378] {strides = array<i32>} : memref<3x192x128xf32, #tpu.memory_space<vmem>>, vector<1x1x16xf32>,
        %get3A_380 = vector.shape_cast %get3A_379 : vector<1x1x16xf32> to vector<16xf32>
        %add3A_381 = arith.addf %add3A_317, %get3A_380 : vector<16xf32>
        %add3A_382 = arith.constant 2 : i32
        %add3A_383 = arith.addi %sub3A_245, %add3A_382 : i32
        %get3A_384 = arith.index_cast %select_n3A_122 : i32 to index
        %get3A_385 = arith.index_cast %add3A_383 : i32 to index
        %get3A_386 = arith.constant 16 : index
        %get3A_387 = tpu.vector_load %arg6[%get3A_384, %get3A_385, %get3A_386] {strides = array<i32>} : memref<3x192x128xf32, #tpu.memory_space<vmem>>, vector<1x1x16xf32>,
        %get3A_388 = vector.shape_cast %get3A_387 : vector<1x1x16xf32> to vector<16xf32>
        %add3A_389 = arith.addf %add3A_325, %get3A_388 : vector<16xf32>
        %add3A_390 = arith.constant 2 : i32
        %add3A_391 = arith.addi %sub3A_245, %add3A_390 : i32
        %get3A_392 = arith.index_cast %select_n3A_122 : i32 to index
        %get3A_393 = arith.index_cast %add3A_391 : i32 to index
        %get3A_394 = arith.constant 32 : index
        %get3A_395 = tpu.vector_load %arg6[%get3A_392, %get3A_393, %get3A_394] {strides = array<i32>} : memref<3x192x128xf32, #tpu.memory_space<vmem>>, vector<1x1x16xf32>,
        %get3A_396 = vector.shape_cast %get3A_395 : vector<1x1x16xf32> to vector<16xf32>
        %add3A_397 = arith.addf %add3A_333, %get3A_396 : vector<16xf32>
        %add3A_398 = arith.constant 2 : i32
        %add3A_399 = arith.addi %sub3A_245, %add3A_398 : i32
        %get3A_400 = arith.index_cast %select_n3A_122 : i32 to index
        %get3A_401 = arith.index_cast %add3A_399 : i32 to index
        %get3A_402 = arith.constant 48 : index
        %get3A_403 = tpu.vector_load %arg6[%get3A_400, %get3A_401, %get3A_402] {strides = array<i32>} : memref<3x192x128xf32, #tpu.memory_space<vmem>>, vector<1x1x16xf32>,
        %get3A_404 = vector.shape_cast %get3A_403 : vector<1x1x16xf32> to vector<16xf32>
        %add3A_405 = arith.addf %add3A_341, %get3A_404 : vector<16xf32>
        %add3A_406 = arith.constant 2 : i32
        %add3A_407 = arith.addi %sub3A_245, %add3A_406 : i32
        %get3A_408 = arith.index_cast %select_n3A_122 : i32 to index
        %get3A_409 = arith.index_cast %add3A_407 : i32 to index
        %get3A_410 = arith.constant 64 : index
        %get3A_411 = tpu.vector_load %arg6[%get3A_408, %get3A_409, %get3A_410] {strides = array<i32>} : memref<3x192x128xf32, #tpu.memory_space<vmem>>, vector<1x1x16xf32>,
        %get3A_412 = vector.shape_cast %get3A_411 : vector<1x1x16xf32> to vector<16xf32>
        %add3A_413 = arith.addf %add3A_349, %get3A_412 : vector<16xf32>
        %add3A_414 = arith.constant 2 : i32
        %add3A_415 = arith.addi %sub3A_245, %add3A_414 : i32
        %get3A_416 = arith.index_cast %select_n3A_122 : i32 to index
        %get3A_417 = arith.index_cast %add3A_415 : i32 to index
        %get3A_418 = arith.constant 80 : index
        %get3A_419 = tpu.vector_load %arg6[%get3A_416, %get3A_417, %get3A_418] {strides = array<i32>} : memref<3x192x128xf32, #tpu.memory_space<vmem>>, vector<1x1x16xf32>,
        %get3A_420 = vector.shape_cast %get3A_419 : vector<1x1x16xf32> to vector<16xf32>
        %add3A_421 = arith.addf %add3A_357, %get3A_420 : vector<16xf32>
        %add3A_422 = arith.constant 2 : i32
        %add3A_423 = arith.addi %sub3A_245, %add3A_422 : i32
        %get3A_424 = arith.index_cast %select_n3A_122 : i32 to index
        %get3A_425 = arith.index_cast %add3A_423 : i32 to index
        %get3A_426 = arith.constant 96 : index
        %get3A_427 = tpu.vector_load %arg6[%get3A_424, %get3A_425, %get3A_426] {strides = array<i32>} : memref<3x192x128xf32, #tpu.memory_space<vmem>>, vector<1x1x16xf32>,
        %get3A_428 = vector.shape_cast %get3A_427 : vector<1x1x16xf32> to vector<16xf32>
        %add3A_429 = arith.addf %add3A_365, %get3A_428 : vector<16xf32>
        %add3A_430 = arith.constant 2 : i32
        %add3A_431 = arith.addi %sub3A_245, %add3A_430 : i32
        %get3A_432 = arith.index_cast %select_n3A_122 : i32 to index
        %get3A_433 = arith.index_cast %add3A_431 : i32 to index
        %get3A_434 = arith.constant 112 : index
        %get3A_435 = tpu.vector_load %arg6[%get3A_432, %get3A_433, %get3A_434] {strides = array<i32>} : memref<3x192x128xf32, #tpu.memory_space<vmem>>, vector<1x1x16xf32>,
        %get3A_436 = vector.shape_cast %get3A_435 : vector<1x1x16xf32> to vector<16xf32>
        %add3A_437 = arith.addf %add3A_373, %get3A_436 : vector<16xf32>
        %add3A_438 = arith.constant 3 : i32
        %add3A_439 = arith.addi %sub3A_245, %add3A_438 : i32
        %get3A_440 = arith.index_cast %select_n3A_122 : i32 to index
        %get3A_441 = arith.index_cast %add3A_439 : i32 to index
        %get3A_442 = arith.constant 0 : index
        %get3A_443 = tpu.vector_load %arg6[%get3A_440, %get3A_441, %get3A_442] {strides = array<i32>} : memref<3x192x128xf32, #tpu.memory_space<vmem>>, vector<1x1x16xf32>,
        %get3A_444 = vector.shape_cast %get3A_443 : vector<1x1x16xf32> to vector<16xf32>
        %add3A_445 = arith.addf %add3A_381, %get3A_444 : vector<16xf32>
        %add3A_446 = arith.constant 3 : i32
        %add3A_447 = arith.addi %sub3A_245, %add3A_446 : i32
        %get3A_448 = arith.index_cast %select_n3A_122 : i32 to index
        %get3A_449 = arith.index_cast %add3A_447 : i32 to index
        %get3A_450 = arith.constant 16 : index
        %get3A_451 = tpu.vector_load %arg6[%get3A_448, %get3A_449, %get3A_450] {strides = array<i32>} : memref<3x192x128xf32, #tpu.memory_space<vmem>>, vector<1x1x16xf32>,
        %get3A_452 = vector.shape_cast %get3A_451 : vector<1x1x16xf32> to vector<16xf32>
        %add3A_453 = arith.addf %add3A_389, %get3A_452 : vector<16xf32>
        %add3A_454 = arith.constant 3 : i32
        %add3A_455 = arith.addi %sub3A_245, %add3A_454 : i32
        %get3A_456 = arith.index_cast %select_n3A_122 : i32 to index
        %get3A_457 = arith.index_cast %add3A_455 : i32 to index
        %get3A_458 = arith.constant 32 : index
        %get3A_459 = tpu.vector_load %arg6[%get3A_456, %get3A_457, %get3A_458] {strides = array<i32>} : memref<3x192x128xf32, #tpu.memory_space<vmem>>, vector<1x1x16xf32>,
        %get3A_460 = vector.shape_cast %get3A_459 : vector<1x1x16xf32> to vector<16xf32>
        %add3A_461 = arith.addf %add3A_397, %get3A_460 : vector<16xf32>
        %add3A_462 = arith.constant 3 : i32
        %add3A_463 = arith.addi %sub3A_245, %add3A_462 : i32
        %get3A_464 = arith.index_cast %select_n3A_122 : i32 to index
        %get3A_465 = arith.index_cast %add3A_463 : i32 to index
        %get3A_466 = arith.constant 48 : index
        %get3A_467 = tpu.vector_load %arg6[%get3A_464, %get3A_465, %get3A_466] {strides = array<i32>} : memref<3x192x128xf32, #tpu.memory_space<vmem>>, vector<1x1x16xf32>,
        %get3A_468 = vector.shape_cast %get3A_467 : vector<1x1x16xf32> to vector<16xf32>
        %add3A_469 = arith.addf %add3A_405, %get3A_468 : vector<16xf32>
        %add3A_470 = arith.constant 3 : i32
        %add3A_471 = arith.addi %sub3A_245, %add3A_470 : i32
        %get3A_472 = arith.index_cast %select_n3A_122 : i32 to index
        %get3A_473 = arith.index_cast %add3A_471 : i32 to index
        %get3A_474 = arith.constant 64 : index
        %get3A_475 = tpu.vector_load %arg6[%get3A_472, %get3A_473, %get3A_474] {strides = array<i32>} : memref<3x192x128xf32, #tpu.memory_space<vmem>>, vector<1x1x16xf32>,
        %get3A_476 = vector.shape_cast %get3A_475 : vector<1x1x16xf32> to vector<16xf32>
        %add3A_477 = arith.addf %add3A_413, %get3A_476 : vector<16xf32>
        %add3A_478 = arith.constant 3 : i32
        %add3A_479 = arith.addi %sub3A_245, %add3A_478 : i32
        %get3A_480 = arith.index_cast %select_n3A_122 : i32 to index
        %get3A_481 = arith.index_cast %add3A_479 : i32 to index
        %get3A_482 = arith.constant 80 : index
        %get3A_483 = tpu.vector_load %arg6[%get3A_480, %get3A_481, %get3A_482] {strides = array<i32>} : memref<3x192x128xf32, #tpu.memory_space<vmem>>, vector<1x1x16xf32>,
        %get3A_484 = vector.shape_cast %get3A_483 : vector<1x1x16xf32> to vector<16xf32>
        %add3A_485 = arith.addf %add3A_421, %get3A_484 : vector<16xf32>
        %add3A_486 = arith.constant 3 : i32
        %add3A_487 = arith.addi %sub3A_245, %add3A_486 : i32
        %get3A_488 = arith.index_cast %select_n3A_122 : i32 to index
        %get3A_489 = arith.index_cast %add3A_487 : i32 to index
        %get3A_490 = arith.constant 96 : index
        %get3A_491 = tpu.vector_load %arg6[%get3A_488, %get3A_489, %get3A_490] {strides = array<i32>} : memref<3x192x128xf32, #tpu.memory_space<vmem>>, vector<1x1x16xf32>,
        %get3A_492 = vector.shape_cast %get3A_491 : vector<1x1x16xf32> to vector<16xf32>
        %add3A_493 = arith.addf %add3A_429, %get3A_492 : vector<16xf32>
        %add3A_494 = arith.constant 3 : i32
        %add3A_495 = arith.addi %sub3A_245, %add3A_494 : i32
        %get3A_496 = arith.index_cast %select_n3A_122 : i32 to index
        %get3A_497 = arith.index_cast %add3A_495 : i32 to index
        %get3A_498 = arith.constant 112 : index
        %get3A_499 = tpu.vector_load %arg6[%get3A_496, %get3A_497, %get3A_498] {strides = array<i32>} : memref<3x192x128xf32, #tpu.memory_space<vmem>>, vector<1x1x16xf32>,
        %get3A_500 = vector.shape_cast %get3A_499 : vector<1x1x16xf32> to vector<16xf32>
        %add3A_501 = arith.addf %add3A_437, %get3A_500 : vector<16xf32>
        %add3A_502 = arith.constant 4 : i32
        %add3A_503 = arith.addi %sub3A_245, %add3A_502 : i32
        %get3A_504 = arith.index_cast %select_n3A_122 : i32 to index
        %get3A_505 = arith.index_cast %add3A_503 : i32 to index
        %get3A_506 = arith.constant 0 : index
        %get3A_507 = tpu.vector_load %arg6[%get3A_504, %get3A_505, %get3A_506] {strides = array<i32>} : memref<3x192x128xf32, #tpu.memory_space<vmem>>, vector<1x1x16xf32>,
        %get3A_508 = vector.shape_cast %get3A_507 : vector<1x1x16xf32> to vector<16xf32>
        %add3A_509 = arith.addf %add3A_445, %get3A_508 : vector<16xf32>
        %add3A_510 = arith.constant 4 : i32
        %add3A_511 = arith.addi %sub3A_245, %add3A_510 : i32
        %get3A_512 = arith.index_cast %select_n3A_122 : i32 to index
        %get3A_513 = arith.index_cast %add3A_511 : i32 to index
        %get3A_514 = arith.constant 16 : index
        %get3A_515 = tpu.vector_load %arg6[%get3A_512, %get3A_513, %get3A_514] {strides = array<i32>} : memref<3x192x128xf32, #tpu.memory_space<vmem>>, vector<1x1x16xf32>,
        %get3A_516 = vector.shape_cast %get3A_515 : vector<1x1x16xf32> to vector<16xf32>
        %add3A_517 = arith.addf %add3A_453, %get3A_516 : vector<16xf32>
        %add3A_518 = arith.constant 4 : i32
        %add3A_519 = arith.addi %sub3A_245, %add3A_518 : i32
        %get3A_520 = arith.index_cast %select_n3A_122 : i32 to index
        %get3A_521 = arith.index_cast %add3A_519 : i32 to index
        %get3A_522 = arith.constant 32 : index
        %get3A_523 = tpu.vector_load %arg6[%get3A_520, %get3A_521, %get3A_522] {strides = array<i32>} : memref<3x192x128xf32, #tpu.memory_space<vmem>>, vector<1x1x16xf32>,
        %get3A_524 = vector.shape_cast %get3A_523 : vector<1x1x16xf32> to vector<16xf32>
        %add3A_525 = arith.addf %add3A_461, %get3A_524 : vector<16xf32>
        %add3A_526 = arith.constant 4 : i32
        %add3A_527 = arith.addi %sub3A_245, %add3A_526 : i32
        %get3A_528 = arith.index_cast %select_n3A_122 : i32 to index
        %get3A_529 = arith.index_cast %add3A_527 : i32 to index
        %get3A_530 = arith.constant 48 : index
        %get3A_531 = tpu.vector_load %arg6[%get3A_528, %get3A_529, %get3A_530] {strides = array<i32>} : memref<3x192x128xf32, #tpu.memory_space<vmem>>, vector<1x1x16xf32>,
        %get3A_532 = vector.shape_cast %get3A_531 : vector<1x1x16xf32> to vector<16xf32>
        %add3A_533 = arith.addf %add3A_469, %get3A_532 : vector<16xf32>
        %add3A_534 = arith.constant 4 : i32
        %add3A_535 = arith.addi %sub3A_245, %add3A_534 : i32
        %get3A_536 = arith.index_cast %select_n3A_122 : i32 to index
        %get3A_537 = arith.index_cast %add3A_535 : i32 to index
        %get3A_538 = arith.constant 64 : index
        %get3A_539 = tpu.vector_load %arg6[%get3A_536, %get3A_537, %get3A_538] {strides = array<i32>} : memref<3x192x128xf32, #tpu.memory_space<vmem>>, vector<1x1x16xf32>,
        %get3A_540 = vector.shape_cast %get3A_539 : vector<1x1x16xf32> to vector<16xf32>
        %add3A_541 = arith.addf %add3A_477, %get3A_540 : vector<16xf32>
        %add3A_542 = arith.constant 4 : i32
        %add3A_543 = arith.addi %sub3A_245, %add3A_542 : i32
        %get3A_544 = arith.index_cast %select_n3A_122 : i32 to index
        %get3A_545 = arith.index_cast %add3A_543 : i32 to index
        %get3A_546 = arith.constant 80 : index
        %get3A_547 = tpu.vector_load %arg6[%get3A_544, %get3A_545, %get3A_546] {strides = array<i32>} : memref<3x192x128xf32, #tpu.memory_space<vmem>>, vector<1x1x16xf32>,
        %get3A_548 = vector.shape_cast %get3A_547 : vector<1x1x16xf32> to vector<16xf32>
        %add3A_549 = arith.addf %add3A_485, %get3A_548 : vector<16xf32>
        %add3A_550 = arith.constant 4 : i32
        %add3A_551 = arith.addi %sub3A_245, %add3A_550 : i32
        %get3A_552 = arith.index_cast %select_n3A_122 : i32 to index
        %get3A_553 = arith.index_cast %add3A_551 : i32 to index
        %get3A_554 = arith.constant 96 : index
        %get3A_555 = tpu.vector_load %arg6[%get3A_552, %get3A_553, %get3A_554] {strides = array<i32>} : memref<3x192x128xf32, #tpu.memory_space<vmem>>, vector<1x1x16xf32>,
        %get3A_556 = vector.shape_cast %get3A_555 : vector<1x1x16xf32> to vector<16xf32>
        %add3A_557 = arith.addf %add3A_493, %get3A_556 : vector<16xf32>
        %add3A_558 = arith.constant 4 : i32
        %add3A_559 = arith.addi %sub3A_245, %add3A_558 : i32
        %get3A_560 = arith.index_cast %select_n3A_122 : i32 to index
        %get3A_561 = arith.index_cast %add3A_559 : i32 to index
        %get3A_562 = arith.constant 112 : index
        %get3A_563 = tpu.vector_load %arg6[%get3A_560, %get3A_561, %get3A_562] {strides = array<i32>} : memref<3x192x128xf32, #tpu.memory_space<vmem>>, vector<1x1x16xf32>,
        %get3A_564 = vector.shape_cast %get3A_563 : vector<1x1x16xf32> to vector<16xf32>
        %add3A_565 = arith.addf %add3A_501, %get3A_564 : vector<16xf32>
        %add3A_566 = arith.constant 5 : i32
        %add3A_567 = arith.addi %sub3A_245, %add3A_566 : i32
        %get3A_568 = arith.index_cast %select_n3A_122 : i32 to index
        %get3A_569 = arith.index_cast %add3A_567 : i32 to index
        %get3A_570 = arith.constant 0 : index
        %get3A_571 = tpu.vector_load %arg6[%get3A_568, %get3A_569, %get3A_570] {strides = array<i32>} : memref<3x192x128xf32, #tpu.memory_space<vmem>>, vector<1x1x16xf32>,
        %get3A_572 = vector.shape_cast %get3A_571 : vector<1x1x16xf32> to vector<16xf32>
        %add3A_573 = arith.addf %add3A_509, %get3A_572 : vector<16xf32>
        %add3A_574 = arith.constant 5 : i32
        %add3A_575 = arith.addi %sub3A_245, %add3A_574 : i32
        %get3A_576 = arith.index_cast %select_n3A_122 : i32 to index
        %get3A_577 = arith.index_cast %add3A_575 : i32 to index
        %get3A_578 = arith.constant 16 : index
        %get3A_579 = tpu.vector_load %arg6[%get3A_576, %get3A_577, %get3A_578] {strides = array<i32>} : memref<3x192x128xf32, #tpu.memory_space<vmem>>, vector<1x1x16xf32>,
        %get3A_580 = vector.shape_cast %get3A_579 : vector<1x1x16xf32> to vector<16xf32>
        %add3A_581 = arith.addf %add3A_517, %get3A_580 : vector<16xf32>
        %add3A_582 = arith.constant 5 : i32
        %add3A_583 = arith.addi %sub3A_245, %add3A_582 : i32
        %get3A_584 = arith.index_cast %select_n3A_122 : i32 to index
        %get3A_585 = arith.index_cast %add3A_583 : i32 to index
        %get3A_586 = arith.constant 32 : index
        %get3A_587 = tpu.vector_load %arg6[%get3A_584, %get3A_585, %get3A_586] {strides = array<i32>} : memref<3x192x128xf32, #tpu.memory_space<vmem>>, vector<1x1x16xf32>,
        %get3A_588 = vector.shape_cast %get3A_587 : vector<1x1x16xf32> to vector<16xf32>
        %add3A_589 = arith.addf %add3A_525, %get3A_588 : vector<16xf32>
        %add3A_590 = arith.constant 5 : i32
        %add3A_591 = arith.addi %sub3A_245, %add3A_590 : i32
        %get3A_592 = arith.index_cast %select_n3A_122 : i32 to index
        %get3A_593 = arith.index_cast %add3A_591 : i32 to index
        %get3A_594 = arith.constant 48 : index
        %get3A_595 = tpu.vector_load %arg6[%get3A_592, %get3A_593, %get3A_594] {strides = array<i32>} : memref<3x192x128xf32, #tpu.memory_space<vmem>>, vector<1x1x16xf32>,
        %get3A_596 = vector.shape_cast %get3A_595 : vector<1x1x16xf32> to vector<16xf32>
        %add3A_597 = arith.addf %add3A_533, %get3A_596 : vector<16xf32>
        %add3A_598 = arith.constant 5 : i32
        %add3A_599 = arith.addi %sub3A_245, %add3A_598 : i32
        %get3A_600 = arith.index_cast %select_n3A_122 : i32 to index
        %get3A_601 = arith.index_cast %add3A_599 : i32 to index
        %get3A_602 = arith.constant 64 : index
        %get3A_603 = tpu.vector_load %arg6[%get3A_600, %get3A_601, %get3A_602] {strides = array<i32>} : memref<3x192x128xf32, #tpu.memory_space<vmem>>, vector<1x1x16xf32>,
        %get3A_604 = vector.shape_cast %get3A_603 : vector<1x1x16xf32> to vector<16xf32>
        %add3A_605 = arith.addf %add3A_541, %get3A_604 : vector<16xf32>
        %add3A_606 = arith.constant 5 : i32
        %add3A_607 = arith.addi %sub3A_245, %add3A_606 : i32
        %get3A_608 = arith.index_cast %select_n3A_122 : i32 to index
        %get3A_609 = arith.index_cast %add3A_607 : i32 to index
        %get3A_610 = arith.constant 80 : index
        %get3A_611 = tpu.vector_load %arg6[%get3A_608, %get3A_609, %get3A_610] {strides = array<i32>} : memref<3x192x128xf32, #tpu.memory_space<vmem>>, vector<1x1x16xf32>,
        %get3A_612 = vector.shape_cast %get3A_611 : vector<1x1x16xf32> to vector<16xf32>
        %add3A_613 = arith.addf %add3A_549, %get3A_612 : vector<16xf32>
        %add3A_614 = arith.constant 5 : i32
        %add3A_615 = arith.addi %sub3A_245, %add3A_614 : i32
        %get3A_616 = arith.index_cast %select_n3A_122 : i32 to index
        %get3A_617 = arith.index_cast %add3A_615 : i32 to index
        %get3A_618 = arith.constant 96 : index
        %get3A_619 = tpu.vector_load %arg6[%get3A_616, %get3A_617, %get3A_618] {strides = array<i32>} : memref<3x192x128xf32, #tpu.memory_space<vmem>>, vector<1x1x16xf32>,
        %get3A_620 = vector.shape_cast %get3A_619 : vector<1x1x16xf32> to vector<16xf32>
        %add3A_621 = arith.addf %add3A_557, %get3A_620 : vector<16xf32>
        %add3A_622 = arith.constant 5 : i32
        %add3A_623 = arith.addi %sub3A_245, %add3A_622 : i32
        %get3A_624 = arith.index_cast %select_n3A_122 : i32 to index
        %get3A_625 = arith.index_cast %add3A_623 : i32 to index
        %get3A_626 = arith.constant 112 : index
        %get3A_627 = tpu.vector_load %arg6[%get3A_624, %get3A_625, %get3A_626] {strides = array<i32>} : memref<3x192x128xf32, #tpu.memory_space<vmem>>, vector<1x1x16xf32>,
        %get3A_628 = vector.shape_cast %get3A_627 : vector<1x1x16xf32> to vector<16xf32>
        %add3A_629 = arith.addf %add3A_565, %get3A_628 : vector<16xf32>
        %add3A_630 = arith.constant 6 : i32
        %add3A_631 = arith.addi %sub3A_245, %add3A_630 : i32
        %get3A_632 = arith.index_cast %select_n3A_122 : i32 to index
        %get3A_633 = arith.index_cast %add3A_631 : i32 to index
        %get3A_634 = arith.constant 0 : index
        %get3A_635 = tpu.vector_load %arg6[%get3A_632, %get3A_633, %get3A_634] {strides = array<i32>} : memref<3x192x128xf32, #tpu.memory_space<vmem>>, vector<1x1x16xf32>,
        %get3A_636 = vector.shape_cast %get3A_635 : vector<1x1x16xf32> to vector<16xf32>
        %add3A_637 = arith.addf %add3A_573, %get3A_636 : vector<16xf32>
        %add3A_638 = arith.constant 6 : i32
        %add3A_639 = arith.addi %sub3A_245, %add3A_638 : i32
        %get3A_640 = arith.index_cast %select_n3A_122 : i32 to index
        %get3A_641 = arith.index_cast %add3A_639 : i32 to index
        %get3A_642 = arith.constant 16 : index
        %get3A_643 = tpu.vector_load %arg6[%get3A_640, %get3A_641, %get3A_642] {strides = array<i32>} : memref<3x192x128xf32, #tpu.memory_space<vmem>>, vector<1x1x16xf32>,
        %get3A_644 = vector.shape_cast %get3A_643 : vector<1x1x16xf32> to vector<16xf32>
        %add3A_645 = arith.addf %add3A_581, %get3A_644 : vector<16xf32>
        %add3A_646 = arith.constant 6 : i32
        %add3A_647 = arith.addi %sub3A_245, %add3A_646 : i32
        %get3A_648 = arith.index_cast %select_n3A_122 : i32 to index
        %get3A_649 = arith.index_cast %add3A_647 : i32 to index
        %get3A_650 = arith.constant 32 : index
        %get3A_651 = tpu.vector_load %arg6[%get3A_648, %get3A_649, %get3A_650] {strides = array<i32>} : memref<3x192x128xf32, #tpu.memory_space<vmem>>, vector<1x1x16xf32>,
        %get3A_652 = vector.shape_cast %get3A_651 : vector<1x1x16xf32> to vector<16xf32>
        %add3A_653 = arith.addf %add3A_589, %get3A_652 : vector<16xf32>
        %add3A_654 = arith.constant 6 : i32
        %add3A_655 = arith.addi %sub3A_245, %add3A_654 : i32
        %get3A_656 = arith.index_cast %select_n3A_122 : i32 to index
        %get3A_657 = arith.index_cast %add3A_655 : i32 to index
        %get3A_658 = arith.constant 48 : index
        %get3A_659 = tpu.vector_load %arg6[%get3A_656, %get3A_657, %get3A_658] {strides = array<i32>} : memref<3x192x128xf32, #tpu.memory_space<vmem>>, vector<1x1x16xf32>,
        %get3A_660 = vector.shape_cast %get3A_659 : vector<1x1x16xf32> to vector<16xf32>
        %add3A_661 = arith.addf %add3A_597, %get3A_660 : vector<16xf32>
        %add3A_662 = arith.constant 6 : i32
        %add3A_663 = arith.addi %sub3A_245, %add3A_662 : i32
        %get3A_664 = arith.index_cast %select_n3A_122 : i32 to index
        %get3A_665 = arith.index_cast %add3A_663 : i32 to index
        %get3A_666 = arith.constant 64 : index
        %get3A_667 = tpu.vector_load %arg6[%get3A_664, %get3A_665, %get3A_666] {strides = array<i32>} : memref<3x192x128xf32, #tpu.memory_space<vmem>>, vector<1x1x16xf32>,
        %get3A_668 = vector.shape_cast %get3A_667 : vector<1x1x16xf32> to vector<16xf32>
        %add3A_669 = arith.addf %add3A_605, %get3A_668 : vector<16xf32>
        %add3A_670 = arith.constant 6 : i32
        %add3A_671 = arith.addi %sub3A_245, %add3A_670 : i32
        %get3A_672 = arith.index_cast %select_n3A_122 : i32 to index
        %get3A_673 = arith.index_cast %add3A_671 : i32 to index
        %get3A_674 = arith.constant 80 : index
        %get3A_675 = tpu.vector_load %arg6[%get3A_672, %get3A_673, %get3A_674] {strides = array<i32>} : memref<3x192x128xf32, #tpu.memory_space<vmem>>, vector<1x1x16xf32>,
        %get3A_676 = vector.shape_cast %get3A_675 : vector<1x1x16xf32> to vector<16xf32>
        %add3A_677 = arith.addf %add3A_613, %get3A_676 : vector<16xf32>
        %add3A_678 = arith.constant 6 : i32
        %add3A_679 = arith.addi %sub3A_245, %add3A_678 : i32
        %get3A_680 = arith.index_cast %select_n3A_122 : i32 to index
        %get3A_681 = arith.index_cast %add3A_679 : i32 to index
        %get3A_682 = arith.constant 96 : index
        %get3A_683 = tpu.vector_load %arg6[%get3A_680, %get3A_681, %get3A_682] {strides = array<i32>} : memref<3x192x128xf32, #tpu.memory_space<vmem>>, vector<1x1x16xf32>,
        %get3A_684 = vector.shape_cast %get3A_683 : vector<1x1x16xf32> to vector<16xf32>
        %add3A_685 = arith.addf %add3A_621, %get3A_684 : vector<16xf32>
        %add3A_686 = arith.constant 6 : i32
        %add3A_687 = arith.addi %sub3A_245, %add3A_686 : i32
        %get3A_688 = arith.index_cast %select_n3A_122 : i32 to index
        %get3A_689 = arith.index_cast %add3A_687 : i32 to index
        %get3A_690 = arith.constant 112 : index
        %get3A_691 = tpu.vector_load %arg6[%get3A_688, %get3A_689, %get3A_690] {strides = array<i32>} : memref<3x192x128xf32, #tpu.memory_space<vmem>>, vector<1x1x16xf32>,
        %get3A_692 = vector.shape_cast %get3A_691 : vector<1x1x16xf32> to vector<16xf32>
        %add3A_693 = arith.addf %add3A_629, %get3A_692 : vector<16xf32>
        %add3A_694 = arith.constant 7 : i32
        %add3A_695 = arith.addi %sub3A_245, %add3A_694 : i32
        %get3A_696 = arith.index_cast %select_n3A_122 : i32 to index
        %get3A_697 = arith.index_cast %add3A_695 : i32 to index
        %get3A_698 = arith.constant 0 : index
        %get3A_699 = tpu.vector_load %arg6[%get3A_696, %get3A_697, %get3A_698] {strides = array<i32>} : memref<3x192x128xf32, #tpu.memory_space<vmem>>, vector<1x1x16xf32>,
        %get3A_700 = vector.shape_cast %get3A_699 : vector<1x1x16xf32> to vector<16xf32>
        %add3A_701 = arith.addf %add3A_637, %get3A_700 : vector<16xf32>
        %add3A_702 = arith.constant 7 : i32
        %add3A_703 = arith.addi %sub3A_245, %add3A_702 : i32
        %get3A_704 = arith.index_cast %select_n3A_122 : i32 to index
        %get3A_705 = arith.index_cast %add3A_703 : i32 to index
        %get3A_706 = arith.constant 16 : index
        %get3A_707 = tpu.vector_load %arg6[%get3A_704, %get3A_705, %get3A_706] {strides = array<i32>} : memref<3x192x128xf32, #tpu.memory_space<vmem>>, vector<1x1x16xf32>,
        %get3A_708 = vector.shape_cast %get3A_707 : vector<1x1x16xf32> to vector<16xf32>
        %add3A_709 = arith.addf %add3A_645, %get3A_708 : vector<16xf32>
        %add3A_710 = arith.constant 7 : i32
        %add3A_711 = arith.addi %sub3A_245, %add3A_710 : i32
        %get3A_712 = arith.index_cast %select_n3A_122 : i32 to index
        %get3A_713 = arith.index_cast %add3A_711 : i32 to index
        %get3A_714 = arith.constant 32 : index
        %get3A_715 = tpu.vector_load %arg6[%get3A_712, %get3A_713, %get3A_714] {strides = array<i32>} : memref<3x192x128xf32, #tpu.memory_space<vmem>>, vector<1x1x16xf32>,
        %get3A_716 = vector.shape_cast %get3A_715 : vector<1x1x16xf32> to vector<16xf32>
        %add3A_717 = arith.addf %add3A_653, %get3A_716 : vector<16xf32>
        %add3A_718 = arith.constant 7 : i32
        %add3A_719 = arith.addi %sub3A_245, %add3A_718 : i32
        %get3A_720 = arith.index_cast %select_n3A_122 : i32 to index
        %get3A_721 = arith.index_cast %add3A_719 : i32 to index
        %get3A_722 = arith.constant 48 : index
        %get3A_723 = tpu.vector_load %arg6[%get3A_720, %get3A_721, %get3A_722] {strides = array<i32>} : memref<3x192x128xf32, #tpu.memory_space<vmem>>, vector<1x1x16xf32>,
        %get3A_724 = vector.shape_cast %get3A_723 : vector<1x1x16xf32> to vector<16xf32>
        %add3A_725 = arith.addf %add3A_661, %get3A_724 : vector<16xf32>
        %add3A_726 = arith.constant 7 : i32
        %add3A_727 = arith.addi %sub3A_245, %add3A_726 : i32
        %get3A_728 = arith.index_cast %select_n3A_122 : i32 to index
        %get3A_729 = arith.index_cast %add3A_727 : i32 to index
        %get3A_730 = arith.constant 64 : index
        %get3A_731 = tpu.vector_load %arg6[%get3A_728, %get3A_729, %get3A_730] {strides = array<i32>} : memref<3x192x128xf32, #tpu.memory_space<vmem>>, vector<1x1x16xf32>,
        %get3A_732 = vector.shape_cast %get3A_731 : vector<1x1x16xf32> to vector<16xf32>
        %add3A_733 = arith.addf %add3A_669, %get3A_732 : vector<16xf32>
        %add3A_734 = arith.constant 7 : i32
        %add3A_735 = arith.addi %sub3A_245, %add3A_734 : i32
        %get3A_736 = arith.index_cast %select_n3A_122 : i32 to index
        %get3A_737 = arith.index_cast %add3A_735 : i32 to index
        %get3A_738 = arith.constant 80 : index
        %get3A_739 = tpu.vector_load %arg6[%get3A_736, %get3A_737, %get3A_738] {strides = array<i32>} : memref<3x192x128xf32, #tpu.memory_space<vmem>>, vector<1x1x16xf32>,
        %get3A_740 = vector.shape_cast %get3A_739 : vector<1x1x16xf32> to vector<16xf32>
        %add3A_741 = arith.addf %add3A_677, %get3A_740 : vector<16xf32>
        %add3A_742 = arith.constant 7 : i32
        %add3A_743 = arith.addi %sub3A_245, %add3A_742 : i32
        %get3A_744 = arith.index_cast %select_n3A_122 : i32 to index
        %get3A_745 = arith.index_cast %add3A_743 : i32 to index
        %get3A_746 = arith.constant 96 : index
        %get3A_747 = tpu.vector_load %arg6[%get3A_744, %get3A_745, %get3A_746] {strides = array<i32>} : memref<3x192x128xf32, #tpu.memory_space<vmem>>, vector<1x1x16xf32>,
        %get3A_748 = vector.shape_cast %get3A_747 : vector<1x1x16xf32> to vector<16xf32>
        %add3A_749 = arith.addf %add3A_685, %get3A_748 : vector<16xf32>
        %add3A_750 = arith.constant 7 : i32
        %add3A_751 = arith.addi %sub3A_245, %add3A_750 : i32
        %get3A_752 = arith.index_cast %select_n3A_122 : i32 to index
        %get3A_753 = arith.index_cast %add3A_751 : i32 to index
        %get3A_754 = arith.constant 112 : index
        %get3A_755 = tpu.vector_load %arg6[%get3A_752, %get3A_753, %get3A_754] {strides = array<i32>} : memref<3x192x128xf32, #tpu.memory_space<vmem>>, vector<1x1x16xf32>,
        %get3A_756 = vector.shape_cast %get3A_755 : vector<1x1x16xf32> to vector<16xf32>
        %add3A_757 = arith.addf %add3A_693, %get3A_756 : vector<16xf32>
        scf.yield %add3A_701, %add3A_709, %add3A_717, %add3A_725, %add3A_733, %add3A_741, %add3A_749, %add3A_757 : vector<16xf32>, vector<16xf32>, vector<16xf32>, vector<16xf32>, vector<16xf32>, vector<16xf32>, vector<16xf32>, vector<16xf32>
      }
      %while3A_177 = arith.constant 1 : i32
      %while3A_178:8 = scf.for %while3A_233 = %while3A_174 to %while3A_170 step %while3A_177 iter_args(%while3A_234 = %while3A_176#0, %while3A_235 = %while3A_176#1, %while3A_236 = %while3A_176#2, %while3A_237 = %while3A_176#3, %while3A_238 = %while3A_176#4, %while3A_239 = %while3A_176#5, %while3A_240 = %while3A_176#6, %while3A_241 = %while3A_176#7) -> (vector<16xf32>, vector<16xf32>, vector<16xf32>, vector<16xf32>, vector<16xf32>, vector<16xf32>, vector<16xf32>, vector<16xf32>)  : i32 {
        %mul3A_242 = arith.constant 8 : i32
        %mul3A_243 = arith.muli %mul3A_242, %while3A_233 : i32
        %add3A_244 = arith.addi %while3A_94, %mul3A_243 : i32
        %sub3A_245 = arith.subi %add3A_244, %multiple_of3A_126 : i32
        %add3A_246 = arith.constant 0 : i32
        %add3A_247 = arith.addi %sub3A_245, %add3A_246 : i32
        %get3A_248 = arith.index_cast %select_n3A_122 : i32 to index
        %get3A_249 = arith.index_cast %add3A_247 : i32 to index
        %get3A_250 = arith.constant 0 : index
        %get3A_251 = tpu.vector_load %arg6[%get3A_248, %get3A_249, %get3A_250] {strides = array<i32>} : memref<3x192x128xf32, #tpu.memory_space<vmem>>, vector<1x1x16xf32>,
        %get3A_252 = vector.shape_cast %get3A_251 : vector<1x1x16xf32> to vector<16xf32>
        %add3A_253 = arith.addf %while3A_234, %get3A_252 : vector<16xf32>
        %add3A_254 = arith.constant 0 : i32
        %add3A_255 = arith.addi %sub3A_245, %add3A_254 : i32
        %get3A_256 = arith.index_cast %select_n3A_122 : i32 to index
        %get3A_257 = arith.index_cast %add3A_255 : i32 to index
        %get3A_258 = arith.constant 16 : index
        %get3A_259 = tpu.vector_load %arg6[%get3A_256, %get3A_257, %get3A_258] {strides = array<i32>} : memref<3x192x128xf32, #tpu.memory_space<vmem>>, vector<1x1x16xf32>,
        %get3A_260 = vector.shape_cast %get3A_259 : vector<1x1x16xf32> to vector<16xf32>
        %add3A_261 = arith.addf %while3A_235, %get3A_260 : vector<16xf32>
        %add3A_262 = arith.constant 0 : i32
        %add3A_263 = arith.addi %sub3A_245, %add3A_262 : i32
        %get3A_264 = arith.index_cast %select_n3A_122 : i32 to index
        %get3A_265 = arith.index_cast %add3A_263 : i32 to index
        %get3A_266 = arith.constant 32 : index
        %get3A_267 = tpu.vector_load %arg6[%get3A_264, %get3A_265, %get3A_266] {strides = array<i32>} : memref<3x192x128xf32, #tpu.memory_space<vmem>>, vector<1x1x16xf32>,
        %get3A_268 = vector.shape_cast %get3A_267 : vector<1x1x16xf32> to vector<16xf32>
        %add3A_269 = arith.addf %while3A_236, %get3A_268 : vector<16xf32>
        %add3A_270 = arith.constant 0 : i32
        %add3A_271 = arith.addi %sub3A_245, %add3A_270 : i32
        %get3A_272 = arith.index_cast %select_n3A_122 : i32 to index
        %get3A_273 = arith.index_cast %add3A_271 : i32 to index
        %get3A_274 = arith.constant 48 : index
        %get3A_275 = tpu.vector_load %arg6[%get3A_272, %get3A_273, %get3A_274] {strides = array<i32>} : memref<3x192x128xf32, #tpu.memory_space<vmem>>, vector<1x1x16xf32>,
        %get3A_276 = vector.shape_cast %get3A_275 : vector<1x1x16xf32> to vector<16xf32>
        %add3A_277 = arith.addf %while3A_237, %get3A_276 : vector<16xf32>
        %add3A_278 = arith.constant 0 : i32
        %add3A_279 = arith.addi %sub3A_245, %add3A_278 : i32
        %get3A_280 = arith.index_cast %select_n3A_122 : i32 to index
        %get3A_281 = arith.index_cast %add3A_279 : i32 to index
        %get3A_282 = arith.constant 64 : index
        %get3A_283 = tpu.vector_load %arg6[%get3A_280, %get3A_281, %get3A_282] {strides = array<i32>} : memref<3x192x128xf32, #tpu.memory_space<vmem>>, vector<1x1x16xf32>,
        %get3A_284 = vector.shape_cast %get3A_283 : vector<1x1x16xf32> to vector<16xf32>
        %add3A_285 = arith.addf %while3A_238, %get3A_284 : vector<16xf32>
        %add3A_286 = arith.constant 0 : i32
        %add3A_287 = arith.addi %sub3A_245, %add3A_286 : i32
        %get3A_288 = arith.index_cast %select_n3A_122 : i32 to index
        %get3A_289 = arith.index_cast %add3A_287 : i32 to index
        %get3A_290 = arith.constant 80 : index
        %get3A_291 = tpu.vector_load %arg6[%get3A_288, %get3A_289, %get3A_290] {strides = array<i32>} : memref<3x192x128xf32, #tpu.memory_space<vmem>>, vector<1x1x16xf32>,
        %get3A_292 = vector.shape_cast %get3A_291 : vector<1x1x16xf32> to vector<16xf32>
        %add3A_293 = arith.addf %while3A_239, %get3A_292 : vector<16xf32>
        %add3A_294 = arith.constant 0 : i32
        %add3A_295 = arith.addi %sub3A_245, %add3A_294 : i32
        %get3A_296 = arith.index_cast %select_n3A_122 : i32 to index
        %get3A_297 = arith.index_cast %add3A_295 : i32 to index
        %get3A_298 = arith.constant 96 : index
        %get3A_299 = tpu.vector_load %arg6[%get3A_296, %get3A_297, %get3A_298] {strides = array<i32>} : memref<3x192x128xf32, #tpu.memory_space<vmem>>, vector<1x1x16xf32>,
        %get3A_300 = vector.shape_cast %get3A_299 : vector<1x1x16xf32> to vector<16xf32>
        %add3A_301 = arith.addf %while3A_240, %get3A_300 : vector<16xf32>
        %add3A_302 = arith.constant 0 : i32
        %add3A_303 = arith.addi %sub3A_245, %add3A_302 : i32
        %get3A_304 = arith.index_cast %select_n3A_122 : i32 to index
        %get3A_305 = arith.index_cast %add3A_303 : i32 to index
        %get3A_306 = arith.constant 112 : index
        %get3A_307 = tpu.vector_load %arg6[%get3A_304, %get3A_305, %get3A_306] {strides = array<i32>} : memref<3x192x128xf32, #tpu.memory_space<vmem>>, vector<1x1x16xf32>,
        %get3A_308 = vector.shape_cast %get3A_307 : vector<1x1x16xf32> to vector<16xf32>
        %add3A_309 = arith.addf %while3A_241, %get3A_308 : vector<16xf32>
        %add3A_310 = arith.constant 1 : i32
        %add3A_311 = arith.addi %sub3A_245, %add3A_310 : i32
        %get3A_312 = arith.index_cast %select_n3A_122 : i32 to index
        %get3A_313 = arith.index_cast %add3A_311 : i32 to index
        %get3A_314 = arith.constant 0 : index
        %get3A_315 = tpu.vector_load %arg6[%get3A_312, %get3A_313, %get3A_314] {strides = array<i32>} : memref<3x192x128xf32, #tpu.memory_space<vmem>>, vector<1x1x16xf32>,
        %get3A_316 = vector.shape_cast %get3A_315 : vector<1x1x16xf32> to vector<16xf32>
        %add3A_317 = arith.addf %add3A_253, %get3A_316 : vector<16xf32>
        %add3A_318 = arith.constant 1 : i32
        %add3A_319 = arith.addi %sub3A_245, %add3A_318 : i32
        %get3A_320 = arith.index_cast %select_n3A_122 : i32 to index
        %get3A_321 = arith.index_cast %add3A_319 : i32 to index
        %get3A_322 = arith.constant 16 : index
        %get3A_323 = tpu.vector_load %arg6[%get3A_320, %get3A_321, %get3A_322] {strides = array<i32>} : memref<3x192x128xf32, #tpu.memory_space<vmem>>, vector<1x1x16xf32>,
        %get3A_324 = vector.shape_cast %get3A_323 : vector<1x1x16xf32> to vector<16xf32>
        %add3A_325 = arith.addf %add3A_261, %get3A_324 : vector<16xf32>
        %add3A_326 = arith.constant 1 : i32
        %add3A_327 = arith.addi %sub3A_245, %add3A_326 : i32
        %get3A_328 = arith.index_cast %select_n3A_122 : i32 to index
        %get3A_329 = arith.index_cast %add3A_327 : i32 to index
        %get3A_330 = arith.constant 32 : index
        %get3A_331 = tpu.vector_load %arg6[%get3A_328, %get3A_329, %get3A_330] {strides = array<i32>} : memref<3x192x128xf32, #tpu.memory_space<vmem>>, vector<1x1x16xf32>,
        %get3A_332 = vector.shape_cast %get3A_331 : vector<1x1x16xf32> to vector<16xf32>
        %add3A_333 = arith.addf %add3A_269, %get3A_332 : vector<16xf32>
        %add3A_334 = arith.constant 1 : i32
        %add3A_335 = arith.addi %sub3A_245, %add3A_334 : i32
        %get3A_336 = arith.index_cast %select_n3A_122 : i32 to index
        %get3A_337 = arith.index_cast %add3A_335 : i32 to index
        %get3A_338 = arith.constant 48 : index
        %get3A_339 = tpu.vector_load %arg6[%get3A_336, %get3A_337, %get3A_338] {strides = array<i32>} : memref<3x192x128xf32, #tpu.memory_space<vmem>>, vector<1x1x16xf32>,
        %get3A_340 = vector.shape_cast %get3A_339 : vector<1x1x16xf32> to vector<16xf32>
        %add3A_341 = arith.addf %add3A_277, %get3A_340 : vector<16xf32>
        %add3A_342 = arith.constant 1 : i32
        %add3A_343 = arith.addi %sub3A_245, %add3A_342 : i32
        %get3A_344 = arith.index_cast %select_n3A_122 : i32 to index
        %get3A_345 = arith.index_cast %add3A_343 : i32 to index
        %get3A_346 = arith.constant 64 : index
        %get3A_347 = tpu.vector_load %arg6[%get3A_344, %get3A_345, %get3A_346] {strides = array<i32>} : memref<3x192x128xf32, #tpu.memory_space<vmem>>, vector<1x1x16xf32>,
        %get3A_348 = vector.shape_cast %get3A_347 : vector<1x1x16xf32> to vector<16xf32>
        %add3A_349 = arith.addf %add3A_285, %get3A_348 : vector<16xf32>
        %add3A_350 = arith.constant 1 : i32
        %add3A_351 = arith.addi %sub3A_245, %add3A_350 : i32
        %get3A_352 = arith.index_cast %select_n3A_122 : i32 to index
        %get3A_353 = arith.index_cast %add3A_351 : i32 to index
        %get3A_354 = arith.constant 80 : index
        %get3A_355 = tpu.vector_load %arg6[%get3A_352, %get3A_353, %get3A_354] {strides = array<i32>} : memref<3x192x128xf32, #tpu.memory_space<vmem>>, vector<1x1x16xf32>,
        %get3A_356 = vector.shape_cast %get3A_355 : vector<1x1x16xf32> to vector<16xf32>
        %add3A_357 = arith.addf %add3A_293, %get3A_356 : vector<16xf32>
        %add3A_358 = arith.constant 1 : i32
        %add3A_359 = arith.addi %sub3A_245, %add3A_358 : i32
        %get3A_360 = arith.index_cast %select_n3A_122 : i32 to index
        %get3A_361 = arith.index_cast %add3A_359 : i32 to index
        %get3A_362 = arith.constant 96 : index
        %get3A_363 = tpu.vector_load %arg6[%get3A_360, %get3A_361, %get3A_362] {strides = array<i32>} : memref<3x192x128xf32, #tpu.memory_space<vmem>>, vector<1x1x16xf32>,
        %get3A_364 = vector.shape_cast %get3A_363 : vector<1x1x16xf32> to vector<16xf32>
        %add3A_365 = arith.addf %add3A_301, %get3A_364 : vector<16xf32>
        %add3A_366 = arith.constant 1 : i32
        %add3A_367 = arith.addi %sub3A_245, %add3A_366 : i32
        %get3A_368 = arith.index_cast %select_n3A_122 : i32 to index
        %get3A_369 = arith.index_cast %add3A_367 : i32 to index
        %get3A_370 = arith.constant 112 : index
        %get3A_371 = tpu.vector_load %arg6[%get3A_368, %get3A_369, %get3A_370] {strides = array<i32>} : memref<3x192x128xf32, #tpu.memory_space<vmem>>, vector<1x1x16xf32>,
        %get3A_372 = vector.shape_cast %get3A_371 : vector<1x1x16xf32> to vector<16xf32>
        %add3A_373 = arith.addf %add3A_309, %get3A_372 : vector<16xf32>
        %add3A_374 = arith.constant 2 : i32
        %add3A_375 = arith.addi %sub3A_245, %add3A_374 : i32
        %get3A_376 = arith.index_cast %select_n3A_122 : i32 to index
        %get3A_377 = arith.index_cast %add3A_375 : i32 to index
        %get3A_378 = arith.constant 0 : index
        %get3A_379 = tpu.vector_load %arg6[%get3A_376, %get3A_377, %get3A_378] {strides = array<i32>} : memref<3x192x128xf32, #tpu.memory_space<vmem>>, vector<1x1x16xf32>,
        %get3A_380 = vector.shape_cast %get3A_379 : vector<1x1x16xf32> to vector<16xf32>
        %add3A_381 = arith.addf %add3A_317, %get3A_380 : vector<16xf32>
        %add3A_382 = arith.constant 2 : i32
        %add3A_383 = arith.addi %sub3A_245, %add3A_382 : i32
        %get3A_384 = arith.index_cast %select_n3A_122 : i32 to index
        %get3A_385 = arith.index_cast %add3A_383 : i32 to index
        %get3A_386 = arith.constant 16 : index
        %get3A_387 = tpu.vector_load %arg6[%get3A_384, %get3A_385, %get3A_386] {strides = array<i32>} : memref<3x192x128xf32, #tpu.memory_space<vmem>>, vector<1x1x16xf32>,
        %get3A_388 = vector.shape_cast %get3A_387 : vector<1x1x16xf32> to vector<16xf32>
        %add3A_389 = arith.addf %add3A_325, %get3A_388 : vector<16xf32>
        %add3A_390 = arith.constant 2 : i32
        %add3A_391 = arith.addi %sub3A_245, %add3A_390 : i32
        %get3A_392 = arith.index_cast %select_n3A_122 : i32 to index
        %get3A_393 = arith.index_cast %add3A_391 : i32 to index
        %get3A_394 = arith.constant 32 : index
        %get3A_395 = tpu.vector_load %arg6[%get3A_392, %get3A_393, %get3A_394] {strides = array<i32>} : memref<3x192x128xf32, #tpu.memory_space<vmem>>, vector<1x1x16xf32>,
        %get3A_396 = vector.shape_cast %get3A_395 : vector<1x1x16xf32> to vector<16xf32>
        %add3A_397 = arith.addf %add3A_333, %get3A_396 : vector<16xf32>
        %add3A_398 = arith.constant 2 : i32
        %add3A_399 = arith.addi %sub3A_245, %add3A_398 : i32
        %get3A_400 = arith.index_cast %select_n3A_122 : i32 to index
        %get3A_401 = arith.index_cast %add3A_399 : i32 to index
        %get3A_402 = arith.constant 48 : index
        %get3A_403 = tpu.vector_load %arg6[%get3A_400, %get3A_401, %get3A_402] {strides = array<i32>} : memref<3x192x128xf32, #tpu.memory_space<vmem>>, vector<1x1x16xf32>,
        %get3A_404 = vector.shape_cast %get3A_403 : vector<1x1x16xf32> to vector<16xf32>
        %add3A_405 = arith.addf %add3A_341, %get3A_404 : vector<16xf32>
        %add3A_406 = arith.constant 2 : i32
        %add3A_407 = arith.addi %sub3A_245, %add3A_406 : i32
        %get3A_408 = arith.index_cast %select_n3A_122 : i32 to index
        %get3A_409 = arith.index_cast %add3A_407 : i32 to index
        %get3A_410 = arith.constant 64 : index
        %get3A_411 = tpu.vector_load %arg6[%get3A_408, %get3A_409, %get3A_410] {strides = array<i32>} : memref<3x192x128xf32, #tpu.memory_space<vmem>>, vector<1x1x16xf32>,
        %get3A_412 = vector.shape_cast %get3A_411 : vector<1x1x16xf32> to vector<16xf32>
        %add3A_413 = arith.addf %add3A_349, %get3A_412 : vector<16xf32>
        %add3A_414 = arith.constant 2 : i32
        %add3A_415 = arith.addi %sub3A_245, %add3A_414 : i32
        %get3A_416 = arith.index_cast %select_n3A_122 : i32 to index
        %get3A_417 = arith.index_cast %add3A_415 : i32 to index
        %get3A_418 = arith.constant 80 : index
        %get3A_419 = tpu.vector_load %arg6[%get3A_416, %get3A_417, %get3A_418] {strides = array<i32>} : memref<3x192x128xf32, #tpu.memory_space<vmem>>, vector<1x1x16xf32>,
        %get3A_420 = vector.shape_cast %get3A_419 : vector<1x1x16xf32> to vector<16xf32>
        %add3A_421 = arith.addf %add3A_357, %get3A_420 : vector<16xf32>
        %add3A_422 = arith.constant 2 : i32
        %add3A_423 = arith.addi %sub3A_245, %add3A_422 : i32
        %get3A_424 = arith.index_cast %select_n3A_122 : i32 to index
        %get3A_425 = arith.index_cast %add3A_423 : i32 to index
        %get3A_426 = arith.constant 96 : index
        %get3A_427 = tpu.vector_load %arg6[%get3A_424, %get3A_425, %get3A_426] {strides = array<i32>} : memref<3x192x128xf32, #tpu.memory_space<vmem>>, vector<1x1x16xf32>,
        %get3A_428 = vector.shape_cast %get3A_427 : vector<1x1x16xf32> to vector<16xf32>
        %add3A_429 = arith.addf %add3A_365, %get3A_428 : vector<16xf32>
        %add3A_430 = arith.constant 2 : i32
        %add3A_431 = arith.addi %sub3A_245, %add3A_430 : i32
        %get3A_432 = arith.index_cast %select_n3A_122 : i32 to index
        %get3A_433 = arith.index_cast %add3A_431 : i32 to index
        %get3A_434 = arith.constant 112 : index
        %get3A_435 = tpu.vector_load %arg6[%get3A_432, %get3A_433, %get3A_434] {strides = array<i32>} : memref<3x192x128xf32, #tpu.memory_space<vmem>>, vector<1x1x16xf32>,
        %get3A_436 = vector.shape_cast %get3A_435 : vector<1x1x16xf32> to vector<16xf32>
        %add3A_437 = arith.addf %add3A_373, %get3A_436 : vector<16xf32>
        %add3A_438 = arith.constant 3 : i32
        %add3A_439 = arith.addi %sub3A_245, %add3A_438 : i32
        %get3A_440 = arith.index_cast %select_n3A_122 : i32 to index
        %get3A_441 = arith.index_cast %add3A_439 : i32 to index
        %get3A_442 = arith.constant 0 : index
        %get3A_443 = tpu.vector_load %arg6[%get3A_440, %get3A_441, %get3A_442] {strides = array<i32>} : memref<3x192x128xf32, #tpu.memory_space<vmem>>, vector<1x1x16xf32>,
        %get3A_444 = vector.shape_cast %get3A_443 : vector<1x1x16xf32> to vector<16xf32>
        %add3A_445 = arith.addf %add3A_381, %get3A_444 : vector<16xf32>
        %add3A_446 = arith.constant 3 : i32
        %add3A_447 = arith.addi %sub3A_245, %add3A_446 : i32
        %get3A_448 = arith.index_cast %select_n3A_122 : i32 to index
        %get3A_449 = arith.index_cast %add3A_447 : i32 to index
        %get3A_450 = arith.constant 16 : index
        %get3A_451 = tpu.vector_load %arg6[%get3A_448, %get3A_449, %get3A_450] {strides = array<i32>} : memref<3x192x128xf32, #tpu.memory_space<vmem>>, vector<1x1x16xf32>,
        %get3A_452 = vector.shape_cast %get3A_451 : vector<1x1x16xf32> to vector<16xf32>
        %add3A_453 = arith.addf %add3A_389, %get3A_452 : vector<16xf32>
        %add3A_454 = arith.constant 3 : i32
        %add3A_455 = arith.addi %sub3A_245, %add3A_454 : i32
        %get3A_456 = arith.index_cast %select_n3A_122 : i32 to index
        %get3A_457 = arith.index_cast %add3A_455 : i32 to index
        %get3A_458 = arith.constant 32 : index
        %get3A_459 = tpu.vector_load %arg6[%get3A_456, %get3A_457, %get3A_458] {strides = array<i32>} : memref<3x192x128xf32, #tpu.memory_space<vmem>>, vector<1x1x16xf32>,
        %get3A_460 = vector.shape_cast %get3A_459 : vector<1x1x16xf32> to vector<16xf32>
        %add3A_461 = arith.addf %add3A_397, %get3A_460 : vector<16xf32>
        %add3A_462 = arith.constant 3 : i32
        %add3A_463 = arith.addi %sub3A_245, %add3A_462 : i32
        %get3A_464 = arith.index_cast %select_n3A_122 : i32 to index
        %get3A_465 = arith.index_cast %add3A_463 : i32 to index
        %get3A_466 = arith.constant 48 : index
        %get3A_467 = tpu.vector_load %arg6[%get3A_464, %get3A_465, %get3A_466] {strides = array<i32>} : memref<3x192x128xf32, #tpu.memory_space<vmem>>, vector<1x1x16xf32>,
        %get3A_468 = vector.shape_cast %get3A_467 : vector<1x1x16xf32> to vector<16xf32>
        %add3A_469 = arith.addf %add3A_405, %get3A_468 : vector<16xf32>
        %add3A_470 = arith.constant 3 : i32
        %add3A_471 = arith.addi %sub3A_245, %add3A_470 : i32
        %get3A_472 = arith.index_cast %select_n3A_122 : i32 to index
        %get3A_473 = arith.index_cast %add3A_471 : i32 to index
        %get3A_474 = arith.constant 64 : index
        %get3A_475 = tpu.vector_load %arg6[%get3A_472, %get3A_473, %get3A_474] {strides = array<i32>} : memref<3x192x128xf32, #tpu.memory_space<vmem>>, vector<1x1x16xf32>,
        %get3A_476 = vector.shape_cast %get3A_475 : vector<1x1x16xf32> to vector<16xf32>
        %add3A_477 = arith.addf %add3A_413, %get3A_476 : vector<16xf32>
        %add3A_478 = arith.constant 3 : i32
        %add3A_479 = arith.addi %sub3A_245, %add3A_478 : i32
        %get3A_480 = arith.index_cast %select_n3A_122 : i32 to index
        %get3A_481 = arith.index_cast %add3A_479 : i32 to index
        %get3A_482 = arith.constant 80 : index
        %get3A_483 = tpu.vector_load %arg6[%get3A_480, %get3A_481, %get3A_482] {strides = array<i32>} : memref<3x192x128xf32, #tpu.memory_space<vmem>>, vector<1x1x16xf32>,
        %get3A_484 = vector.shape_cast %get3A_483 : vector<1x1x16xf32> to vector<16xf32>
        %add3A_485 = arith.addf %add3A_421, %get3A_484 : vector<16xf32>
        %add3A_486 = arith.constant 3 : i32
        %add3A_487 = arith.addi %sub3A_245, %add3A_486 : i32
        %get3A_488 = arith.index_cast %select_n3A_122 : i32 to index
        %get3A_489 = arith.index_cast %add3A_487 : i32 to index
        %get3A_490 = arith.constant 96 : index
        %get3A_491 = tpu.vector_load %arg6[%get3A_488, %get3A_489, %get3A_490] {strides = array<i32>} : memref<3x192x128xf32, #tpu.memory_space<vmem>>, vector<1x1x16xf32>,
        %get3A_492 = vector.shape_cast %get3A_491 : vector<1x1x16xf32> to vector<16xf32>
        %add3A_493 = arith.addf %add3A_429, %get3A_492 : vector<16xf32>
        %add3A_494 = arith.constant 3 : i32
        %add3A_495 = arith.addi %sub3A_245, %add3A_494 : i32
        %get3A_496 = arith.index_cast %select_n3A_122 : i32 to index
        %get3A_497 = arith.index_cast %add3A_495 : i32 to index
        %get3A_498 = arith.constant 112 : index
        %get3A_499 = tpu.vector_load %arg6[%get3A_496, %get3A_497, %get3A_498] {strides = array<i32>} : memref<3x192x128xf32, #tpu.memory_space<vmem>>, vector<1x1x16xf32>,
        %get3A_500 = vector.shape_cast %get3A_499 : vector<1x1x16xf32> to vector<16xf32>
        %add3A_501 = arith.addf %add3A_437, %get3A_500 : vector<16xf32>
        %add3A_502 = arith.constant 4 : i32
        %add3A_503 = arith.addi %sub3A_245, %add3A_502 : i32
        %get3A_504 = arith.index_cast %select_n3A_122 : i32 to index
        %get3A_505 = arith.index_cast %add3A_503 : i32 to index
        %get3A_506 = arith.constant 0 : index
        %get3A_507 = tpu.vector_load %arg6[%get3A_504, %get3A_505, %get3A_506] {strides = array<i32>} : memref<3x192x128xf32, #tpu.memory_space<vmem>>, vector<1x1x16xf32>,
        %get3A_508 = vector.shape_cast %get3A_507 : vector<1x1x16xf32> to vector<16xf32>
        %add3A_509 = arith.addf %add3A_445, %get3A_508 : vector<16xf32>
        %add3A_510 = arith.constant 4 : i32
        %add3A_511 = arith.addi %sub3A_245, %add3A_510 : i32
        %get3A_512 = arith.index_cast %select_n3A_122 : i32 to index
        %get3A_513 = arith.index_cast %add3A_511 : i32 to index
        %get3A_514 = arith.constant 16 : index
        %get3A_515 = tpu.vector_load %arg6[%get3A_512, %get3A_513, %get3A_514] {strides = array<i32>} : memref<3x192x128xf32, #tpu.memory_space<vmem>>, vector<1x1x16xf32>,
        %get3A_516 = vector.shape_cast %get3A_515 : vector<1x1x16xf32> to vector<16xf32>
        %add3A_517 = arith.addf %add3A_453, %get3A_516 : vector<16xf32>
        %add3A_518 = arith.constant 4 : i32
        %add3A_519 = arith.addi %sub3A_245, %add3A_518 : i32
        %get3A_520 = arith.index_cast %select_n3A_122 : i32 to index
        %get3A_521 = arith.index_cast %add3A_519 : i32 to index
        %get3A_522 = arith.constant 32 : index
        %get3A_523 = tpu.vector_load %arg6[%get3A_520, %get3A_521, %get3A_522] {strides = array<i32>} : memref<3x192x128xf32, #tpu.memory_space<vmem>>, vector<1x1x16xf32>,
        %get3A_524 = vector.shape_cast %get3A_523 : vector<1x1x16xf32> to vector<16xf32>
        %add3A_525 = arith.addf %add3A_461, %get3A_524 : vector<16xf32>
        %add3A_526 = arith.constant 4 : i32
        %add3A_527 = arith.addi %sub3A_245, %add3A_526 : i32
        %get3A_528 = arith.index_cast %select_n3A_122 : i32 to index
        %get3A_529 = arith.index_cast %add3A_527 : i32 to index
        %get3A_530 = arith.constant 48 : index
        %get3A_531 = tpu.vector_load %arg6[%get3A_528, %get3A_529, %get3A_530] {strides = array<i32>} : memref<3x192x128xf32, #tpu.memory_space<vmem>>, vector<1x1x16xf32>,
        %get3A_532 = vector.shape_cast %get3A_531 : vector<1x1x16xf32> to vector<16xf32>
        %add3A_533 = arith.addf %add3A_469, %get3A_532 : vector<16xf32>
        %add3A_534 = arith.constant 4 : i32
        %add3A_535 = arith.addi %sub3A_245, %add3A_534 : i32
        %get3A_536 = arith.index_cast %select_n3A_122 : i32 to index
        %get3A_537 = arith.index_cast %add3A_535 : i32 to index
        %get3A_538 = arith.constant 64 : index
        %get3A_539 = tpu.vector_load %arg6[%get3A_536, %get3A_537, %get3A_538] {strides = array<i32>} : memref<3x192x128xf32, #tpu.memory_space<vmem>>, vector<1x1x16xf32>,
        %get3A_540 = vector.shape_cast %get3A_539 : vector<1x1x16xf32> to vector<16xf32>
        %add3A_541 = arith.addf %add3A_477, %get3A_540 : vector<16xf32>
        %add3A_542 = arith.constant 4 : i32
        %add3A_543 = arith.addi %sub3A_245, %add3A_542 : i32
        %get3A_544 = arith.index_cast %select_n3A_122 : i32 to index
        %get3A_545 = arith.index_cast %add3A_543 : i32 to index
        %get3A_546 = arith.constant 80 : index
        %get3A_547 = tpu.vector_load %arg6[%get3A_544, %get3A_545, %get3A_546] {strides = array<i32>} : memref<3x192x128xf32, #tpu.memory_space<vmem>>, vector<1x1x16xf32>,
        %get3A_548 = vector.shape_cast %get3A_547 : vector<1x1x16xf32> to vector<16xf32>
        %add3A_549 = arith.addf %add3A_485, %get3A_548 : vector<16xf32>
        %add3A_550 = arith.constant 4 : i32
        %add3A_551 = arith.addi %sub3A_245, %add3A_550 : i32
        %get3A_552 = arith.index_cast %select_n3A_122 : i32 to index
        %get3A_553 = arith.index_cast %add3A_551 : i32 to index
        %get3A_554 = arith.constant 96 : index
        %get3A_555 = tpu.vector_load %arg6[%get3A_552, %get3A_553, %get3A_554] {strides = array<i32>} : memref<3x192x128xf32, #tpu.memory_space<vmem>>, vector<1x1x16xf32>,
        %get3A_556 = vector.shape_cast %get3A_555 : vector<1x1x16xf32> to vector<16xf32>
        %add3A_557 = arith.addf %add3A_493, %get3A_556 : vector<16xf32>
        %add3A_558 = arith.constant 4 : i32
        %add3A_559 = arith.addi %sub3A_245, %add3A_558 : i32
        %get3A_560 = arith.index_cast %select_n3A_122 : i32 to index
        %get3A_561 = arith.index_cast %add3A_559 : i32 to index
        %get3A_562 = arith.constant 112 : index
        %get3A_563 = tpu.vector_load %arg6[%get3A_560, %get3A_561, %get3A_562] {strides = array<i32>} : memref<3x192x128xf32, #tpu.memory_space<vmem>>, vector<1x1x16xf32>,
        %get3A_564 = vector.shape_cast %get3A_563 : vector<1x1x16xf32> to vector<16xf32>
        %add3A_565 = arith.addf %add3A_501, %get3A_564 : vector<16xf32>
        %add3A_566 = arith.constant 5 : i32
        %add3A_567 = arith.addi %sub3A_245, %add3A_566 : i32
        %get3A_568 = arith.index_cast %select_n3A_122 : i32 to index
        %get3A_569 = arith.index_cast %add3A_567 : i32 to index
        %get3A_570 = arith.constant 0 : index
        %get3A_571 = tpu.vector_load %arg6[%get3A_568, %get3A_569, %get3A_570] {strides = array<i32>} : memref<3x192x128xf32, #tpu.memory_space<vmem>>, vector<1x1x16xf32>,
        %get3A_572 = vector.shape_cast %get3A_571 : vector<1x1x16xf32> to vector<16xf32>
        %add3A_573 = arith.addf %add3A_509, %get3A_572 : vector<16xf32>
        %add3A_574 = arith.constant 5 : i32
        %add3A_575 = arith.addi %sub3A_245, %add3A_574 : i32
        %get3A_576 = arith.index_cast %select_n3A_122 : i32 to index
        %get3A_577 = arith.index_cast %add3A_575 : i32 to index
        %get3A_578 = arith.constant 16 : index
        %get3A_579 = tpu.vector_load %arg6[%get3A_576, %get3A_577, %get3A_578] {strides = array<i32>} : memref<3x192x128xf32, #tpu.memory_space<vmem>>, vector<1x1x16xf32>,
        %get3A_580 = vector.shape_cast %get3A_579 : vector<1x1x16xf32> to vector<16xf32>
        %add3A_581 = arith.addf %add3A_517, %get3A_580 : vector<16xf32>
        %add3A_582 = arith.constant 5 : i32
        %add3A_583 = arith.addi %sub3A_245, %add3A_582 : i32
        %get3A_584 = arith.index_cast %select_n3A_122 : i32 to index
        %get3A_585 = arith.index_cast %add3A_583 : i32 to index
        %get3A_586 = arith.constant 32 : index
        %get3A_587 = tpu.vector_load %arg6[%get3A_584, %get3A_585, %get3A_586] {strides = array<i32>} : memref<3x192x128xf32, #tpu.memory_space<vmem>>, vector<1x1x16xf32>,
        %get3A_588 = vector.shape_cast %get3A_587 : vector<1x1x16xf32> to vector<16xf32>
        %add3A_589 = arith.addf %add3A_525, %get3A_588 : vector<16xf32>
        %add3A_590 = arith.constant 5 : i32
        %add3A_591 = arith.addi %sub3A_245, %add3A_590 : i32
        %get3A_592 = arith.index_cast %select_n3A_122 : i32 to index
        %get3A_593 = arith.index_cast %add3A_591 : i32 to index
        %get3A_594 = arith.constant 48 : index
        %get3A_595 = tpu.vector_load %arg6[%get3A_592, %get3A_593, %get3A_594] {strides = array<i32>} : memref<3x192x128xf32, #tpu.memory_space<vmem>>, vector<1x1x16xf32>,
        %get3A_596 = vector.shape_cast %get3A_595 : vector<1x1x16xf32> to vector<16xf32>
        %add3A_597 = arith.addf %add3A_533, %get3A_596 : vector<16xf32>
        %add3A_598 = arith.constant 5 : i32
        %add3A_599 = arith.addi %sub3A_245, %add3A_598 : i32
        %get3A_600 = arith.index_cast %select_n3A_122 : i32 to index
        %get3A_601 = arith.index_cast %add3A_599 : i32 to index
        %get3A_602 = arith.constant 64 : index
        %get3A_603 = tpu.vector_load %arg6[%get3A_600, %get3A_601, %get3A_602] {strides = array<i32>} : memref<3x192x128xf32, #tpu.memory_space<vmem>>, vector<1x1x16xf32>,
        %get3A_604 = vector.shape_cast %get3A_603 : vector<1x1x16xf32> to vector<16xf32>
        %add3A_605 = arith.addf %add3A_541, %get3A_604 : vector<16xf32>
        %add3A_606 = arith.constant 5 : i32
        %add3A_607 = arith.addi %sub3A_245, %add3A_606 : i32
        %get3A_608 = arith.index_cast %select_n3A_122 : i32 to index
        %get3A_609 = arith.index_cast %add3A_607 : i32 to index
        %get3A_610 = arith.constant 80 : index
        %get3A_611 = tpu.vector_load %arg6[%get3A_608, %get3A_609, %get3A_610] {strides = array<i32>} : memref<3x192x128xf32, #tpu.memory_space<vmem>>, vector<1x1x16xf32>,
        %get3A_612 = vector.shape_cast %get3A_611 : vector<1x1x16xf32> to vector<16xf32>
        %add3A_613 = arith.addf %add3A_549, %get3A_612 : vector<16xf32>
        %add3A_614 = arith.constant 5 : i32
        %add3A_615 = arith.addi %sub3A_245, %add3A_614 : i32
        %get3A_616 = arith.index_cast %select_n3A_122 : i32 to index
        %get3A_617 = arith.index_cast %add3A_615 : i32 to index
        %get3A_618 = arith.constant 96 : index
        %get3A_619 = tpu.vector_load %arg6[%get3A_616, %get3A_617, %get3A_618] {strides = array<i32>} : memref<3x192x128xf32, #tpu.memory_space<vmem>>, vector<1x1x16xf32>,
        %get3A_620 = vector.shape_cast %get3A_619 : vector<1x1x16xf32> to vector<16xf32>
        %add3A_621 = arith.addf %add3A_557, %get3A_620 : vector<16xf32>
        %add3A_622 = arith.constant 5 : i32
        %add3A_623 = arith.addi %sub3A_245, %add3A_622 : i32
        %get3A_624 = arith.index_cast %select_n3A_122 : i32 to index
        %get3A_625 = arith.index_cast %add3A_623 : i32 to index
        %get3A_626 = arith.constant 112 : index
        %get3A_627 = tpu.vector_load %arg6[%get3A_624, %get3A_625, %get3A_626] {strides = array<i32>} : memref<3x192x128xf32, #tpu.memory_space<vmem>>, vector<1x1x16xf32>,
        %get3A_628 = vector.shape_cast %get3A_627 : vector<1x1x16xf32> to vector<16xf32>
        %add3A_629 = arith.addf %add3A_565, %get3A_628 : vector<16xf32>
        %add3A_630 = arith.constant 6 : i32
        %add3A_631 = arith.addi %sub3A_245, %add3A_630 : i32
        %get3A_632 = arith.index_cast %select_n3A_122 : i32 to index
        %get3A_633 = arith.index_cast %add3A_631 : i32 to index
        %get3A_634 = arith.constant 0 : index
        %get3A_635 = tpu.vector_load %arg6[%get3A_632, %get3A_633, %get3A_634] {strides = array<i32>} : memref<3x192x128xf32, #tpu.memory_space<vmem>>, vector<1x1x16xf32>,
        %get3A_636 = vector.shape_cast %get3A_635 : vector<1x1x16xf32> to vector<16xf32>
        %add3A_637 = arith.addf %add3A_573, %get3A_636 : vector<16xf32>
        %add3A_638 = arith.constant 6 : i32
        %add3A_639 = arith.addi %sub3A_245, %add3A_638 : i32
        %get3A_640 = arith.index_cast %select_n3A_122 : i32 to index
        %get3A_641 = arith.index_cast %add3A_639 : i32 to index
        %get3A_642 = arith.constant 16 : index
        %get3A_643 = tpu.vector_load %arg6[%get3A_640, %get3A_641, %get3A_642] {strides = array<i32>} : memref<3x192x128xf32, #tpu.memory_space<vmem>>, vector<1x1x16xf32>,
        %get3A_644 = vector.shape_cast %get3A_643 : vector<1x1x16xf32> to vector<16xf32>
        %add3A_645 = arith.addf %add3A_581, %get3A_644 : vector<16xf32>
        %add3A_646 = arith.constant 6 : i32
        %add3A_647 = arith.addi %sub3A_245, %add3A_646 : i32
        %get3A_648 = arith.index_cast %select_n3A_122 : i32 to index
        %get3A_649 = arith.index_cast %add3A_647 : i32 to index
        %get3A_650 = arith.constant 32 : index
        %get3A_651 = tpu.vector_load %arg6[%get3A_648, %get3A_649, %get3A_650] {strides = array<i32>} : memref<3x192x128xf32, #tpu.memory_space<vmem>>, vector<1x1x16xf32>,
        %get3A_652 = vector.shape_cast %get3A_651 : vector<1x1x16xf32> to vector<16xf32>
        %add3A_653 = arith.addf %add3A_589, %get3A_652 : vector<16xf32>
        %add3A_654 = arith.constant 6 : i32
        %add3A_655 = arith.addi %sub3A_245, %add3A_654 : i32
        %get3A_656 = arith.index_cast %select_n3A_122 : i32 to index
        %get3A_657 = arith.index_cast %add3A_655 : i32 to index
        %get3A_658 = arith.constant 48 : index
        %get3A_659 = tpu.vector_load %arg6[%get3A_656, %get3A_657, %get3A_658] {strides = array<i32>} : memref<3x192x128xf32, #tpu.memory_space<vmem>>, vector<1x1x16xf32>,
        %get3A_660 = vector.shape_cast %get3A_659 : vector<1x1x16xf32> to vector<16xf32>
        %add3A_661 = arith.addf %add3A_597, %get3A_660 : vector<16xf32>
        %add3A_662 = arith.constant 6 : i32
        %add3A_663 = arith.addi %sub3A_245, %add3A_662 : i32
        %get3A_664 = arith.index_cast %select_n3A_122 : i32 to index
        %get3A_665 = arith.index_cast %add3A_663 : i32 to index
        %get3A_666 = arith.constant 64 : index
        %get3A_667 = tpu.vector_load %arg6[%get3A_664, %get3A_665, %get3A_666] {strides = array<i32>} : memref<3x192x128xf32, #tpu.memory_space<vmem>>, vector<1x1x16xf32>,
        %get3A_668 = vector.shape_cast %get3A_667 : vector<1x1x16xf32> to vector<16xf32>
        %add3A_669 = arith.addf %add3A_605, %get3A_668 : vector<16xf32>
        %add3A_670 = arith.constant 6 : i32
        %add3A_671 = arith.addi %sub3A_245, %add3A_670 : i32
        %get3A_672 = arith.index_cast %select_n3A_122 : i32 to index
        %get3A_673 = arith.index_cast %add3A_671 : i32 to index
        %get3A_674 = arith.constant 80 : index
        %get3A_675 = tpu.vector_load %arg6[%get3A_672, %get3A_673, %get3A_674] {strides = array<i32>} : memref<3x192x128xf32, #tpu.memory_space<vmem>>, vector<1x1x16xf32>,
        %get3A_676 = vector.shape_cast %get3A_675 : vector<1x1x16xf32> to vector<16xf32>
        %add3A_677 = arith.addf %add3A_613, %get3A_676 : vector<16xf32>
        %add3A_678 = arith.constant 6 : i32
        %add3A_679 = arith.addi %sub3A_245, %add3A_678 : i32
        %get3A_680 = arith.index_cast %select_n3A_122 : i32 to index
        %get3A_681 = arith.index_cast %add3A_679 : i32 to index
        %get3A_682 = arith.constant 96 : index
        %get3A_683 = tpu.vector_load %arg6[%get3A_680, %get3A_681, %get3A_682] {strides = array<i32>} : memref<3x192x128xf32, #tpu.memory_space<vmem>>, vector<1x1x16xf32>,
        %get3A_684 = vector.shape_cast %get3A_683 : vector<1x1x16xf32> to vector<16xf32>
        %add3A_685 = arith.addf %add3A_621, %get3A_684 : vector<16xf32>
        %add3A_686 = arith.constant 6 : i32
        %add3A_687 = arith.addi %sub3A_245, %add3A_686 : i32
        %get3A_688 = arith.index_cast %select_n3A_122 : i32 to index
        %get3A_689 = arith.index_cast %add3A_687 : i32 to index
        %get3A_690 = arith.constant 112 : index
        %get3A_691 = tpu.vector_load %arg6[%get3A_688, %get3A_689, %get3A_690] {strides = array<i32>} : memref<3x192x128xf32, #tpu.memory_space<vmem>>, vector<1x1x16xf32>,
        %get3A_692 = vector.shape_cast %get3A_691 : vector<1x1x16xf32> to vector<16xf32>
        %add3A_693 = arith.addf %add3A_629, %get3A_692 : vector<16xf32>
        %add3A_694 = arith.constant 7 : i32
        %add3A_695 = arith.addi %sub3A_245, %add3A_694 : i32
        %get3A_696 = arith.index_cast %select_n3A_122 : i32 to index
        %get3A_697 = arith.index_cast %add3A_695 : i32 to index
        %get3A_698 = arith.constant 0 : index
        %get3A_699 = tpu.vector_load %arg6[%get3A_696, %get3A_697, %get3A_698] {strides = array<i32>} : memref<3x192x128xf32, #tpu.memory_space<vmem>>, vector<1x1x16xf32>,
        %get3A_700 = vector.shape_cast %get3A_699 : vector<1x1x16xf32> to vector<16xf32>
        %add3A_701 = arith.addf %add3A_637, %get3A_700 : vector<16xf32>
        %add3A_702 = arith.constant 7 : i32
        %add3A_703 = arith.addi %sub3A_245, %add3A_702 : i32
        %get3A_704 = arith.index_cast %select_n3A_122 : i32 to index
        %get3A_705 = arith.index_cast %add3A_703 : i32 to index
        %get3A_706 = arith.constant 16 : index
        %get3A_707 = tpu.vector_load %arg6[%get3A_704, %get3A_705, %get3A_706] {strides = array<i32>} : memref<3x192x128xf32, #tpu.memory_space<vmem>>, vector<1x1x16xf32>,
        %get3A_708 = vector.shape_cast %get3A_707 : vector<1x1x16xf32> to vector<16xf32>
        %add3A_709 = arith.addf %add3A_645, %get3A_708 : vector<16xf32>
        %add3A_710 = arith.constant 7 : i32
        %add3A_711 = arith.addi %sub3A_245, %add3A_710 : i32
        %get3A_712 = arith.index_cast %select_n3A_122 : i32 to index
        %get3A_713 = arith.index_cast %add3A_711 : i32 to index
        %get3A_714 = arith.constant 32 : index
        %get3A_715 = tpu.vector_load %arg6[%get3A_712, %get3A_713, %get3A_714] {strides = array<i32>} : memref<3x192x128xf32, #tpu.memory_space<vmem>>, vector<1x1x16xf32>,
        %get3A_716 = vector.shape_cast %get3A_715 : vector<1x1x16xf32> to vector<16xf32>
        %add3A_717 = arith.addf %add3A_653, %get3A_716 : vector<16xf32>
        %add3A_718 = arith.constant 7 : i32
        %add3A_719 = arith.addi %sub3A_245, %add3A_718 : i32
        %get3A_720 = arith.index_cast %select_n3A_122 : i32 to index
        %get3A_721 = arith.index_cast %add3A_719 : i32 to index
        %get3A_722 = arith.constant 48 : index
        %get3A_723 = tpu.vector_load %arg6[%get3A_720, %get3A_721, %get3A_722] {strides = array<i32>} : memref<3x192x128xf32, #tpu.memory_space<vmem>>, vector<1x1x16xf32>,
        %get3A_724 = vector.shape_cast %get3A_723 : vector<1x1x16xf32> to vector<16xf32>
        %add3A_725 = arith.addf %add3A_661, %get3A_724 : vector<16xf32>
        %add3A_726 = arith.constant 7 : i32
        %add3A_727 = arith.addi %sub3A_245, %add3A_726 : i32
        %get3A_728 = arith.index_cast %select_n3A_122 : i32 to index
        %get3A_729 = arith.index_cast %add3A_727 : i32 to index
        %get3A_730 = arith.constant 64 : index
        %get3A_731 = tpu.vector_load %arg6[%get3A_728, %get3A_729, %get3A_730] {strides = array<i32>} : memref<3x192x128xf32, #tpu.memory_space<vmem>>, vector<1x1x16xf32>,
        %get3A_732 = vector.shape_cast %get3A_731 : vector<1x1x16xf32> to vector<16xf32>
        %add3A_733 = arith.addf %add3A_669, %get3A_732 : vector<16xf32>
        %add3A_734 = arith.constant 7 : i32
        %add3A_735 = arith.addi %sub3A_245, %add3A_734 : i32
        %get3A_736 = arith.index_cast %select_n3A_122 : i32 to index
        %get3A_737 = arith.index_cast %add3A_735 : i32 to index
        %get3A_738 = arith.constant 80 : index
        %get3A_739 = tpu.vector_load %arg6[%get3A_736, %get3A_737, %get3A_738] {strides = array<i32>} : memref<3x192x128xf32, #tpu.memory_space<vmem>>, vector<1x1x16xf32>,
        %get3A_740 = vector.shape_cast %get3A_739 : vector<1x1x16xf32> to vector<16xf32>
        %add3A_741 = arith.addf %add3A_677, %get3A_740 : vector<16xf32>
        %add3A_742 = arith.constant 7 : i32
        %add3A_743 = arith.addi %sub3A_245, %add3A_742 : i32
        %get3A_744 = arith.index_cast %select_n3A_122 : i32 to index
        %get3A_745 = arith.index_cast %add3A_743 : i32 to index
        %get3A_746 = arith.constant 96 : index
        %get3A_747 = tpu.vector_load %arg6[%get3A_744, %get3A_745, %get3A_746] {strides = array<i32>} : memref<3x192x128xf32, #tpu.memory_space<vmem>>, vector<1x1x16xf32>,
        %get3A_748 = vector.shape_cast %get3A_747 : vector<1x1x16xf32> to vector<16xf32>
        %add3A_749 = arith.addf %add3A_685, %get3A_748 : vector<16xf32>
        %add3A_750 = arith.constant 7 : i32
        %add3A_751 = arith.addi %sub3A_245, %add3A_750 : i32
        %get3A_752 = arith.index_cast %select_n3A_122 : i32 to index
        %get3A_753 = arith.index_cast %add3A_751 : i32 to index
        %get3A_754 = arith.constant 112 : index
        %get3A_755 = tpu.vector_load %arg6[%get3A_752, %get3A_753, %get3A_754] {strides = array<i32>} : memref<3x192x128xf32, #tpu.memory_space<vmem>>, vector<1x1x16xf32>,
        %get3A_756 = vector.shape_cast %get3A_755 : vector<1x1x16xf32> to vector<16xf32>
        %add3A_757 = arith.addf %add3A_693, %get3A_756 : vector<16xf32>
        scf.yield %add3A_701, %add3A_709, %add3A_717, %add3A_725, %add3A_733, %add3A_741, %add3A_749, %add3A_757 : vector<16xf32>, vector<16xf32>, vector<16xf32>, vector<16xf32>, vector<16xf32>, vector<16xf32>, vector<16xf32>, vector<16xf32>
      }
      %jit3A_179 = arith.constant 8 : i32
      %div3A_180 = arith.divsi %sub3A_143, %jit3A_179 : i32
      %sign3A_181 = arith.constant 0 : i32
      %sign3A_182 = arith.cmpi sgt, %sub3A_143, %sign3A_181 : i32
      %sign3A_183 = arith.extui %sign3A_182 : i1 to i32
      %sign3A_184 = arith.constant 0 : i32
      %sign3A_185 = arith.cmpi slt, %sub3A_143, %sign3A_184 : i32
      %sign3A_186 = arith.extui %sign3A_185 : i1 to i32
      %sign3A_187 = arith.subi %sign3A_183, %sign3A_186 : i32
      %sign3A_188 = arith.constant 0 : i32
      %sign3A_189 = arith.cmpi sgt, %jit3A_179, %sign3A_188 : i32
      %sign3A_190 = arith.extui %sign3A_189 : i1 to i32
      %sign3A_191 = arith.constant 0 : i32
      %sign3A_192 = arith.cmpi slt, %jit3A_179, %sign3A_191 : i32
      %sign3A_193 = arith.extui %sign3A_192 : i1 to i32
      %sign3A_194 = arith.subi %sign3A_190, %sign3A_193 : i32
      %ne3A_195 = arith.cmpi ne, %sign3A_187, %sign3A_194 : i32
      %rem3A_196 = arith.remsi %sub3A_143, %jit3A_179 : i32
      %ne3A_197 = arith.constant 0 : i32
      %ne3A_198 = arith.cmpi ne, %rem3A_196, %ne3A_197 : i32
      %and3A_199 = arith.andi %ne3A_195, %ne3A_198 : i1
      %sub3A_200 = arith.constant 1 : i32
      %sub3A_201 = arith.subi %div3A_180, %sub3A_200 : i32
      %select_n3A_202 = arith.select %and3A_199, %sub3A_201, %div3A_180 : i32
      %mul3A_203 = arith.constant 8 : i32
      %mul3A_204 = arith.muli %select_n3A_202, %mul3A_203 : i32
      %while3A_205 = arith.subi %sub3A_143, %mul3A_204 : i32
      %while3A_206 = arith.addi %mul3A_204, %while3A_205 : i32
      %while3A_207 = arith.constant 1 : i32
      %while3A_208 = arith.divsi %while3A_205, %while3A_207 : i32
      %while3A_209 = arith.muli %while3A_208, %while3A_207 : i32
      %while3A_210 = arith.addi %mul3A_204, %while3A_209 : i32
      %while3A_211 = arith.constant 1 : i32
      %while3A_212:8 = scf.for %while3A_233 = %mul3A_204 to %while3A_210 step %while3A_211 iter_args(%while3A_234 = %while3A_178#0, %while3A_235 = %while3A_178#1, %while3A_236 = %while3A_178#2, %while3A_237 = %while3A_178#3, %while3A_238 = %while3A_178#4, %while3A_239 = %while3A_178#5, %while3A_240 = %while3A_178#6, %while3A_241 = %while3A_178#7) -> (vector<16xf32>, vector<16xf32>, vector<16xf32>, vector<16xf32>, vector<16xf32>, vector<16xf32>, vector<16xf32>, vector<16xf32>)  : i32 {
        %add3A_242 = arith.addi %while3A_94, %while3A_233 : i32
        %sub3A_243 = arith.subi %add3A_242, %multiple_of3A_126 : i32
        %get3A_244 = arith.index_cast %select_n3A_122 : i32 to index
        %get3A_245 = arith.index_cast %sub3A_243 : i32 to index
        %get3A_246 = arith.constant 0 : index
        %get3A_247 = tpu.vector_load %arg6[%get3A_244, %get3A_245, %get3A_246] {strides = array<i32>} : memref<3x192x128xf32, #tpu.memory_space<vmem>>, vector<1x1x16xf32>,
        %get3A_248 = vector.shape_cast %get3A_247 : vector<1x1x16xf32> to vector<16xf32>
        %add3A_249 = arith.addf %while3A_234, %get3A_248 : vector<16xf32>
        %get3A_250 = arith.index_cast %select_n3A_122 : i32 to index
        %get3A_251 = arith.index_cast %sub3A_243 : i32 to index
        %get3A_252 = arith.constant 16 : index
        %get3A_253 = tpu.vector_load %arg6[%get3A_250, %get3A_251, %get3A_252] {strides = array<i32>} : memref<3x192x128xf32, #tpu.memory_space<vmem>>, vector<1x1x16xf32>,
        %get3A_254 = vector.shape_cast %get3A_253 : vector<1x1x16xf32> to vector<16xf32>
        %add3A_255 = arith.addf %while3A_235, %get3A_254 : vector<16xf32>
        %get3A_256 = arith.index_cast %select_n3A_122 : i32 to index
        %get3A_257 = arith.index_cast %sub3A_243 : i32 to index
        %get3A_258 = arith.constant 32 : index
        %get3A_259 = tpu.vector_load %arg6[%get3A_256, %get3A_257, %get3A_258] {strides = array<i32>} : memref<3x192x128xf32, #tpu.memory_space<vmem>>, vector<1x1x16xf32>,
        %get3A_260 = vector.shape_cast %get3A_259 : vector<1x1x16xf32> to vector<16xf32>
        %add3A_261 = arith.addf %while3A_236, %get3A_260 : vector<16xf32>
        %get3A_262 = arith.index_cast %select_n3A_122 : i32 to index
        %get3A_263 = arith.index_cast %sub3A_243 : i32 to index
        %get3A_264 = arith.constant 48 : index
        %get3A_265 = tpu.vector_load %arg6[%get3A_262, %get3A_263, %get3A_264] {strides = array<i32>} : memref<3x192x128xf32, #tpu.memory_space<vmem>>, vector<1x1x16xf32>,
        %get3A_266 = vector.shape_cast %get3A_265 : vector<1x1x16xf32> to vector<16xf32>
        %add3A_267 = arith.addf %while3A_237, %get3A_266 : vector<16xf32>
        %get3A_268 = arith.index_cast %select_n3A_122 : i32 to index
        %get3A_269 = arith.index_cast %sub3A_243 : i32 to index
        %get3A_270 = arith.constant 64 : index
        %get3A_271 = tpu.vector_load %arg6[%get3A_268, %get3A_269, %get3A_270] {strides = array<i32>} : memref<3x192x128xf32, #tpu.memory_space<vmem>>, vector<1x1x16xf32>,
        %get3A_272 = vector.shape_cast %get3A_271 : vector<1x1x16xf32> to vector<16xf32>
        %add3A_273 = arith.addf %while3A_238, %get3A_272 : vector<16xf32>
        %get3A_274 = arith.index_cast %select_n3A_122 : i32 to index
        %get3A_275 = arith.index_cast %sub3A_243 : i32 to index
        %get3A_276 = arith.constant 80 : index
        %get3A_277 = tpu.vector_load %arg6[%get3A_274, %get3A_275, %get3A_276] {strides = array<i32>} : memref<3x192x128xf32, #tpu.memory_space<vmem>>, vector<1x1x16xf32>,
        %get3A_278 = vector.shape_cast %get3A_277 : vector<1x1x16xf32> to vector<16xf32>
        %add3A_279 = arith.addf %while3A_239, %get3A_278 : vector<16xf32>
        %get3A_280 = arith.index_cast %select_n3A_122 : i32 to index
        %get3A_281 = arith.index_cast %sub3A_243 : i32 to index
        %get3A_282 = arith.constant 96 : index
        %get3A_283 = tpu.vector_load %arg6[%get3A_280, %get3A_281, %get3A_282] {strides = array<i32>} : memref<3x192x128xf32, #tpu.memory_space<vmem>>, vector<1x1x16xf32>,
        %get3A_284 = vector.shape_cast %get3A_283 : vector<1x1x16xf32> to vector<16xf32>
        %add3A_285 = arith.addf %while3A_240, %get3A_284 : vector<16xf32>
        %get3A_286 = arith.index_cast %select_n3A_122 : i32 to index
        %get3A_287 = arith.index_cast %sub3A_243 : i32 to index
        %get3A_288 = arith.constant 112 : index
        %get3A_289 = tpu.vector_load %arg6[%get3A_286, %get3A_287, %get3A_288] {strides = array<i32>} : memref<3x192x128xf32, #tpu.memory_space<vmem>>, vector<1x1x16xf32>,
        %get3A_290 = vector.shape_cast %get3A_289 : vector<1x1x16xf32> to vector<16xf32>
        %add3A_291 = arith.addf %while3A_241, %get3A_290 : vector<16xf32>
        scf.yield %add3A_249, %add3A_255, %add3A_261, %add3A_267, %add3A_273, %add3A_279, %add3A_285, %add3A_291 : vector<16xf32>, vector<16xf32>, vector<16xf32>, vector<16xf32>, vector<16xf32>, vector<16xf32>, vector<16xf32>, vector<16xf32>
      }
      %while3A_213 = arith.constant 1 : i32
      %while3A_214:8 = scf.for %while3A_233 = %while3A_210 to %while3A_206 step %while3A_213 iter_args(%while3A_234 = %while3A_212#0, %while3A_235 = %while3A_212#1, %while3A_236 = %while3A_212#2, %while3A_237 = %while3A_212#3, %while3A_238 = %while3A_212#4, %while3A_239 = %while3A_212#5, %while3A_240 = %while3A_212#6, %while3A_241 = %while3A_212#7) -> (vector<16xf32>, vector<16xf32>, vector<16xf32>, vector<16xf32>, vector<16xf32>, vector<16xf32>, vector<16xf32>, vector<16xf32>)  : i32 {
        %add3A_242 = arith.addi %while3A_94, %while3A_233 : i32
        %sub3A_243 = arith.subi %add3A_242, %multiple_of3A_126 : i32
        %get3A_244 = arith.index_cast %select_n3A_122 : i32 to index
        %get3A_245 = arith.index_cast %sub3A_243 : i32 to index
        %get3A_246 = arith.constant 0 : index
        %get3A_247 = tpu.vector_load %arg6[%get3A_244, %get3A_245, %get3A_246] {strides = array<i32>} : memref<3x192x128xf32, #tpu.memory_space<vmem>>, vector<1x1x16xf32>,
        %get3A_248 = vector.shape_cast %get3A_247 : vector<1x1x16xf32> to vector<16xf32>
        %add3A_249 = arith.addf %while3A_234, %get3A_248 : vector<16xf32>
        %get3A_250 = arith.index_cast %select_n3A_122 : i32 to index
        %get3A_251 = arith.index_cast %sub3A_243 : i32 to index
        %get3A_252 = arith.constant 16 : index
        %get3A_253 = tpu.vector_load %arg6[%get3A_250, %get3A_251, %get3A_252] {strides = array<i32>} : memref<3x192x128xf32, #tpu.memory_space<vmem>>, vector<1x1x16xf32>,
        %get3A_254 = vector.shape_cast %get3A_253 : vector<1x1x16xf32> to vector<16xf32>
        %add3A_255 = arith.addf %while3A_235, %get3A_254 : vector<16xf32>
        %get3A_256 = arith.index_cast %select_n3A_122 : i32 to index
        %get3A_257 = arith.index_cast %sub3A_243 : i32 to index
        %get3A_258 = arith.constant 32 : index
        %get3A_259 = tpu.vector_load %arg6[%get3A_256, %get3A_257, %get3A_258] {strides = array<i32>} : memref<3x192x128xf32, #tpu.memory_space<vmem>>, vector<1x1x16xf32>,
        %get3A_260 = vector.shape_cast %get3A_259 : vector<1x1x16xf32> to vector<16xf32>
        %add3A_261 = arith.addf %while3A_236, %get3A_260 : vector<16xf32>
        %get3A_262 = arith.index_cast %select_n3A_122 : i32 to index
        %get3A_263 = arith.index_cast %sub3A_243 : i32 to index
        %get3A_264 = arith.constant 48 : index
        %get3A_265 = tpu.vector_load %arg6[%get3A_262, %get3A_263, %get3A_264] {strides = array<i32>} : memref<3x192x128xf32, #tpu.memory_space<vmem>>, vector<1x1x16xf32>,
        %get3A_266 = vector.shape_cast %get3A_265 : vector<1x1x16xf32> to vector<16xf32>
        %add3A_267 = arith.addf %while3A_237, %get3A_266 : vector<16xf32>
        %get3A_268 = arith.index_cast %select_n3A_122 : i32 to index
        %get3A_269 = arith.index_cast %sub3A_243 : i32 to index
        %get3A_270 = arith.constant 64 : index
        %get3A_271 = tpu.vector_load %arg6[%get3A_268, %get3A_269, %get3A_270] {strides = array<i32>} : memref<3x192x128xf32, #tpu.memory_space<vmem>>, vector<1x1x16xf32>,
        %get3A_272 = vector.shape_cast %get3A_271 : vector<1x1x16xf32> to vector<16xf32>
        %add3A_273 = arith.addf %while3A_238, %get3A_272 : vector<16xf32>
        %get3A_274 = arith.index_cast %select_n3A_122 : i32 to index
        %get3A_275 = arith.index_cast %sub3A_243 : i32 to index
        %get3A_276 = arith.constant 80 : index
        %get3A_277 = tpu.vector_load %arg6[%get3A_274, %get3A_275, %get3A_276] {strides = array<i32>} : memref<3x192x128xf32, #tpu.memory_space<vmem>>, vector<1x1x16xf32>,
        %get3A_278 = vector.shape_cast %get3A_277 : vector<1x1x16xf32> to vector<16xf32>
        %add3A_279 = arith.addf %while3A_239, %get3A_278 : vector<16xf32>
        %get3A_280 = arith.index_cast %select_n3A_122 : i32 to index
        %get3A_281 = arith.index_cast %sub3A_243 : i32 to index
        %get3A_282 = arith.constant 96 : index
        %get3A_283 = tpu.vector_load %arg6[%get3A_280, %get3A_281, %get3A_282] {strides = array<i32>} : memref<3x192x128xf32, #tpu.memory_space<vmem>>, vector<1x1x16xf32>,
        %get3A_284 = vector.shape_cast %get3A_283 : vector<1x1x16xf32> to vector<16xf32>
        %add3A_285 = arith.addf %while3A_240, %get3A_284 : vector<16xf32>
        %get3A_286 = arith.index_cast %select_n3A_122 : i32 to index
        %get3A_287 = arith.index_cast %sub3A_243 : i32 to index
        %get3A_288 = arith.constant 112 : index
        %get3A_289 = tpu.vector_load %arg6[%get3A_286, %get3A_287, %get3A_288] {strides = array<i32>} : memref<3x192x128xf32, #tpu.memory_space<vmem>>, vector<1x1x16xf32>,
        %get3A_290 = vector.shape_cast %get3A_289 : vector<1x1x16xf32> to vector<16xf32>
        %add3A_291 = arith.addf %while3A_241, %get3A_290 : vector<16xf32>
        scf.yield %add3A_249, %add3A_255, %add3A_261, %add3A_267, %add3A_273, %add3A_279, %add3A_285, %add3A_291 : vector<16xf32>, vector<16xf32>, vector<16xf32>, vector<16xf32>, vector<16xf32>, vector<16xf32>, vector<16xf32>, vector<16xf32>
      }
      %ge3A_215 = arith.cmpi sge, %min3A_142, %squeeze3A_140 : i32
      %lt3A_216 = arith.cmpi slt, %while3A_95, %select_n3A : i32
      %and3A_217 = arith.andi %ge3A_215, %lt3A_216 : i1
      %convert_element_type3A_218 = arith.extui %and3A_217 : i1 to i32
      %cond3A_219 = arith.constant 0 : i32
      %cond3A_220 = arith.cmpi ne, %convert_element_type3A_218, %cond3A_219 : i32
      scf.if %cond3A_220 {
        %swap3A = arith.index_cast %while3A_95 : i32 to index
        %swap3A_233 = arith.constant 0 : index
        %swap3A_234 = tpu.vector_load %arg7[%swap3A, %swap3A_233] {strides = array<i32>} : memref<320x128xf32, #tpu.memory_space<vmem>>, vector<1x16xf32>,
        %swap3A_235 = vector.shape_cast %swap3A_234 : vector<1x16xf32> to vector<16xf32>
        %swap3A_236 = vector.shape_cast %while3A_214#0 : vector<16xf32> to vector<1x16xf32>
        tpu.vector_store %arg7[%swap3A, %swap3A_233], %swap3A_236 {strides = array<i32>} : memref<320x128xf32, #tpu.memory_space<vmem>>, vector<1x16xf32>,
        %swap3A_237 = arith.index_cast %while3A_95 : i32 to index
        %swap3A_238 = arith.constant 16 : index
        %swap3A_239 = tpu.vector_load %arg7[%swap3A_237, %swap3A_238] {strides = array<i32>} : memref<320x128xf32, #tpu.memory_space<vmem>>, vector<1x16xf32>,
        %swap3A_240 = vector.shape_cast %swap3A_239 : vector<1x16xf32> to vector<16xf32>
        %swap3A_241 = vector.shape_cast %while3A_214#1 : vector<16xf32> to vector<1x16xf32>
        tpu.vector_store %arg7[%swap3A_237, %swap3A_238], %swap3A_241 {strides = array<i32>} : memref<320x128xf32, #tpu.memory_space<vmem>>, vector<1x16xf32>,
        %swap3A_242 = arith.index_cast %while3A_95 : i32 to index
        %swap3A_243 = arith.constant 32 : index
        %swap3A_244 = tpu.vector_load %arg7[%swap3A_242, %swap3A_243] {strides = array<i32>} : memref<320x128xf32, #tpu.memory_space<vmem>>, vector<1x16xf32>,
        %swap3A_245 = vector.shape_cast %swap3A_244 : vector<1x16xf32> to vector<16xf32>
        %swap3A_246 = vector.shape_cast %while3A_214#2 : vector<16xf32> to vector<1x16xf32>
        tpu.vector_store %arg7[%swap3A_242, %swap3A_243], %swap3A_246 {strides = array<i32>} : memref<320x128xf32, #tpu.memory_space<vmem>>, vector<1x16xf32>,
        %swap3A_247 = arith.index_cast %while3A_95 : i32 to index
        %swap3A_248 = arith.constant 48 : index
        %swap3A_249 = tpu.vector_load %arg7[%swap3A_247, %swap3A_248] {strides = array<i32>} : memref<320x128xf32, #tpu.memory_space<vmem>>, vector<1x16xf32>,
        %swap3A_250 = vector.shape_cast %swap3A_249 : vector<1x16xf32> to vector<16xf32>
        %swap3A_251 = vector.shape_cast %while3A_214#3 : vector<16xf32> to vector<1x16xf32>
        tpu.vector_store %arg7[%swap3A_247, %swap3A_248], %swap3A_251 {strides = array<i32>} : memref<320x128xf32, #tpu.memory_space<vmem>>, vector<1x16xf32>,
        %swap3A_252 = arith.index_cast %while3A_95 : i32 to index
        %swap3A_253 = arith.constant 64 : index
        %swap3A_254 = tpu.vector_load %arg7[%swap3A_252, %swap3A_253] {strides = array<i32>} : memref<320x128xf32, #tpu.memory_space<vmem>>, vector<1x16xf32>,
        %swap3A_255 = vector.shape_cast %swap3A_254 : vector<1x16xf32> to vector<16xf32>
        %swap3A_256 = vector.shape_cast %while3A_214#4 : vector<16xf32> to vector<1x16xf32>
        tpu.vector_store %arg7[%swap3A_252, %swap3A_253], %swap3A_256 {strides = array<i32>} : memref<320x128xf32, #tpu.memory_space<vmem>>, vector<1x16xf32>,
        %swap3A_257 = arith.index_cast %while3A_95 : i32 to index
        %swap3A_258 = arith.constant 80 : index
        %swap3A_259 = tpu.vector_load %arg7[%swap3A_257, %swap3A_258] {strides = array<i32>} : memref<320x128xf32, #tpu.memory_space<vmem>>, vector<1x16xf32>,
        %swap3A_260 = vector.shape_cast %swap3A_259 : vector<1x16xf32> to vector<16xf32>
        %swap3A_261 = vector.shape_cast %while3A_214#5 : vector<16xf32> to vector<1x16xf32>
        tpu.vector_store %arg7[%swap3A_257, %swap3A_258], %swap3A_261 {strides = array<i32>} : memref<320x128xf32, #tpu.memory_space<vmem>>, vector<1x16xf32>,
        %swap3A_262 = arith.index_cast %while3A_95 : i32 to index
        %swap3A_263 = arith.constant 96 : index
        %swap3A_264 = tpu.vector_load %arg7[%swap3A_262, %swap3A_263] {strides = array<i32>} : memref<320x128xf32, #tpu.memory_space<vmem>>, vector<1x16xf32>,
        %swap3A_265 = vector.shape_cast %swap3A_264 : vector<1x16xf32> to vector<16xf32>
        %swap3A_266 = vector.shape_cast %while3A_214#6 : vector<16xf32> to vector<1x16xf32>
        tpu.vector_store %arg7[%swap3A_262, %swap3A_263], %swap3A_266 {strides = array<i32>} : memref<320x128xf32, #tpu.memory_space<vmem>>, vector<1x16xf32>,
        %swap3A_267 = arith.index_cast %while3A_95 : i32 to index
        %swap3A_268 = arith.constant 112 : index
        %swap3A_269 = tpu.vector_load %arg7[%swap3A_267, %swap3A_268] {strides = array<i32>} : memref<320x128xf32, #tpu.memory_space<vmem>>, vector<1x16xf32>,
        %swap3A_270 = vector.shape_cast %swap3A_269 : vector<1x16xf32> to vector<16xf32>
        %swap3A_271 = vector.shape_cast %while3A_214#7 : vector<16xf32> to vector<1x16xf32>
        tpu.vector_store %arg7[%swap3A_267, %swap3A_268], %swap3A_271 {strides = array<i32>} : memref<320x128xf32, #tpu.memory_space<vmem>>, vector<1x16xf32>,
      } else {
      }
      %jit3A_221 = arith.constant 1 : i32
      %jit3A_222 = arith.constant 0 : i32
      %select_n3A_223 = arith.select %and3A_217, %jit3A_221, %jit3A_222 : i32
      %add3A_224 = arith.addi %while3A_95, %select_n3A_223 : i32
      %select_n3A_225 = arith.select %and3A_217, %broadcast_in_dim3A_3, %while3A_214#0 : vector<16xf32>
      %select_n3A_226 = arith.select %and3A_217, %broadcast_in_dim3A_3, %while3A_214#1 : vector<16xf32>
      %select_n3A_227 = arith.select %and3A_217, %broadcast_in_dim3A_3, %while3A_214#2 : vector<16xf32>
      %select_n3A_228 = arith.select %and3A_217, %broadcast_in_dim3A_3, %while3A_214#3 : vector<16xf32>
      %select_n3A_229 = arith.select %and3A_217, %broadcast_in_dim3A_3, %while3A_214#4 : vector<16xf32>
      %select_n3A_230 = arith.select %and3A_217, %broadcast_in_dim3A_3, %while3A_214#5 : vector<16xf32>
      %select_n3A_231 = arith.select %and3A_217, %broadcast_in_dim3A_3, %while3A_214#6 : vector<16xf32>
      %select_n3A_232 = arith.select %and3A_217, %broadcast_in_dim3A_3, %while3A_214#7 : vector<16xf32>
      scf.yield %min3A_142, %add3A_224, %add3A_110, %add3A_113, %select_n3A_122, %select_n3A_225, %select_n3A_226, %select_n3A_227, %select_n3A_228, %select_n3A_229, %select_n3A_230, %select_n3A_231, %select_n3A_232 : i32, i32, i32, i32, i32, vector<16xf32>, vector<16xf32>, vector<16xf32>, vector<16xf32>, vector<16xf32>, vector<16xf32>, vector<16xf32>, vector<16xf32>
    }
    %lt3A = arith.constant 31 : i32
    %lt3A_84 = arith.cmpi slt, %add3A, %lt3A : i32
    %convert_element_type3A_85 = arith.extui %lt3A_84 : i1 to i32
    %cond3A_86 = arith.constant 0 : i32
    %cond3A_87 = arith.cmpi ne, %convert_element_type3A_85, %cond3A_86 : i32
    scf.if %cond3A_87 {
      "tpu.region"() ({
        %run_scoped3A = tpu.sem_alloc : memref<!tpu.dma_semaphore, #tpu.memory_space<semaphore_mem>>
        %dma_start3A = arith.constant 0 : i32
        %dma_start3A_93 = tpu.memref_slice %arg4[%multiple_of3A, %dma_start3A] : memref<10000x128xf32, #tpu.memory_space<hbm>> -> memref<320x128xf32, #tpu.memory_space<hbm>>
        %dma_start3A_94 = arith.constant 0 : i32
        %dma_start3A_95 = tpu.memref_slice %arg4[%multiple_of3A, %dma_start3A_94] : memref<10000x128xf32, #tpu.memory_space<hbm>> -> memref<320x128xf32, #tpu.memory_space<hbm>>
        tpu.enqueue_dma source(%arg7 : memref<320x128xf32, #tpu.memory_space<vmem>>) target(%dma_start3A_95 : memref<320x128xf32, #tpu.memory_space<hbm>>) target_semaphore(%run_scoped3A : memref<!tpu.dma_semaphore, #tpu.memory_space<semaphore_mem>>)
        %dma_wait3A = arith.constant 0 : i32
        %dma_wait3A_96 = tpu.memref_slice %arg4[%multiple_of3A, %dma_wait3A] : memref<10000x128xf32, #tpu.memory_space<hbm>> -> memref<320x128xf32, #tpu.memory_space<hbm>>
        %dma_wait3A_97 = arith.constant 0 : i32
        %dma_wait3A_98 = tpu.memref_slice %arg4[%multiple_of3A, %dma_wait3A_97] : memref<10000x128xf32, #tpu.memory_space<hbm>> -> memref<320x128xf32, #tpu.memory_space<hbm>>
        tpu.wait_dma2 semaphore(%run_scoped3A : memref<!tpu.dma_semaphore, #tpu.memory_space<semaphore_mem>>) src(%arg7 : memref<320x128xf32, #tpu.memory_space<vmem>>) dst(%dma_wait3A_98 : memref<320x128xf32, #tpu.memory_space<hbm>>)
        tpu.yield
      }) : () -> ()
    } else {
    }
    %eq3A_88 = arith.constant 31 : i32
    %eq3A_89 = arith.cmpi eq, %add3A, %eq3A_88 : i32
    %convert_element_type3A_90 = arith.extui %eq3A_89 : i1 to i32
    %cond3A_91 = arith.constant 0 : i32
    %cond3A_92 = arith.cmpi ne, %convert_element_type3A_90, %cond3A_91 : i32
    scf.if %cond3A_92 {
      "tpu.region"() ({
        %run_scoped3A = tpu.sem_alloc : memref<!tpu.dma_semaphore, #tpu.memory_space<semaphore_mem>>
        %dma_start3A = arith.constant 0 : i32
        %dma_start3A_93 = arith.constant 0 : i32
        %dma_start3A_94 = tpu.memref_slice %arg7[%dma_start3A, %dma_start3A_93] : memref<320x128xf32, #tpu.memory_space<vmem>> -> memref<80x128xf32, #tpu.memory_space<vmem>>
        %dma_start3A_95 = arith.constant 0 : i32
        %dma_start3A_96 = tpu.memref_slice %arg4[%multiple_of3A, %dma_start3A_95] : memref<10000x128xf32, #tpu.memory_space<hbm>> -> memref<80x128xf32, #tpu.memory_space<hbm>>
        %dma_start3A_97 = arith.constant 0 : i32
        %dma_start3A_98 = tpu.memref_slice %arg4[%multiple_of3A, %dma_start3A_97] : memref<10000x128xf32, #tpu.memory_space<hbm>> -> memref<80x128xf32, #tpu.memory_space<hbm>>
        %dma_start3A_99 = arith.constant 0 : i32
        %dma_start3A_100 = arith.constant 0 : i32
        %dma_start3A_101 = tpu.memref_slice %arg7[%dma_start3A_99, %dma_start3A_100] : memref<320x128xf32, #tpu.memory_space<vmem>> -> memref<80x128xf32, #tpu.memory_space<vmem>>
        tpu.enqueue_dma source(%dma_start3A_101 : memref<80x128xf32, #tpu.memory_space<vmem>>) target(%dma_start3A_98 : memref<80x128xf32, #tpu.memory_space<hbm>>) target_semaphore(%run_scoped3A : memref<!tpu.dma_semaphore, #tpu.memory_space<semaphore_mem>>)
        %dma_wait3A = arith.constant 0 : i32
        %dma_wait3A_102 = arith.constant 0 : i32
        %dma_wait3A_103 = tpu.memref_slice %arg7[%dma_wait3A, %dma_wait3A_102] : memref<320x128xf32, #tpu.memory_space<vmem>> -> memref<80x128xf32, #tpu.memory_space<vmem>>
        %dma_wait3A_104 = arith.constant 0 : i32
        %dma_wait3A_105 = tpu.memref_slice %arg4[%multiple_of3A, %dma_wait3A_104] : memref<10000x128xf32, #tpu.memory_space<hbm>> -> memref<80x128xf32, #tpu.memory_space<hbm>>
        %dma_wait3A_106 = arith.constant 0 : i32
        %dma_wait3A_107 = tpu.memref_slice %arg4[%multiple_of3A, %dma_wait3A_106] : memref<10000x128xf32, #tpu.memory_space<hbm>> -> memref<80x128xf32, #tpu.memory_space<hbm>>
        %dma_wait3A_108 = arith.constant 0 : i32
        %dma_wait3A_109 = arith.constant 0 : i32
        %dma_wait3A_110 = tpu.memref_slice %arg7[%dma_wait3A_108, %dma_wait3A_109] : memref<320x128xf32, #tpu.memory_space<vmem>> -> memref<80x128xf32, #tpu.memory_space<vmem>>
        tpu.wait_dma2 semaphore(%run_scoped3A : memref<!tpu.dma_semaphore, #tpu.memory_space<semaphore_mem>>) src(%dma_wait3A_110 : memref<80x128xf32, #tpu.memory_space<vmem>>) dst(%dma_wait3A_107 : memref<80x128xf32, #tpu.memory_space<hbm>>)
        tpu.yield
      }) : () -> ()
    } else {
    }
    return
  }
}

</mosaic_0001>

<sc_bundles>
// kernel: _run.3.cloned.1.call-start
scs
__scs_entry_jumppad:
0x0: {  	(pc) =	sbr.rel $0x88, $3  }
0x1: {  	(tag) =	ssettag $0x0;
	lr =	simm.s32 $0x1  }
0x2: {  	[smem:$0x3F9F] =	sst lr;
	_ =	strace $0xD0000000  }
0x3: {  	_ = 	snop  }
0x4: {  	_ = 	snop  }
0x5: {  	_ = 	snop  }
0x6: {  	_ = 	snop  }
0x7: {  	_ = 	snop  }
__scs_overlays_trampoline_lowered:
0x8: {  	[smem:$0x3FAE] =	sst s0  }
0x9: {  	[smem:$0x3FAF] =	sst s1  }
0xa: {  	[smem:$0x3FB0] =	sst s2  }
0xb: {  	[smem:$0x3FB1] =	sst s3  }
0xc: {  	[smem:$0x3FB2] =	sst s4  }
0xd: {  	[smem:$0x3FB3] =	sst s5  }
0xe: {  	[smem:$0x3FB4] =	sst s6  }
0xf: {  	[smem:$0x3FB5] =	sst s7  }
0x10: {  	[smem:$0x3FB6] =	sst s8  }
0x11: {  	[smem:$0x3FB7] =	sst s9;
	s0 =	simm.s32 @!p0 $0x0  }
0x12: {  	s1 =	sld [smem:$0x3F9D];
	s0 =	simm.s32 @p0 $0x1  }
0x13: {  	[smem:$0x3FB8] =	sst s0;
	s0 =	simm.s32 @!p1 $0x0  }
0x14: {  	s2 =	sld [smem:$0x3F9C];
	s0 =	simm.s32 @p1 $0x1  }
0x15: {  	[smem:$0x3FB9] =	sst s0;
	s0 =	simm.s32 @!p2 $0x0  }
0x16: {  	s3 =	sld [smem:$0x3FDB];
	s0 =	simm.s32 @p2 $0x1  }
0x17: {  	s4 =	simm.s32 $0x1BF5;
	[smem:$0x3FBB] =	sst s0  }
0x18: {  	s0 =	sld [smem:$0x3F9E];
	_ =	swait.ge [sflag:s4], $0x0  }
0x19: {  	s7 =	sld [smem:$0x3F9F]  }
0x1a: {  	s8 =	sadd.s32 $0xFFFFE003, lr  }
0x1b: {  	s9 =	sadd.s32 $0xFFFFFEF7, lr;
	s5 =	simm.s32 $0xFFFFFFFF;
	p2 =	slt.u32 s8, $0xFFFFF086  }
0x1c: {  	p1 =	slt.u32 s9, $0xF7A;
	s5 =	simm.s32 @!p2 $0x0  }
0x1d: {  	s5 =	simm.s32 @p1 $0x1;
	p0 =	seq.s32 s7, s2  }
0x1e: {  	s7 =	smul.u32 @!p0 $0xF7A, s2;
	p2 =	seq.s32 @!p0 s5, $0x0  }
0x1f: {  	s9 =	smul.u32 $0xF7A, s1;
	s8 =	simm.s32 @!p0 $0x1BF5;
	p2 =	por !p2, p0  }
0x20: {  	[sflag:s8] =	ssyncset.s32 @!p0 $0xFFFFF086;
	s6 =	sadd.s32 @!p0 s3, s7;
	s7 =	simm.s32 @!p0 $0x108  }
0x21: {  	s3 =	sadd.s32 s3, s9;
	s6 =	sadd.s32 @!p0 $0x88, s6;
	s7 =	simm.s32 @p2 $0x1082  }
0x22: {  	[simem:s7], [sflag:s8] =	dma.local @!p0 [hbm:s6], $0xF7A  }
0x23: {  	s9 =	sor.u32 $0xD0000000, s2;
	s6 =	simm.s32 $0x108;
	_ =	swait.ge @!p0 [sflag:s8], $0x0  }
0x24: {  	s3 =	sadd.s32 $0x88, s3;
	s6 =	simm.s32 @!p1 $0x1082;
	[sflag:s4] =	ssyncset.s32 $0xFFFFF086  }
0x25: {  	[simem:s6], [sflag:s4] =	dma.local [hbm:s3], $0xF7A  }
0x26: {  	[smem:$0x3F9F] =	sst s1;
	(tag) =	ssettag s2;
	_ =	strace s9  }
0x27: {  	s1 =	sld [smem:$0x3FAF]  }
0x28: {  	s2 =	sld [smem:$0x3FB0]  }
0x29: {  	s4 =	sld [smem:$0x3FB2]  }
0x2a: {  	p0 =	seq.s32 s5, $0x0;
	s5 =	sld [smem:$0x3FB3]  }
0x2b: {  	s6 =	sld [smem:$0x3FB4]  }
0x2c: {  	s7 =	sld [smem:$0x3FB5]  }
0x2d: {  	s3 =	simm.s32 $0x108;
	s8 =	sld [smem:$0x3FB6]  }
0x2e: {  	s3 =	simm.s32 @!p0 $0x1082;
	s9 =	sld [smem:$0x3FB7]  }
0x2f: {  	lr =	sadd.s32 s0, s3;
	s0 =	sld [smem:$0x3FAE]  }
0x30: {  	s3 =	sld [smem:$0x3FB1]  }
0x31: {  	[smem:$0x3FBA] =	sst s10  }
0x32: {  	s10 =	sld [smem:$0x3FB8];
	_ =	sdelay $0x3  }
0x33: {  	p0 =	seq.s32 s10, $0x1;
	s10 =	sld [smem:$0x3FBA];
	_ =	sdelay $0x3  }
0x34: {  	[smem:$0x3FBA] =	sst s10  }
0x35: {  	s10 =	sld [smem:$0x3FB9];
	_ =	sdelay $0x3  }
0x36: {  	p1 =	seq.s32 s10, $0x1;
	s10 =	sld [smem:$0x3FBA];
	_ =	sdelay $0x3  }
0x37: {  	[smem:$0x3FBA] =	sst s10  }
0x38: {  	s10 =	sld [smem:$0x3FBB]  }
0x39: {  	_ = 	snop;
	(pc) =	sbr.ind lr, $3  }
0x3a: {  	_ = 	snop  }
0x3b: {  	_ = 	snop  }
0x3c: {  	p2 =	seq.s32 s10, $0x1;
	s10 =	sld [smem:$0x3FBA]  }
0x3d: {  	_ =	shalt  }
0x3e: {  	_ =	shalt  }
0x3f: {  	_ =	shalt  }
0x40: {  	_ =	shalt  }
0x41: {  	_ =	shalt  }
0x42: {  	_ =	shalt  }
0x43: {  	_ =	shalt  }
0x44: {  	_ =	shalt  }
0x45: {  	_ =	shalt  }
0x46: {  	_ =	shalt  }
0x47: {  	_ =	shalt  }
0x48: {  	_ =	shalt  }
0x49: {  	_ =	shalt  }
0x4a: {  	_ =	shalt  }
0x4b: {  	_ =	shalt  }
0x4c: {  	_ =	shalt  }
0x4d: {  	_ =	shalt  }
0x4e: {  	_ =	shalt  }
0x4f: {  	_ =	shalt  }
0x50: {  	_ =	shalt  }
0x51: {  	_ =	shalt  }
0x52: {  	_ =	shalt  }
0x53: {  	_ =	shalt  }
0x54: {  	_ =	shalt  }
0x55: {  	_ =	shalt  }
0x56: {  	_ =	shalt  }
0x57: {  	_ =	shalt  }
0x58: {  	_ =	shalt  }
0x59: {  	_ =	shalt  }
0x5a: {  	_ =	shalt  }
0x5b: {  	_ =	shalt  }
0x5c: {  	_ =	shalt  }
0x5d: {  	_ =	shalt  }
0x5e: {  	_ =	shalt  }
0x5f: {  	_ =	shalt  }
0x60: {  	_ =	shalt  }
0x61: {  	_ =	shalt  }
0x62: {  	_ =	shalt  }
0x63: {  	_ =	shalt  }
0x64: {  	_ =	shalt  }
0x65: {  	_ =	shalt  }
0x66: {  	_ =	shalt  }
0x67: {  	_ =	shalt  }
0x68: {  	_ =	shalt  }
0x69: {  	_ =	shalt  }
0x6a: {  	_ =	shalt  }
0x6b: {  	_ =	shalt  }
0x6c: {  	_ =	shalt  }
0x6d: {  	_ =	shalt  }
0x6e: {  	_ =	shalt  }
0x6f: {  	_ =	shalt  }
0x70: {  	_ =	shalt  }
0x71: {  	_ =	shalt  }
0x72: {  	_ =	shalt  }
0x73: {  	_ =	shalt  }
0x74: {  	_ =	shalt  }
0x75: {  	_ =	shalt  }
0x76: {  	_ =	shalt  }
0x77: {  	_ =	shalt  }
0x78: {  	_ =	shalt  }
0x79: {  	_ =	shalt  }
0x7a: {  	_ =	shalt  }
0x7b: {  	_ =	shalt  }
0x7c: {  	_ =	shalt  }
0x7d: {  	_ =	shalt  }
0x7e: {  	_ =	shalt  }
0x7f: {  	_ =	shalt  }
0x80: {  	_ =	shalt  }
0x81: {  	_ =	shalt  }
0x82: {  	_ =	shalt  }
0x83: {  	_ =	shalt  }
0x84: {  	_ =	shalt  }
0x85: {  	_ =	shalt  }
0x86: {  	_ =	shalt  }
0x87: {  	_ =	shalt  }
.Lfunc_end0:
.L_simem_size_0:
called_computation_lowered:
.L_overlay_start_0:
0x88: {  	s2 =	sld [smem:$0x3FD9]  }
0x89: {  	s3 =	sld [smem:$0x3FFE];
	_ =	sdelay $0x1  }
0x8a: {  	s1 =	srdreg.scid  }
0x8b: {  	s0 =	sand.u32 $0x1, s1  }
0x8c: {  	s18 =	sshll.u32 s0, $0xA;
	s2 =	sadd.s32 s3, s2  }
0x8d: {  	s2 =	sadd.s32 s2, s18  }
0x8e: {  	[smem:$0x3FC6] =	sst s2  }
0x8f: {  	_ = 	snop  }
0x90: {  	s2 =	sld [smem:$0x3FC9]  }
0x91: {  	s19 =	sld [smem:$0x3FC8]  }
0x92: {  	s4 =	sld [smem:$0x3FD0];
	(tm) =	ssettm $0x1  }
0x93: {  	s5 =	sld [smem:$0x3FFB];
	_ =	sdelay $0x3  }
0x94: {  	_ =	strace s5  }
0x95: {  	s5 =	sld [smem:$0x3FFC];
	_ =	sdelay $0x3  }
0x96: {  	_ =	strace s5  }
0x97: {  	s5 =	sld [smem:$0x3FFD];
	_ =	sdelay $0x3  }
0x98: {  	_ =	strace s5  }
0x99: {  	_ =	strace $0x8FFFFFFF  }
0x9a: {  	s20 =	sld [smem:$0x3FDB];
	_ =	sdelay $0x1  }
0x9b: {  	s6 =	simm.s32 $_scs_section_size  }
0x9c: {  	s7 =	simm.s32 $_size__tile_overlayer_lowered;
	s8 =	simm.s32 $_tile_overlayer_lowered  }
0x9d: {  	s23 =	simm.s32 $0x1BFF;
	s22 =	sshll.u32 s8, $0x1;
	s5 =	sadd.s32 s6, s20  }
0x9e: {  	s9 =	simm.s32 $0x0;
	s21 =	sshll.u32 s7, $0x1;
	s7 =	sadd.s32 s22, s5  }
0x9f: {  	[timem:s9], [sflag:s23] =	dma.local [hbm:s7], s21  }
0xa0: {  	_ =	swait.ge [sflag:s23], s21  }
0xa1: {  	s6 =	ssub.s32 $0x0, s21;
	[sflag:s23] =	ssyncset.done $0x0  }
0xa2: {  	[sflag:s23] =	ssyncadd.s32 s6;
	_ =	sdelay $0x1  }
0xa3: {  	s24 =	simm.s32 $0x1B8B  }
0xa4: {  	_ =	swait.ge [sflag:s24], $0x1  }
0xa5: {  	[sflag:s24] =	ssyncset.done $0x0  }
0xa6: {  	s25 =	simm.s32 $0x1B8E;
	[sflag:s24] =	ssyncadd.s32 $0xFFFFFFFF  }
0xa7: {  	s26 =	simm.s32 $execute0_lowered;
	[smem:$0x3FD2] =	sst s25  }
0xa8: {  	s6 =	sshll.u32 s26, $0x1;
	_ =	strace $0x80000046;
	[dreg:$0x1] =	wrdreg $0xFFFFFFFF  }
0xa9: {  	s28 =	simm.s32 $_size_execute0_lowered;
	s5 =	sadd.s32 s5, s6;
	[dreg:$0x0] =	wrdreg $0x0  }
0xaa: {  	s6 =	sshll.u32 s28, $0x1;
	[dreg:$0x2] =	wrdreg s5  }
0xab: {  	[dreg:$0x3] =	wrdreg s6  }
0xac: {  	[dreg:$0x4] =	wrdreg $0xC0  }
0xad: {  	_ =	task [dreg:s9], $0x5FFFF  }
0xae: {  	[dreg:$0x1] =	wrdreg $0xFFFFFFFF  }
0xaf: {  	[dreg:$0x0] =	wrdreg $0x60  }
0xb0: {  	[dreg:$0x2] =	wrdreg s2  }
0xb1: {  	[dreg:$0x3] =	wrdreg s19  }
0xb2: {  	[dreg:$0x4] =	wrdreg s4  }
0xb3: {  	[dreg:$0x5] =	wrdreg $0x9  }
0xb4: {  	_ =	task.clear_ibuf [dreg:s9], $0x6FFFF;
	_ =	strace $0x90000046  }
0xb5: {  	s29 =	simm.s32 $0x9;
	_ =	strace $0x80000048  }
0xb6: {  	_ =	swait.ge [sflag:s29], $0x1  }
0xb7: {  	[sflag:s29] =	ssyncadd.s32 $0xFFFFFFFF  }
0xb8: {  	_ =	strace $0x90000048  }
0xb9: {  	_ =	sfence  }
0xba: {  	s30 =	sld [smem:$0x0];
	_ =	sdelay $0x2  }
0xbb: {  	s31 =	sshll.u32 s1, $0xD;
	s1 =	sshrl.u32 s1, $0x2  }
0xbc: {  	s3 =	sand.u32 $0x4000, s31;
	s1 =	sadd.s32 s1, s30  }
0xbd: {  	s0 =	sor.u32 s3, s0;
	s1 =	sshll.u32 s1, $0x11  }
0xbe: {  	s0 =	sor.u32 s1, s0  }
0xbf: {  	s0 =	sadd.s32 $0x8F2B, s0  }
0xc0: {  	[sflag:s0] =	ssyncadd.remote.s32 $0x1  }
0xc1: {  	_ =	sfence.sel $0xFFFF  }
0xc2: {  	[dreg:$0x0] =	wrdreg $0xFFFFFFFF;
	(pc) =	sbr.abs _section_cstart, $3  }
0xc3: {  	[dreg:$0x1] =	wrdreg $0xFFFFFFFF  }
0xc4: {  	_ =	task.clear_ibuf [dreg:s9], $0x2FFFF;
	_ =	strace $0x9FFFFFFF  }
0xc5: {  	(tm) =	ssettm $0x7FFFFFFF  }
tec
execute0_lowered:
.L_overlay_start_1:
0x0: {  	(tag) =	ssettag $0x1  }
0x1: {  	s1 =	rddreg [dreg:$0x0]  }
0x2: {  	s5 =	rddreg [dreg:$0x1];
	s2 =	srdreg.scid  }
0x3: {  	s0 =	stileid.u32;
	s7 =	rddreg [dreg:$0x2]  }
0x4: {  	s3 =	simm.s32 $0x0;
	s4 =	sand.u32 $0x1, s2;
	s6 =	sshll.u32 s0, $0x1  }
0x5: {  	s11 =	simm.s32 $0x3180;
	s2 =	rddreg [dreg:$0x3];
	s6 =	sor.u32 s4, s6  }
0x6: {  	s12 =	simm.s32 $0x0;
	[smem:$0x7FF] =	sst s3;
	s8 =	smul.u32 $0x28, s6  }
.Ltmp0:
0x7: {  	s4 =	ssub.s32 $0x2, s4;
	_ =	strace $0x80000047;
	(pc) =	sbr.rel .LBB2_1-.Ltmp0, $4  }
0x8: {  	s9 =	sshrl.u32 s4, $0x1;
	s10 =	smul.u32 $0x1400, s6;
	p0 =	seq.s32 s6, $0x1F  }
0x9: {  	s9 =	ssub.s32 s4, s9;
	s4 =	simm.s32 $0x50;
	s5 =	sadd.s32 s5, s8  }
0xa: {  	s4 =	simm.s32 @!p0 $0x140;
	s6 =	sadd.s32 s7, s10;
	s7 =	sadd.s32 $0x26C00, s7  }
0xb: {  	s8 =	smax.u32 s9, $0x1;
	s9 =	simm.s32 $0x7;
	s10 =	simm.s32 $0x180  }
.LBB2_24:
0xc: {  	s13 =	simm.s32 @p0 $0x0;
	s14 =	simm.s32 @p0 $0x12180  }
0xd: {  	[hbm4b:s7+s13] =	stream.linear.scatter @p0 [tilespmem:s14], [sflag:$0x7], $0x2800, $0x38;
	[tilespmem:$0x1C180] =	vst v63  }
0xe: {  	s13 =	simm.s32 @p0 $0x7  }
0xf: {  	_ =	swait.ge @p0 [sflag:s13], $0x2800  }
0x10: {  	s12 =	sadd.s32 $0x1, s12;
	s14 =	simm.s32 @!p0 $0x12180;
	[sflag:s13] =	ssyncset.done @p0 $0x0  }
0x11: {  	p1 =	sne.s32 s12, s8;
	[sflag:s13] =	ssyncadd.s32 @p0 $0xFFFFD800;
	s13 =	simm.s32 @!p0 $0x0  }
0x12: {  	[hbm4b:s6+s13] =	stream.linear.scatter @!p0 [tilespmem:s14], [sflag:$0x7], $0xA000, $0x38;
	[tilespmem:$0x1C180] =	vst v63  }
.Ltmp1:
0x13: {  	_ = 	snop;
	(pc) =	sbr.rel @!p1 .LBB2_25-.Ltmp1, $4  }
0x14: {  	s13 =	simm.s32 @!p0 $0x7  }
0x15: {  	_ =	swait.ge @!p0 [sflag:s13], $0xA000  }
0x16: {  	[sflag:s13] =	ssyncset.done @!p0 $0x0  }
0x17: {  	[sflag:s13] =	ssyncadd.s32 @!p0 $0xFFFF6000  }
.LBB2_1:
0x18: {  	[tilespmem:s3], [sflag:$0x7] =	stream.linear.gather [hbm4b:s5+s3], $0x158, $0x38;
	[tilespmem:$0x1C180] =	vst v63  }
0x19: {  	_ =	swait.ge [sflag:s9], $0x158  }
0x1a: {  	[sflag:s9] =	ssyncset.done $0x0  }
0x1b: {  	[sflag:s9] =	ssyncadd.s32 $0xFFFFFEA8  }
0x1c: {  	v0 =	vld [tilespmem:$0x0];
	_ =	sdelay $0x4  }
0x1d: {  	(v2sf) =	vpush v0, $0x0;
	_ =	sdelay $0x1  }
0x1e: {  	v63 =	vld [tilespmem:s4+$0x0];
	_ =	sdelay $0x4  }
0x1f: {  	(v2sf) =	vpush v63, $0x0;
	_ =	sdelay $0x7  }
0x20: {  	s22 =	spop (v2sf)  }
0x21: {  	s13 =	sand.u32 $0x7, s22  }
0x22: {  	s14 =	sshra.s32 s22, $0x1F;
	p1 =	slt.s32 s22, $0x1;
	p2 =	sne.s32 s13, $0x0  }
0x23: {  	s31 =	sshrl.u32 s14, $0x1D;
	p1 =	por !p1, !p2  }
0x24: {  	s14 =	simm.s32 $0x1;
	s13 =	sadd.s32 s31, s22;
	p1 =	por !p1, !p1  }
0x25: {  	s13 =	sshrl.u32 s13, $0x3;
	s14 =	simm.s32 @!p1 $0x0  }
0x26: {  	s14 =	ssub.s32 s13, s14  }
0x27: {  	s13 =	spop (v2sf);
	s14 =	sshll.u32 s14, $0x3  }
0x28: {  	s15 =	ssub.s32 s13, s14  }
0x29: {  	s17 =	sadd.s32 $0xBF, s15  }
0x2a: {  	s16 =	smulhi.u32 $0x2AAAAAAB, s17;
	s18 =	sshra.s32 s17, $0x1F  }
0x2b: {  	s18 =	smul.u32 $0x2AAAAAAB, s18;
	_ =	sdelay $0x1  }
0x2c: {  	s16 =	sadd.s32 s18, s16  }
0x2d: {  	s18 =	sshrl.u32 s16, $0x1F;
	s16 =	sshra.s32 s16, $0x5  }
0x2e: {  	s16 =	sadd.s32 s18, s16  }
0x2f: {  	s18 =	smul.u32 $0xFFFFFF40, s16  }
0x30: {  	s15 =	ssub.s32 $0xFFFFFF41, s15  }
0x31: {  	p5 =	slt.s32 s17, $0x1;
	p6 =	sne.s32 s18, s15  }
0x32: {  	p1 =	por !p5, !p6  }
0x33: {  	s15 =	simm.s32 $0x1;
	p1 =	por !p1, !p1  }
0x34: {  	s15 =	simm.s32 @!p1 $0x0  }
0x35: {  	s15 =	ssub.s32 s16, s15  }
0x36: {  	p2 =	slt.s32 s15, $0x1  }
.Ltmp2:
0x37: {  	_ = 	snop;
	(pc) =	sbr.rel @p2 .LBB2_3-.Ltmp2, $1  }
0x38: {  	_ =	sdelay $0x3  }
0x39: {  	p2 =	slt.s32 s14, $0x4E140;
	s17 =	smov.u32 s14  }
0x3a: {  	s17 =	simm.s32 @!p2 $0x4E140  }
0x3b: {  	s18 =	sshll.u32 s17, $0x4;
	s17 =	sshll.u32 s17, $0x7  }
0x3c: {  	s18 =	sadd.s32 s1, s18;
	s17 =	sadd.s32 $0x3000, s17  }
0x3d: {  	[tilespmem:s10], [sflag:$0x1] =	stream.linear.gather [hbm4b:s18+s3], $0x3000, $0x38;
	[tilespmem:$0x1C180] =	vst v63  }
0x3e: {  	s17 =	sshrl.u32 s17, $0x3  }
0x3f: {  	p2 =	seq.s32 s15, $0x1;
	s17 =	sadd.s32 s1, s17  }
0x40: {  	[tilespmem:s11], [sflag:$0x2] =	stream.linear.gather [hbm4b:s17+s3], $0x3000, $0x38;
	[tilespmem:$0x1C180] =	vst v63  }
0x41: {  	s17 =	sadd.s32 @!p2 $0xC0, s14  }
0x42: {  	p3 =	slt.s32 @!p2 s17, $0x4E140  }
0x43: {  	p3 =	por !p3, p2  }
0x44: {  	s19 =	simm.s32 @!p2 $0x0;
	s17 =	simm.s32 @p3 $0x4E140  }
0x45: {  	s20 =	simm.s32 @!p2 $0x6180;
	s18 =	sshll.u32 @!p2 s17, $0x4;
	s17 =	sshll.u32 @!p2 s17, $0x7  }
.Ltmp3:
0x46: {  	s18 =	sadd.s32 @!p2 s1, s18;
	s17 =	sadd.s32 @!p2 $0x3000, s17;
	(pc) =	sbr.rel .LBB2_4-.Ltmp3, $4  }
0x47: {  	[tilespmem:s20], [sflag:$0x3] =	stream.linear.gather @!p2 [hbm4b:s18+s19], $0x3000, $0x38;
	[tilespmem:$0x1C180] =	vst v63  }
0x48: {  	s17 =	sshrl.u32 @!p2 s17, $0x3  }
0x49: {  	s18 =	simm.s32 @!p2 $0x9180;
	s17 =	sadd.s32 @!p2 s1, s17  }
0x4a: {  	[tilespmem:s18], [sflag:$0x4] =	stream.linear.gather @!p2 [hbm4b:s17+s19], $0x3000, $0x38;
	[tilespmem:$0x1C180] =	vst v63  }
.LBB2_3:
0x4b: {  	p2 =	slt.s32 s15, $0xFFFFFEC1  }
.Ltmp4:
0x4c: {  	_ = 	snop;
	(pc) =	sbr.rel @p2 .LBB2_24-.Ltmp4, $1  }
0x4d: {  	_ =	sdelay $0x3  }
.LBB2_4:
.Ltmp5:
0x4e: {  	(pc) =	sbr.rel .LBB2_5-.Ltmp5, $4  }
0x4f: {  	s17 =	simm.s32 $0xFFFFFFFF  }
0x50: {  	v0 =	vimm.f32 $0.0e+00;
	v1 =	vimm.f32 $0.0e+00;
	s18 =	simm.s32 $0xFFFFFFFF;
	s17 =	simm.s32 @!p1 $0x0  }
0x51: {  	v2 =	vimm.f32 $0.0e+00;
	v3 =	vimm.f32 $0.0e+00;
	v4 =	vimm.f32 $0.0e+00;
	s19 =	smov.u32 s14;
	s20 =	simm.s32 $0xFFFFFFFF;
	s16 =	sadd.s32 s17, s16  }
0x52: {  	v5 =	vimm.f32 $0.0e+00;
	v6 =	vimm.f32 $0.0e+00;
	v7 =	vimm.f32 $0.0e+00;
	s21 =	simm.s32 $0x0;
	s17 =	simm.s32 $0x0;
	s16 =	sadd.s32 $0x140, s16  }
.LBB2_22:
0x53: {  	v4 =	vadd.f32 v9, v4  }
0x54: {  	v3 =	vadd.f32 v8, v3;
	v2 =	vadd.f32 v10, v2  }
0x55: {  	v1 =	vadd.f32 v11, v1;
	v7 =	vadd.f32 v12, v7  }
.LBB2_23:
0x56: {  	p1 =	sge.s32 s23, s24;
	p2 =	slt.s32 s17, s4  }
0x57: {  	p1 =	por !p2, !p1  }
0x58: {  	p1 =	por !p1, !p1  }
0x59: {  	s22 =	sshll.u32 @p1 s17, $0x9  }
0x5a: {  	s22 =	sshra.s32 @p1 s22, $0x2  }
0x5b: {  	[tilespmem:s22+$0x12180] =	vst @p1 v7  }
0x5c: {  	s21 =	sadd.s32 $0x1, s21;
	[tilespmem:s22+$0x12190] =	vst @p1 v6  }
0x5d: {  	p2 =	sne.s32 s21, s16;
	[tilespmem:s22+$0x121B0] =	vst @p1 v4  }
.Ltmp6:
0x5e: {  	[tilespmem:s22+$0x121C0] =	vst @p1 v3;
	(pc) =	sbr.rel @!p2 .LBB2_24-.Ltmp6, $4  }
0x5f: {  	[tilespmem:s22+$0x121E0] =	vst @p1 v1  }
0x60: {  	s24 =	simm.s32 $0x1;
	[tilespmem:s22+$0x121F0] =	vst @p1 v0;
	v0 =	vpsel p1, $0x0, v0;
	v1 =	vpsel p1, $0x0, v1  }
0x61: {  	s24 =	simm.s32 @!p1 $0x0;
	[tilespmem:s22+$0x121D0] =	vst @p1 v2;
	v2 =	vpsel p1, $0x0, v2;
	v3 =	vpsel p1, $0x0, v3;
	v4 =	vpsel p1, $0x0, v4  }
0x62: {  	s17 =	sadd.s32 s24, s17;
	[tilespmem:s22+$0x121A0] =	vst @p1 v5;
	v5 =	vpsel p1, $0x0, v5;
	v6 =	vpsel p1, $0x0, v6;
	v7 =	vpsel p1, $0x0, v7;
	s22 =	smov.u32 s23  }
.LBB2_5:
0x63: {  	p1 =	sge.s32 s22, s19;
	s23 =	simm.s32 $0x1  }
0x64: {  	s23 =	simm.s32 @!p1 $0x0  }
0x65: {  	p2 =	slt.s32 s22, s19;
	s20 =	sadd.s32 s23, s20  }
0x66: {  	p4 =	sge.s32 @!p2 s20, s15  }
0x67: {  	p2 =	por p2, p4  }
.Ltmp7:
0x68: {  	_ = 	snop;
	(pc) =	sbr.rel @p2 .LBB2_15-.Ltmp7, $4  }
0x69: {  	_ = 	snop  }
0x6a: {  	p3 =	seq.s32 s18, $0x2;
	s23 =	sadd.s32 $0x1, s18  }
0x6b: {  	s23 =	simm.s32 @p3 $0x0  }
0x6c: {  	s18 =	smov.u32 @p1 s23  }
0x6d: {  	p2 =	seq.s32 s18, $0x0  }
.Ltmp8:
0x6e: {  	_ = 	snop;
	(pc) =	sbr.rel @p2 .LBB2_7-.Ltmp8, $1  }
0x6f: {  	_ =	sdelay $0x3  }
0x70: {  	p2 =	seq.s32 s18, $0x2  }
.Ltmp9:
0x71: {  	_ = 	snop;
	(pc) =	sbr.rel @p2 .LBB2_11-.Ltmp9, $1  }
0x72: {  	_ =	sdelay $0x3  }
0x73: {  	p2 =	sne.s32 s18, $0x1  }
.Ltmp10:
0x74: {  	_ = 	snop;
	(pc) =	sbr.rel @p2 .LBB2_13-.Ltmp10, $1  }
0x75: {  	_ =	sdelay $0x3  }
.Ltmp11:
0x76: {  	(pc) =	sbr.rel .LBB2_12-.Ltmp11, $2  }
0x77: {  	_ =	sdelay $0x2  }
0x78: {  	s23 =	simm.s32 $0x4;
	s24 =	simm.s32 $0x3  }
.LBB2_11:
.Ltmp12:
0x79: {  	(pc) =	sbr.rel .LBB2_12-.Ltmp12, $2  }
0x7a: {  	_ =	sdelay $0x2  }
0x7b: {  	s23 =	simm.s32 $0x6;
	s24 =	simm.s32 $0x5  }
.LBB2_7:
0x7c: {  	s23 =	simm.s32 $0x2;
	s24 =	simm.s32 $0x1  }
.LBB2_12:
0x7d: {  	_ =	swait.ge [sflag:s24], $0x3000  }
0x7e: {  	[sflag:s24] =	ssyncset.done $0x0  }
0x7f: {  	[sflag:s24] =	ssyncadd.s32 $0xFFFFD000  }
0x80: {  	_ =	swait.ge [sflag:s23], $0x3000  }
0x81: {  	[sflag:s23] =	ssyncset.done $0x0  }
0x82: {  	[sflag:s23] =	ssyncadd.s32 $0xFFFFD000  }
.LBB2_13:
0x83: {  	s23 =	sadd.s32 $0x2, s20  }
0x84: {  	p2 =	sge.s32 s23, s15  }
.Ltmp13:
0x85: {  	_ = 	snop;
	(pc) =	sbr.rel @p2 .LBB2_15-.Ltmp13, $1  }
0x86: {  	_ =	sdelay $0x3  }
0x87: {  	s24 =	sadd.s32 $0x2, s18  }
0x88: {  	s25 =	smulhi.u32 $0x55555556, s24;
	s26 =	sshra.s32 s24, $0x1F  }
0x89: {  	s26 =	smul.u32 $0x55555556, s26;
	_ =	sdelay $0x1  }
0x8a: {  	s25 =	sadd.s32 s26, s25  }
0x8b: {  	s26 =	sshrl.u32 s25, $0x1F  }
0x8c: {  	s25 =	sadd.s32 s26, s25  }
0x8d: {  	s25 =	smul.u32 $0x3, s25  }
0x8e: {  	s23 =	smul.u32 $0xC0, s23  }
0x8f: {  	s24 =	ssub.s32 s24, s25  }
0x90: {  	s23 =	sadd.s32 s14, s23;
	p2 =	slt.s32 s24, $0x0;
	s25 =	sadd.s32 $0x3, s24  }
0x91: {  	p3 =	slt.s32 s23, $0x4E140;
	s24 =	smov.u32 @p2 s25  }
0x92: {  	s23 =	simm.s32 @!p3 $0x4E140;
	p2 =	seq.s32 s24, $0x2  }
0x93: {  	s25 =	sshll.u32 @p2 s23, $0x4  }
0x94: {  	s26 =	simm.s32 @p2 $0x0;
	s28 =	simm.s32 @p2 $0xC180;
	s25 =	sadd.s32 @p2 s1, s25  }
0x95: {  	[tilespmem:s28], [sflag:$0x5] =	stream.linear.gather @p2 [hbm4b:s25+s26], $0x3000, $0x38;
	[tilespmem:$0x1C180] =	vst v63  }
0x96: {  	s25 =	sshll.u32 @p2 s23, $0x7  }
0x97: {  	s25 =	sadd.s32 @p2 $0x3000, s25  }
0x98: {  	p3 =	seq.s32 @!p2 s24, $0x1;
	s25 =	sshrl.u32 @p2 s25, $0x3  }
0x99: {  	p4 =	por !p3, p2;
	s28 =	simm.s32 @p2 $0xF180;
	s25 =	sadd.s32 @p2 s1, s25  }
0x9a: {  	[tilespmem:s28], [sflag:$0x6] =	stream.linear.gather @p2 [hbm4b:s25+s26], $0x3000, $0x38;
	[tilespmem:$0x1C180] =	vst v63  }
0x9b: {  	s25 =	sshll.u32 @!p4 s23, $0x4  }
0x9c: {  	s26 =	simm.s32 @!p4 $0x0;
	s28 =	simm.s32 @!p4 $0x6180;
	s25 =	sadd.s32 @!p4 s1, s25  }
0x9d: {  	[tilespmem:s28], [sflag:$0x3] =	stream.linear.gather @!p4 [hbm4b:s25+s26], $0x3000, $0x38;
	[tilespmem:$0x1C180] =	vst v63  }
0x9e: {  	s25 =	sshll.u32 @!p4 s23, $0x7  }
0x9f: {  	s25 =	sadd.s32 @!p4 $0x3000, s25  }
0xa0: {  	s25 =	sshrl.u32 @!p4 s25, $0x3  }
0xa1: {  	s28 =	simm.s32 @!p4 $0x9180;
	s25 =	sadd.s32 @!p4 s1, s25  }
0xa2: {  	[tilespmem:s28], [sflag:$0x4] =	stream.linear.gather @!p4 [hbm4b:s25+s26], $0x3000, $0x38;
	[tilespmem:$0x1C180] =	vst v63  }
0xa3: {  	p4 =	por p3, p2  }
0xa4: {  	p4 =	sne.s32 @!p4 s24, $0x0  }
0xa5: {  	p3 =	por @!p2 p4, p3  }
0xa6: {  	p2 =	por p3, p2  }
0xa7: {  	s24 =	sshll.u32 @!p2 s23, $0x4;
	s25 =	simm.s32 @!p2 $0x0;
	s23 =	sshll.u32 @!p2 s23, $0x7  }
0xa8: {  	s26 =	simm.s32 @!p2 $0x180;
	s24 =	sadd.s32 @!p2 s1, s24;
	s23 =	sadd.s32 @!p2 $0x3000, s23  }
0xa9: {  	[tilespmem:s26], [sflag:$0x1] =	stream.linear.gather @!p2 [hbm4b:s24+s25], $0x3000, $0x38;
	[tilespmem:$0x1C180] =	vst v63  }
0xaa: {  	s23 =	sshrl.u32 @!p2 s23, $0x3  }
0xab: {  	s24 =	simm.s32 @!p2 $0x3180;
	s23 =	sadd.s32 @!p2 s1, s23  }
0xac: {  	[tilespmem:s24], [sflag:$0x2] =	stream.linear.gather @!p2 [hbm4b:s23+s25], $0x3000, $0x38;
	[tilespmem:$0x1C180] =	vst v63  }
.LBB2_15:
0xad: {  	v8 =	vld [tilespmem:s17+$0x1];
	_ =	sdelay $0x4  }
0xae: {  	(v2sf) =	vpush v8, $0x0;
	_ =	sdelay $0xc  }
0xaf: {  	s23 =	simm.s32 $0xC0  }
0xb0: {  	s23 =	simm.s32 @!p1 $0x0  }
0xb1: {  	s19 =	sadd.s32 s19, s23;
	s24 =	spop (v2sf)  }
0xb2: {  	s25 =	smov.u32 s19;
	p1 =	slt.s32 s24, s19  }
0xb3: {  	s25 =	smov.u32 @p1 s24  }
0xb4: {  	s23 =	smov.u32 s13;
	p1 =	slt.s32 s25, s13  }
0xb5: {  	s23 =	smov.u32 @p1 s25  }
0xb6: {  	s26 =	simm.s32 $0x1;
	s25 =	ssub.s32 s23, s22;
	p1 =	sne.s32 s23, s22  }
0xb7: {  	s28 =	sshra.s32 s25, $0x1F;
	s26 =	simm.s32 @!p1 $0x0  }
0xb8: {  	s29 =	sand.u32 $0x7, s25;
	s26 =	sor.u32 s26, s28  }
0xb9: {  	p2 =	sne.s32 s29, $0x0;
	p6 =	sne.s32 s26, $0x1  }
0xba: {  	s31 =	sshrl.u32 s28, $0x1D;
	p1 =	por !p2, !p6  }
0xbb: {  	s28 =	simm.s32 $0x1;
	s26 =	sadd.s32 s31, s25;
	p1 =	por !p1, !p1  }
0xbc: {  	s29 =	sshra.s32 s26, $0x3;
	s28 =	simm.s32 @!p1 $0x0  }
0xbd: {  	s29 =	ssub.s32 s29, s28  }
0xbe: {  	p2 =	slt.s32 s29, $0x1  }
.Ltmp14:
0xbf: {  	_ = 	snop;
	(pc) =	sbr.rel @p2 .LBB2_19-.Ltmp14, $4  }
0xc0: {  	_ = 	snop  }
0xc1: {  	s26 =	sadd.s32 $0xFFFFFF40, s19  }
0xc2: {  	p1 =	slt.s32 s26, $0x4E140  }
0xc3: {  	s26 =	simm.s32 @!p1 $0x4E140;
	s28 =	smul.u32 $0x18000, s18  }
0xc4: {  	s30 =	sshll.u32 s22, $0x9  }
0xc5: {  	s31 =	sshll.u32 s26, $0x9;
	s30 =	sadd.s32 s30, s28  }
0xc6: {  	s30 =	ssub.s32 s30, s31  }
0xc7: {  	s30 =	sshra.s32 s30, $0x2  }
0xc8: {  	s30 =	sadd.s32 $0x380, s30  }
0xc9: {  	v14 =	vld [tilespmem:s30+$0x180]  }
0xca: {  	v15 =	vld [tilespmem:s30+$0x190]  }
0xcb: {  	v16 =	vld [tilespmem:s30+$0x1A0]  }
0xcc: {  	v17 =	vld [tilespmem:s30+$0x1B0]  }
0xcd: {  	v8 =	vld [tilespmem:s30+$0x1C0]  }
0xce: {  	v9 =	vld [tilespmem:s30+$0x1D0]  }
0xcf: {  	v32 =	vld [tilespmem:s30+$0x100]  }
0xd0: {  	v33 =	vld [tilespmem:s30+$0x110]  }
0xd1: {  	v20 =	vld [tilespmem:s30+$0x120]  }
0xd2: {  	v21 =	vld [tilespmem:s30+$0x130]  }
0xd3: {  	v10 =	vld [tilespmem:s30+$0x140]  }
0xd4: {  	v11 =	vld [tilespmem:s30+$0x150]  }
0xd5: {  	v30 =	vld [tilespmem:s30+$0x80]  }
0xd6: {  	v31 =	vld [tilespmem:s30+$0x90]  }
0xd7: {  	v34 =	vld [tilespmem:s30+$0xA0]  }
0xd8: {  	v35 =	vld [tilespmem:s30+$0xB0]  }
0xd9: {  	v12 =	vld [tilespmem:s30+$0xC0]  }
0xda: {  	v13 =	vld [tilespmem:s30+$0xD0]  }
0xdb: {  	v28 =	vld [tilespmem:s30+$0x0]  }
0xdc: {  	v29 =	vld [tilespmem:s30+$0x10]  }
0xdd: {  	v36 =	vld [tilespmem:s30+$0x20]  }
0xde: {  	v37 =	vld [tilespmem:s30+$0x30]  }
0xdf: {  	v18 =	vld [tilespmem:s30+$0x40]  }
0xe0: {  	v19 =	vld [tilespmem:s30+$0x50]  }
0xe1: {  	v26 =	vld [tilespmem:s30+$0xFFFFFF80]  }
0xe2: {  	v27 =	vld [tilespmem:s30+$0xFFFFFF90]  }
0xe3: {  	v23 =	vld [tilespmem:s30+$0xFFFFFF00]  }
0xe4: {  	v24 =	vld [tilespmem:s30+$0xFFFFFF10]  }
0xe5: {  	v22 =	vld [tilespmem:s30+$0xFFFFFE80]  }
0xe6: {  	v25 =	vld [tilespmem:s30+$0xFFFFFE90]  }
0xe7: {  	v38 =	vld [tilespmem:s30+$0xFFFFFE00]  }
0xe8: {  	v39 =	vld [tilespmem:s30+$0xFFFFFE10]  }
0xe9: {  	v40 =	vld [tilespmem:s30+$0xFFFFFE20]  }
0xea: {  	v41 =	vld [tilespmem:s30+$0xFFFFFE30]  }
0xeb: {  	v42 =	vld [tilespmem:s30+$0xFFFFFEA0]  }
0xec: {  	v43 =	vld [tilespmem:s30+$0xFFFFFEB0]  }
0xed: {  	v44 =	vld [tilespmem:s30+$0xFFFFFF20]  }
0xee: {  	v59 =	vld [tilespmem:s30+$0xFFFFFF30];
	v7 =	vadd.f32 v38, v7;
	v6 =	vadd.f32 v39, v6  }
0xef: {  	v60 =	vld [tilespmem:s30+$0xFFFFFFA0];
	v5 =	vadd.f32 v40, v5;
	v4 =	vadd.f32 v41, v4  }
0xf0: {  	v61 =	vld [tilespmem:s30+$0xFFFFFFB0];
	v7 =	vadd.f32 v22, v7;
	v6 =	vadd.f32 v25, v6  }
0xf1: {  	v5 =	vadd.f32 v42, v5;
	v4 =	vadd.f32 v43, v4;
	v22 =	vld [tilespmem:s30+$0xFFFFFFC0]  }
0xf2: {  	v25 =	vld [tilespmem:s30+$0xFFFFFF50];
	v7 =	vadd.f32 v23, v7;
	v6 =	vadd.f32 v24, v6  }
0xf3: {  	v23 =	vld [tilespmem:s30+$0xFFFFFFD0];
	v5 =	vadd.f32 v44, v5;
	v4 =	vadd.f32 v59, v4  }
0xf4: {  	v24 =	vld [tilespmem:s30+$0xFFFFFF40];
	v7 =	vadd.f32 v26, v7;
	v6 =	vadd.f32 v27, v6  }
0xf5: {  	p1 =	sne.s32 s29, $0x1;
	v26 =	vld [tilespmem:s30+$0xFFFFFEC0];
	v5 =	vadd.f32 v60, v5;
	v4 =	vadd.f32 v61, v4  }
.Ltmp15:
0xf6: {  	v27 =	vld [tilespmem:s30+$0xFFFFFED0];
	v7 =	vadd.f32 v28, v7;
	v6 =	vadd.f32 v29, v6;
	(pc) =	sbr.rel @!p1 .LBB2_18-.Ltmp15, $4  }
0xf7: {  	v28 =	vld [tilespmem:s30+$0xFFFFFE40];
	v5 =	vadd.f32 v36, v5;
	v62 =	vadd.f32 v37, v4  }
0xf8: {  	v29 =	vld [tilespmem:s30+$0xFFFFFE50];
	v7 =	vadd.f32 v30, v7;
	v63 =	vadd.f32 v31, v6  }
0xf9: {  	v30 =	vld [tilespmem:s30+$0xFFFFFE60];
	v4 =	vadd.f32 v34, v5;
	v5 =	vadd.f32 v35, v62  }
0xfa: {  	s31 =	sadd.s32 $0xFFFFFFFF, s29;
	v31 =	vld [tilespmem:s30+$0xFFFFFE70];
	v6 =	vadd.f32 v32, v7;
	v32 =	vadd.f32 v33, v63  }
.LBB2_17:
0xfb: {  	p1 =	sne.s32 s31, $0x1;
	v33 =	vld [tilespmem:s30+$0xFFFFFEE0];
	v7 =	vadd.f32 v20, v4;
	v20 =	vadd.f32 v21, v5  }
0xfc: {  	v21 =	vld [tilespmem:s30+$0xFFFFFEF0];
	v4 =	vadd.f32 v14, v6;
	v5 =	vadd.f32 v15, v32  }
0xfd: {  	v14 =	vld [tilespmem:s30+$0xFFFFFF60];
	v6 =	vadd.f32 v16, v7;
	v7 =	vadd.f32 v17, v20  }
0xfe: {  	v3 =	vadd.f32 v28, v3;
	v2 =	vadd.f32 v29, v2;
	v15 =	vld [tilespmem:s30+$0xFFFFFF70]  }
0xff: {  	v1 =	vadd.f32 v30, v1;
	v0 =	vadd.f32 v31, v0;
	v16 =	vld [tilespmem:s30+$0xFFFFFFE0]  }
0x100: {  	v3 =	vadd.f32 v26, v3;
	v2 =	vadd.f32 v27, v2;
	v17 =	vld [tilespmem:s30+$0xFFFFFFF0]  }
0x101: {  	v1 =	vadd.f32 v33, v1;
	v0 =	vadd.f32 v21, v0;
	v20 =	vld [tilespmem:s30+$0x60]  }
0x102: {  	v3 =	vadd.f32 v24, v3;
	v2 =	vadd.f32 v25, v2;
	v21 =	vld [tilespmem:s30+$0x70]  }
0x103: {  	v1 =	vadd.f32 v14, v1;
	v0 =	vadd.f32 v15, v0;
	v15 =	vld [tilespmem:s30+$0xE0]  }
0x104: {  	v3 =	vadd.f32 v22, v3;
	v2 =	vadd.f32 v23, v2;
	v22 =	vld [tilespmem:s30+$0xF0]  }
0x105: {  	v1 =	vadd.f32 v16, v1;
	v0 =	vadd.f32 v17, v0;
	v17 =	vld [tilespmem:s30+$0x160]  }
0x106: {  	v3 =	vadd.f32 v18, v3;
	v2 =	vadd.f32 v19, v2;
	v18 =	vld [tilespmem:s30+$0x170]  }
0x107: {  	v1 =	vadd.f32 v20, v1;
	v0 =	vadd.f32 v21, v0;
	v19 =	vld [tilespmem:s30+$0x1E0]  }
0x108: {  	v3 =	vadd.f32 v12, v3;
	v2 =	vadd.f32 v13, v2;
	v12 =	vld [tilespmem:s30+$0x1F0];
	s30 =	sadd.s32 $0x400, s30  }
0x109: {  	v1 =	vadd.f32 v15, v1;
	v14 =	vld [tilespmem:s30+$0x180];
	v0 =	vadd.f32 v22, v0  }
0x10a: {  	v3 =	vadd.f32 v10, v3;
	v2 =	vadd.f32 v11, v2;
	v15 =	vld [tilespmem:s30+$0x190]  }
0x10b: {  	v1 =	vadd.f32 v17, v1;
	v16 =	vld [tilespmem:s30+$0x1A0];
	v0 =	vadd.f32 v18, v0  }
0x10c: {  	v3 =	vadd.f32 v8, v3;
	v2 =	vadd.f32 v9, v2;
	v17 =	vld [tilespmem:s30+$0x1B0]  }
0x10d: {  	v1 =	vadd.f32 v19, v1;
	v8 =	vld [tilespmem:s30+$0x1C0];
	v0 =	vadd.f32 v12, v0  }
0x10e: {  	v9 =	vld [tilespmem:s30+$0x1D0]  }
0x10f: {  	v32 =	vld [tilespmem:s30+$0x100]  }
0x110: {  	v33 =	vld [tilespmem:s30+$0x110]  }
0x111: {  	v20 =	vld [tilespmem:s30+$0x120]  }
0x112: {  	v21 =	vld [tilespmem:s30+$0x130]  }
0x113: {  	v10 =	vld [tilespmem:s30+$0x140]  }
0x114: {  	v11 =	vld [tilespmem:s30+$0x150]  }
0x115: {  	v30 =	vld [tilespmem:s30+$0x80]  }
0x116: {  	v31 =	vld [tilespmem:s30+$0x90]  }
0x117: {  	v34 =	vld [tilespmem:s30+$0xA0]  }
0x118: {  	v35 =	vld [tilespmem:s30+$0xB0]  }
0x119: {  	v12 =	vld [tilespmem:s30+$0xC0]  }
0x11a: {  	v13 =	vld [tilespmem:s30+$0xD0]  }
0x11b: {  	v28 =	vld [tilespmem:s30+$0x0]  }
0x11c: {  	v29 =	vld [tilespmem:s30+$0x10]  }
0x11d: {  	v36 =	vld [tilespmem:s30+$0x20]  }
0x11e: {  	v37 =	vld [tilespmem:s30+$0x30]  }
0x11f: {  	v18 =	vld [tilespmem:s30+$0x40]  }
0x120: {  	v19 =	vld [tilespmem:s30+$0x50]  }
0x121: {  	v26 =	vld [tilespmem:s30+$0xFFFFFF80]  }
0x122: {  	v27 =	vld [tilespmem:s30+$0xFFFFFF90]  }
0x123: {  	v23 =	vld [tilespmem:s30+$0xFFFFFF00]  }
0x124: {  	v24 =	vld [tilespmem:s30+$0xFFFFFF10]  }
0x125: {  	v22 =	vld [tilespmem:s30+$0xFFFFFE80]  }
0x126: {  	v25 =	vld [tilespmem:s30+$0xFFFFFE90]  }
0x127: {  	v38 =	vld [tilespmem:s30+$0xFFFFFE00]  }
0x128: {  	v39 =	vld [tilespmem:s30+$0xFFFFFE10]  }
0x129: {  	v40 =	vld [tilespmem:s30+$0xFFFFFE20]  }
0x12a: {  	v41 =	vld [tilespmem:s30+$0xFFFFFE30]  }
0x12b: {  	v42 =	vld [tilespmem:s30+$0xFFFFFEA0]  }
0x12c: {  	v43 =	vld [tilespmem:s30+$0xFFFFFEB0]  }
0x12d: {  	v44 =	vld [tilespmem:s30+$0xFFFFFF20]  }
0x12e: {  	v4 =	vadd.f32 v38, v4;
	v5 =	vadd.f32 v39, v5;
	v38 =	vld [tilespmem:s30+$0xFFFFFF30]  }
0x12f: {  	v6 =	vadd.f32 v40, v6;
	v7 =	vadd.f32 v41, v7;
	v39 =	vld [tilespmem:s30+$0xFFFFFFA0]  }
0x130: {  	v4 =	vadd.f32 v22, v4;
	v5 =	vadd.f32 v25, v5;
	v40 =	vld [tilespmem:s30+$0xFFFFFFB0]  }
0x131: {  	v6 =	vadd.f32 v42, v6;
	v7 =	vadd.f32 v43, v7;
	v22 =	vld [tilespmem:s30+$0xFFFFFFC0]  }
0x132: {  	v4 =	vadd.f32 v23, v4;
	v5 =	vadd.f32 v24, v5;
	v23 =	vld [tilespmem:s30+$0xFFFFFFD0]  }
0x133: {  	v6 =	vadd.f32 v44, v6;
	v7 =	vadd.f32 v38, v7;
	v24 =	vld [tilespmem:s30+$0xFFFFFF40]  }
0x134: {  	v4 =	vadd.f32 v26, v4;
	v5 =	vadd.f32 v27, v5;
	v25 =	vld [tilespmem:s30+$0xFFFFFF50]  }
0x135: {  	v6 =	vadd.f32 v39, v6;
	v26 =	vld [tilespmem:s30+$0xFFFFFEC0];
	v7 =	vadd.f32 v40, v7  }
.Ltmp16:
0x136: {  	v4 =	vadd.f32 v28, v4;
	v5 =	vadd.f32 v29, v5;
	v27 =	vld [tilespmem:s30+$0xFFFFFED0];
	(pc) =	sbr.rel @p1 .LBB2_17-.Ltmp16, $4  }
0x137: {  	v6 =	vadd.f32 v36, v6;
	v28 =	vld [tilespmem:s30+$0xFFFFFE40];
	v7 =	vadd.f32 v37, v7  }
0x138: {  	v36 =	vadd.f32 v30, v4;
	v37 =	vadd.f32 v31, v5;
	v29 =	vld [tilespmem:s30+$0xFFFFFE50]  }
0x139: {  	v4 =	vadd.f32 v34, v6;
	v30 =	vld [tilespmem:s30+$0xFFFFFE60];
	v5 =	vadd.f32 v35, v7  }
0x13a: {  	s31 =	sadd.s32 $0xFFFFFFFF, s31;
	v6 =	vadd.f32 v32, v36;
	v32 =	vadd.f32 v33, v37;
	v31 =	vld [tilespmem:s30+$0xFFFFFE70]  }
.LBB2_18:
0x13b: {  	v33 =	vld [tilespmem:s30+$0xFFFFFEE0];
	v4 =	vadd.f32 v20, v4;
	v50 =	vadd.f32 v21, v5  }
0x13c: {  	v51 =	vld [tilespmem:s30+$0xFFFFFEF0];
	v7 =	vadd.f32 v14, v6;
	v6 =	vadd.f32 v15, v32  }
0x13d: {  	v52 =	vld [tilespmem:s30+$0xFFFFFF60];
	v3 =	vadd.f32 v28, v3;
	v5 =	vadd.f32 v16, v4  }
0x13e: {  	v53 =	vld [tilespmem:s30+$0xFFFFFF70];
	v4 =	vadd.f32 v17, v50;
	v2 =	vadd.f32 v29, v2  }
0x13f: {  	v54 =	vld [tilespmem:s30+$0xFFFFFFE0];
	v1 =	vadd.f32 v30, v1;
	v0 =	vadd.f32 v31, v0  }
0x140: {  	v55 =	vld [tilespmem:s30+$0xFFFFFFF0];
	v3 =	vadd.f32 v26, v3;
	v2 =	vadd.f32 v27, v2  }
0x141: {  	v56 =	vld [tilespmem:s30+$0x60];
	v1 =	vadd.f32 v33, v1;
	v0 =	vadd.f32 v51, v0  }
0x142: {  	v57 =	vld [tilespmem:s30+$0x70];
	v3 =	vadd.f32 v24, v3;
	v2 =	vadd.f32 v25, v2  }
0x143: {  	v58 =	vld [tilespmem:s30+$0xE0];
	v1 =	vadd.f32 v52, v1;
	v0 =	vadd.f32 v53, v0  }
0x144: {  	v59 =	vld [tilespmem:s30+$0xF0];
	v3 =	vadd.f32 v22, v3;
	v2 =	vadd.f32 v23, v2  }
0x145: {  	v60 =	vld [tilespmem:s30+$0x160];
	v1 =	vadd.f32 v54, v1;
	v0 =	vadd.f32 v55, v0  }
0x146: {  	v61 =	vld [tilespmem:s30+$0x170];
	v3 =	vadd.f32 v18, v3;
	v2 =	vadd.f32 v19, v2  }
0x147: {  	v62 =	vld [tilespmem:s30+$0x1E0];
	v1 =	vadd.f32 v56, v1;
	v0 =	vadd.f32 v57, v0  }
0x148: {  	v63 =	vld [tilespmem:s30+$0x1F0];
	v3 =	vadd.f32 v12, v3;
	v2 =	vadd.f32 v13, v2  }
0x149: {  	v1 =	vadd.f32 v58, v1;
	v0 =	vadd.f32 v59, v0  }
0x14a: {  	v3 =	vadd.f32 v10, v3;
	v2 =	vadd.f32 v11, v2  }
0x14b: {  	v1 =	vadd.f32 v60, v1;
	v0 =	vadd.f32 v61, v0  }
0x14c: {  	v3 =	vadd.f32 v8, v3;
	v2 =	vadd.f32 v9, v2  }
0x14d: {  	v1 =	vadd.f32 v62, v1;
	v0 =	vadd.f32 v63, v0  }
.LBB2_19:
0x14e: {  	s29 =	sshll.u32 s29, $0x3  }
0x14f: {  	p1 =	sge.s32 s29, s25  }
.Ltmp17:
0x150: {  	_ = 	snop;
	(pc) =	sbr.rel @p1 .LBB2_23-.Ltmp17, $1  }
0x151: {  	_ =	sdelay $0x3  }
0x152: {  	s22 =	sadd.s32 s29, s22  }
0x153: {  	s22 =	ssub.s32 s22, s26  }
0x154: {  	s22 =	sshll.u32 s22, $0x9  }
0x155: {  	s22 =	sadd.s32 s22, s28  }
0x156: {  	s22 =	sshra.s32 s22, $0x2  }
0x157: {  	s31 =	sadd.s32 $0x1C0, s22  }
0x158: {  	v11 =	vld [tilespmem:s31+$0x30]  }
0x159: {  	v12 =	vld [tilespmem:s31+$0xFFFFFFD0]  }
0x15a: {  	v13 =	vld [tilespmem:s31+$0xFFFFFFE0]  }
0x15b: {  	s22 =	sadd.s32 $0x1, s29;
	v9 =	vld [tilespmem:s31+$0xFFFFFFF0]  }
0x15c: {  	v8 =	vld [tilespmem:s31+$0x0];
	p1 =	slt.s32 s22, s25  }
.Ltmp18:
0x15d: {  	v10 =	vld [tilespmem:s31+$0x10];
	(pc) =	sbr.rel @!p1 .LBB2_22-.Ltmp18, $3  }
0x15e: {  	v0 =	vadd.f32 v11, v0;
	v11 =	vld [tilespmem:s31+$0x20]  }
0x15f: {  	v6 =	vadd.f32 v12, v6;
	v12 =	vld [tilespmem:s31+$0xFFFFFFC0];
	_ =	sdelay $0x1  }
0x160: {  	s26 =	sadd.s32 $0x80, s31;
	v5 =	vadd.f32 v13, v5  }
.LBB2_21:
0x161: {  	v13 =	vld [tilespmem:s26+$0x30];
	s22 =	sadd.s32 $0x1, s22;
	v4 =	vadd.f32 v9, v4  }
0x162: {  	v3 =	vadd.f32 v8, v3;
	v14 =	vld [tilespmem:s26+$0xFFFFFFD0];
	p1 =	slt.s32 s22, s25  }
0x163: {  	v2 =	vadd.f32 v10, v2;
	v15 =	vld [tilespmem:s26+$0xFFFFFFE0]  }
.Ltmp19:
0x164: {  	v1 =	vadd.f32 v11, v1;
	v9 =	vld [tilespmem:s26+$0xFFFFFFF0];
	(pc) =	sbr.rel @p1 .LBB2_21-.Ltmp19, $4  }
0x165: {  	v7 =	vadd.f32 v12, v7;
	v8 =	vld [tilespmem:s26+$0x0]  }
0x166: {  	v10 =	vld [tilespmem:s26+$0x10];
	v0 =	vadd.f32 v13, v0  }
0x167: {  	v6 =	vadd.f32 v14, v6;
	v11 =	vld [tilespmem:s26+$0x20]  }
0x168: {  	v12 =	vld [tilespmem:s26+$0xFFFFFFC0];
	v5 =	vadd.f32 v15, v5;
	s26 =	sadd.s32 $0x80, s26  }
.Ltmp20:
0x169: {  	_ = 	snop;
	(pc) =	sbr.rel .LBB2_22-.Ltmp20, $1  }
0x16a: {  	_ =	sdelay $0x3  }
.LBB2_25:
0x16b: {  	_ =	sfence.sel $0x180000  }
0x16c: {  	[bflag:$0x0] =	sbarrier.arrive $0xFFFF  }
0x16d: {  	p0 =	sne.s32 s0, $0x0;
	_ =	strace $0x90000047  }
0x16e: {  	s0 =	sadd.s32 @!p0 $0x100000, s2;
	[bflag:$0x2] =	sbarrier.arrive $0xFFFF  }
0x16f: {  	[sflag:s0] =	ssyncadd.tile.s32 @!p0 $0x1;
	_ =	shalt  }
.Lfunc_end2:
_tile_overlayer_lowered:
.L_overlay_start_2:
0x170: {  	(tag) =	ssettag $0x2  }
0x171: {  	s0 =	rddreg [dreg:$0x0];
	s2 =	stileid.u32  }
0x172: {  	s1 =	rddreg [dreg:$0x1];
	p0 =	sne.s32 s2, $0x0  }
0x173: {  	s3 =	rddreg [dreg:$0x2];
	[bflag:$0x3] =	sbarrier.arrive $0xFFFF;
	s2 =	simm.s32 @!p0 $0x1C07  }
0x174: {  	[timem:s3], [sflag:s2] =	dma.local @!p0 [hbm:s0], s1  }
0x175: {  	s0 =	simm.s32 @!p0 $0x7  }
0x176: {  	_ =	swait.ge @!p0 [sflag:s0], s1  }
0x177: {  	s1 =	ssub.s32 @!p0 $0x0, s1;
	[sflag:s0] =	ssyncset.done @!p0 $0x0  }
0x178: {  	[sflag:s0] =	ssyncadd.s32 @!p0 s1  }
0x179: {  	[bflag:$0x3] =	sbarrier.arrive $0xFFFF  }
0x17a: {  	_ =	shalt  }

</sc_bundles>
